<compile_context>
chip_gen: v7x
topology: tpu7x:2x2x1
jax: 0.10.2.dev20260603
libtpu: 0.0.44.dev20260713+nightly
codegen_flags: <defaults>
</compile_context>

<pallas_src>
import functools

import jax
import jax.numpy as jnp
from jax import lax
from jax.experimental import pallas as pl
from jax.experimental.pallas import tpu as pltpu
from jax.experimental.pallas import tpu_sc as plsc

N = 1_600_000
B = 32
K = 64
NSEG = B * K
ROW = 2 * NSEG
NW = 32
ROWS_PER_W = N // NW
CHUNK = 10000
NCHUNK = ROWS_PER_W // CHUNK
VPC = CHUNK // 16
LSTRIDE = NSEG

PBLK = 131072
PGRID = -(-N // PBLK)


def _prepass(reco_ref, inp_ref, cl_ref, sq_ref, seg_ref):
    d = reco_ref[...] - inp_ref[4:5, :]
    seg = cl_ref[3:4, :] * K + cl_ref[4:5, :]
    sq_ref[...] = jnp.reshape(d * d, (PBLK,))
    seg_ref[...] = jnp.reshape(seg, (PBLK,))


_mesh = plsc.VectorSubcoreMesh(core_axis_name="c", subcore_axis_name="s")


@functools.partial(
    pl.kernel,
    mesh=_mesh,
    out_type=jax.ShapeDtypeStruct((NW, ROW), jnp.float32),
    compiler_params=pltpu.CompilerParams(needs_layout_passes=False),
    scratch_types=[
        pltpu.VMEM((CHUNK + 32,), jnp.float32),
        pltpu.VMEM((CHUNK + 32,), jnp.float32),
        pltpu.VMEM((CHUNK + 32,), jnp.int32),
        pltpu.VMEM((CHUNK + 32,), jnp.int32),
        pltpu.VMEM((16 * LSTRIDE,), jnp.float32),
        pltpu.VMEM((16 * LSTRIDE,), jnp.float32),
        pltpu.SemaphoreType.DMA,
        pltpu.SemaphoreType.DMA,
    ],
)
def _seg_reduce(sq_h, seg_h, out_h, sq_v0, sq_v1, seg_v0, seg_v1,
                acc_s, acc_c, sem0, sem1):
    c = lax.axis_index("c")
    s = lax.axis_index("s")
    wid = c * 16 + s
    base = wid * ROWS_PER_W

    zeros = jnp.zeros((16,), jnp.float32)
    ones = jnp.ones((16,), jnp.float32)
    lane = lax.iota(jnp.int32, 16)
    lane_base = lane * LSTRIDE
    sems = (sem0, sem1)
    sq_bufs = (sq_v0, sq_v1)
    seg_bufs = (seg_v0, seg_v1)

    def start(ch):
        b = ch % 2
        r0 = base + ch * CHUNK
        h1 = pltpu.async_copy(
            sq_h.at[pl.ds(r0, CHUNK)], sq_bufs[b].at[pl.ds(0, CHUNK)], sems[b])
        h2 = pltpu.async_copy(
            seg_h.at[pl.ds(r0, CHUNK)], seg_bufs[b].at[pl.ds(0, CHUNK)], sems[b])
        return h1, h2

    hs = start(0)

    def zbody(i, carry):
        p = pl.multiple_of(i * 16, 16)
        acc_s[pl.ds(p, 16)] = zeros
        acc_c[pl.ds(p, 16)] = zeros
        return carry

    lax.fori_loop(0, 16 * LSTRIDE // 16, zbody, 0)

    U = 25
    for ch in range(NCHUNK):
        h1, h2 = hs
        h1.wait()
        h2.wait()
        if ch + 1 < NCHUNK:
            hs = start(ch + 1)
        sq_v = sq_bufs[ch % 2]
        seg_v = seg_bufs[ch % 2]

        def ld(p):
            p = pl.multiple_of(p, 16)
            return sq_v[pl.ds(p, 16)], seg_v[pl.ds(p, 16)]

        car0 = ld(0) + ld(16)

        def vbody(i, carry2):
            sq_a, seg_a, sq_b, seg_b = carry2
            for u in range(U):
                p2 = pl.multiple_of(i * (16 * U) + (u + 2) * 16, 16)
                sq_n = sq_v[pl.ds(p2, 16)]
                seg_n = seg_v[pl.ds(p2, 16)]
                idx = lane_base + seg_a
                plsc.addupdate_scatter(acc_s, [idx], sq_a)
                plsc.addupdate_scatter(acc_c, [idx], ones)
                sq_a, seg_a = sq_b, seg_b
                sq_b, seg_b = sq_n, seg_n
            return sq_a, seg_a, sq_b, seg_b

        lax.fori_loop(0, VPC // U, vbody, car0)

    def rbody(j, carry):
        p = pl.multiple_of(j * 16, 16)
        for acc in (acc_s, acc_c):
            v = [acc[pl.ds(l * LSTRIDE + p, 16)] for l in range(16)]
            while len(v) > 1:
                v = [a + b for a, b in zip(v[::2], v[1::2])]
            acc[pl.ds(p, 16)] = v[0]
        return carry

    lax.fori_loop(0, NSEG // 16, rbody, 0)

    pltpu.sync_copy(acc_s.at[pl.ds(0, NSEG)], out_h.at[wid, pl.ds(0, NSEG)])
    pltpu.sync_copy(acc_c.at[pl.ds(0, NSEG)], out_h.at[wid, pl.ds(NSEG, NSEG)])


def _epilogue(p_ref, o_ref):
    p = p_ref[...]
    s = jnp.sum(p[:, :NSEG], axis=0, keepdims=True)
    cnt = jnp.sum(p[:, NSEG:], axis=0, keepdims=True)
    pres = cnt > 0.0
    mse = jnp.where(pres, s / jnp.maximum(cnt, 1.0), 0.0)
    a = (lax.broadcasted_iota(jnp.int32, (NSEG, B), 0) // K
         == lax.broadcasted_iota(jnp.int32, (NSEG, B), 1)
         ).astype(jnp.float32)
    bsum = jnp.dot(mse, a, preferred_element_type=jnp.float32,
                   precision=lax.Precision.HIGHEST)
    ncl = jnp.dot(pres.astype(jnp.float32), a,
                  preferred_element_type=jnp.float32,
                  precision=lax.Precision.HIGHEST)
    bl = bsum / jnp.maximum(ncl, 1.0)
    bp = ncl > 0.0
    loss = jnp.sum(jnp.where(bp, bl, 0.0)) / jnp.maximum(
        jnp.sum(bp.astype(jnp.float32)), 1.0)
    o_ref[...] = jnp.full((1, 1), loss, jnp.float32)


def kernel(reco, input_data0, cluster_label0):
    sq, seg = pl.pallas_call(
        _prepass,
        grid=(PGRID,),
        in_specs=[
            pl.BlockSpec((1, PBLK), lambda i: (0, i)),
            pl.BlockSpec((5, PBLK), lambda i: (0, i)),
            pl.BlockSpec((6, PBLK), lambda i: (0, i)),
        ],
        out_specs=[
            pl.BlockSpec((PBLK,), lambda i: (i,)),
            pl.BlockSpec((PBLK,), lambda i: (i,)),
        ],
        out_shape=[
            jax.ShapeDtypeStruct((N,), jnp.float32),
            jax.ShapeDtypeStruct((N,), jnp.int32),
        ],
    )(reco.T, input_data0.T, cluster_label0.T)

    parts = _seg_reduce(sq, seg)

    loss2d = pl.pallas_call(
        _epilogue,
        out_shape=jax.ShapeDtypeStruct((1, 1), jnp.float32),
    )(parts)
    return loss2d[0, 0]

# --- scband reference (transcript-rebuilt; emitter-appended) ---
"""Pipeline reference for scband-auto-encoder-loss-76063870812699 (READ-ONLY COPY).

The authoritative reference and input builder live on the scoring server;
editing this copy changes nothing except your own understanding.
"""

import jax, jax.numpy as jnp
import numpy as np

N = 1_600_000
B = 32   # number of distinct batch indices (column 3)
K = 64   # number of distinct cluster labels (column -2)


def setup_inputs(seed: int = 0) -> dict:
    key = jax.random.key(seed)
    k1, k2, k3, k4, k5 = jax.random.split(key, 5)
    reco = jax.random.normal(k1, (N, 1), dtype=jnp.float32)
    input_data0 = jax.random.normal(k2, (N, 5), dtype=jnp.float32)
    bidx = jax.random.randint(k3, (N,), 0, B)
    cidx = jax.random.randint(k4, (N,), 0, K)
    other = jax.random.randint(k5, (N, 4), 0, 100)
    # columns: [o0, o1, o2, batch_index(col 3), cluster_label(col -2), o3]
    cluster_label0 = jnp.concatenate(
        [other[:, :3], bidx[:, None], cidx[:, None], other[:, 3:4]], axis=1
    ).astype(jnp.int32)
    return {"reco": reco, "input_data0": input_data0, "cluster_label0": cluster_label0}


def reference(reco, input_data0, cluster_label0):
    # target = input_data[0][:, -1].view(-1, 1).float()
    target = input_data0[:, -1].reshape(-1, 1).astype(jnp.float32)
    clabel = cluster_label0[:, -2]
    bidx = cluster_label0[:, 3]

    # Vectorized form of the nested python loop:
    # per (batch, cluster) segment MSE, mean over present clusters per batch,
    # mean over present batches.
    seg = bidx * K + clabel
    sq = jnp.sum((reco - target) ** 2, axis=1)  # per-point squared error (last dim = 1)
    seg_sum = jax.ops.segment_sum(sq, seg, num_segments=B * K)
    seg_cnt = jax.ops.segment_sum(jnp.ones_like(sq), seg, num_segments=B * K)
    present = seg_cnt > 0
    seg_mse = jnp.where(present, seg_sum / jnp.maximum(seg_cnt, 1.0), 0.0)

    seg_mse2 = seg_mse.reshape(B, K)
    pres2 = present.reshape(B, K)
    n_clusters = jnp.sum(pres2.astype(jnp.float32), axis=1)
    batch_loss = jnp.sum(seg_mse2, axis=1) / jnp.maximum(n_clusters, 1.0)
    batch_present = n_clusters > 0
    loss = jnp.sum(jnp.where(batch_present, batch_loss, 0.0)) / jnp.maximum(
        jnp.sum(batch_present.astype(jnp.float32)), 1.0
    )
    return loss

if __name__ == "__main__":
    import jax
    _d = setup_inputs()
    print(jax.jit(kernel)(*tuple(_d.values())))

</pallas_src>

<mosaic_0001>
#map = affine_map<(d0, d1) -> (0)>
#map1 = affine_map<(d0, d1) -> (0, 0)>
module attributes {stable_mosaic.version = 14 : i64} {
  func.func @_seg_reduce(%arg0: i32, %arg1: i32, %arg2: memref<1600000xf32, #tpu.memory_space<hbm>>, %arg3: memref<1600000xi32, #tpu.memory_space<hbm>>, %arg4: memref<32x4096xf32, #tpu.memory_space<hbm>>, %arg5: memref<10032xf32, #tpu.memory_space<vmem>>, %arg6: memref<10032xf32, #tpu.memory_space<vmem>>, %arg7: memref<10032xi32, #tpu.memory_space<vmem>>, %arg8: memref<10032xi32, #tpu.memory_space<vmem>>, %arg9: memref<32768xf32, #tpu.memory_space<vmem>>, %arg10: memref<32768xf32, #tpu.memory_space<vmem>>, %arg11: memref<!tpu.dma_semaphore, #tpu.memory_space<semaphore_mem>>, %arg12: memref<!tpu.dma_semaphore, #tpu.memory_space<semaphore_mem>>) attributes {dimension_semantics = [#tpu.dimension_semantics<core_parallel>, #tpu.dimension_semantics<subcore_parallel>], iteration_bounds = array<i64: 2, 16>, scalar_prefetch = 0 : i64, scratch_operands = 8 : i64, tpu.core_type = #tpu.core_type<sc_vector_subcore>, window_params = [{transform_indices = #map}, {transform_indices = #map}, {transform_indices = #map1}]} {
    %mul3A = arith.constant 16 : i32
    %mul3A_0 = arith.muli %arg0, %mul3A : i32
    %add3A = arith.addi %mul3A_0, %arg1 : i32
    %mul3A_1 = arith.constant 50000 : i32
    %mul3A_2 = arith.muli %add3A, %mul3A_1 : i32
    %broadcast_in_dim3A = arith.constant 0.000000e+00 : f32
    %broadcast_in_dim3A_3 = vector.broadcast %broadcast_in_dim3A : f32 to vector<16xf32>
    %broadcast_in_dim3A_4 = arith.constant 1.000000e+00 : f32
    %broadcast_in_dim3A_5 = vector.broadcast %broadcast_in_dim3A_4 : f32 to vector<16xf32>
    %iota3A = tpu.iota {dimensions = array<i32: 0>} : vector<16xi32>
    %mul3A_6 = arith.constant 2048 : i32
    %mul3A_7 = vector.broadcast %mul3A_6 : i32 to vector<16xi32>
    %mul3A_8 = arith.muli %iota3A, %mul3A_7 : vector<16xi32>
    %add3A_9 = arith.constant 0 : i32
    %add3A_10 = arith.addi %mul3A_2, %add3A_9 : i32
    %dma_start3A = arith.constant 0 : i32
    %dma_start3A_11 = tpu.memref_slice %arg5[%dma_start3A] : memref<10032xf32, #tpu.memory_space<vmem>> -> memref<10000xf32, #tpu.memory_space<vmem>>
    %dma_start3A_12 = tpu.memref_slice %arg2[%add3A_10] : memref<1600000xf32, #tpu.memory_space<hbm>> -> memref<10000xf32, #tpu.memory_space<hbm>>
    %dma_start3A_13 = arith.constant 0 : i32
    %dma_start3A_14 = tpu.memref_slice %arg5[%dma_start3A_13] : memref<10032xf32, #tpu.memory_space<vmem>> -> memref<10000xf32, #tpu.memory_space<vmem>>
    %dma_start3A_15 = tpu.memref_slice %arg2[%add3A_10] : memref<1600000xf32, #tpu.memory_space<hbm>> -> memref<10000xf32, #tpu.memory_space<hbm>>
    tpu.enqueue_dma source(%dma_start3A_15 : memref<10000xf32, #tpu.memory_space<hbm>>) target(%dma_start3A_14 : memref<10000xf32, #tpu.memory_space<vmem>>) target_semaphore(%arg11 : memref<!tpu.dma_semaphore, #tpu.memory_space<semaphore_mem>>)
    %dma_start3A_16 = arith.constant 0 : i32
    %dma_start3A_17 = tpu.memref_slice %arg7[%dma_start3A_16] : memref<10032xi32, #tpu.memory_space<vmem>> -> memref<10000xi32, #tpu.memory_space<vmem>>
    %dma_start3A_18 = tpu.memref_slice %arg3[%add3A_10] : memref<1600000xi32, #tpu.memory_space<hbm>> -> memref<10000xi32, #tpu.memory_space<hbm>>
    %dma_start3A_19 = arith.constant 0 : i32
    %dma_start3A_20 = tpu.memref_slice %arg7[%dma_start3A_19] : memref<10032xi32, #tpu.memory_space<vmem>> -> memref<10000xi32, #tpu.memory_space<vmem>>
    %dma_start3A_21 = tpu.memref_slice %arg3[%add3A_10] : memref<1600000xi32, #tpu.memory_space<hbm>> -> memref<10000xi32, #tpu.memory_space<hbm>>
    tpu.enqueue_dma source(%dma_start3A_21 : memref<10000xi32, #tpu.memory_space<hbm>>) target(%dma_start3A_20 : memref<10000xi32, #tpu.memory_space<vmem>>) target_semaphore(%arg11 : memref<!tpu.dma_semaphore, #tpu.memory_space<semaphore_mem>>)
    %scan3A = arith.constant 0 : i32
    %scan3A_22 = arith.constant 0 : i32
    %scan3A_23 = arith.constant 2048 : i32
    %scan3A_24 = arith.addi %scan3A_22, %scan3A_23 : i32
    %scan3A_25 = arith.constant 1 : i32
    scf.for %scan3A_236 = %scan3A_22 to %scan3A_24 step %scan3A_25  : i32 {
      %mul3A_237 = arith.constant 16 : i32
      %mul3A_238 = arith.muli %scan3A_236, %mul3A_237 : i32
      %multiple_of3A_239 = tpu.assume_multiple %mul3A_238, 16 : i32
      %swap3A = arith.index_cast %multiple_of3A_239 : i32 to index
      %swap3A_240 = tpu.vector_load %arg9[%swap3A] {strides = array<i32>} : memref<32768xf32, #tpu.memory_space<vmem>>, vector<16xf32>,
      tpu.vector_store %arg9[%swap3A], %broadcast_in_dim3A_3 {strides = array<i32>} : memref<32768xf32, #tpu.memory_space<vmem>>, vector<16xf32>,
      %swap3A_241 = arith.index_cast %multiple_of3A_239 : i32 to index
      %swap3A_242 = tpu.vector_load %arg10[%swap3A_241] {strides = array<i32>} : memref<32768xf32, #tpu.memory_space<vmem>>, vector<16xf32>,
      tpu.vector_store %arg10[%swap3A_241], %broadcast_in_dim3A_3 {strides = array<i32>} : memref<32768xf32, #tpu.memory_space<vmem>>, vector<16xf32>,
    }
    %scan3A_26 = arith.constant 2048 : i32
    %dma_wait3A = arith.constant 0 : i32
    %dma_wait3A_27 = tpu.memref_slice %arg5[%dma_wait3A] : memref<10032xf32, #tpu.memory_space<vmem>> -> memref<10000xf32, #tpu.memory_space<vmem>>
    %dma_wait3A_28 = tpu.memref_slice %arg2[%add3A_10] : memref<1600000xf32, #tpu.memory_space<hbm>> -> memref<10000xf32, #tpu.memory_space<hbm>>
    %dma_wait3A_29 = arith.constant 0 : i32
    %dma_wait3A_30 = tpu.memref_slice %arg5[%dma_wait3A_29] : memref<10032xf32, #tpu.memory_space<vmem>> -> memref<10000xf32, #tpu.memory_space<vmem>>
    %dma_wait3A_31 = tpu.memref_slice %arg2[%add3A_10] : memref<1600000xf32, #tpu.memory_space<hbm>> -> memref<10000xf32, #tpu.memory_space<hbm>>
    tpu.wait_dma2 semaphore(%arg11 : memref<!tpu.dma_semaphore, #tpu.memory_space<semaphore_mem>>) src(%dma_wait3A_31 : memref<10000xf32, #tpu.memory_space<hbm>>) dst(%dma_wait3A_30 : memref<10000xf32, #tpu.memory_space<vmem>>)
    %dma_wait3A_32 = arith.constant 0 : i32
    %dma_wait3A_33 = tpu.memref_slice %arg7[%dma_wait3A_32] : memref<10032xi32, #tpu.memory_space<vmem>> -> memref<10000xi32, #tpu.memory_space<vmem>>
    %dma_wait3A_34 = tpu.memref_slice %arg3[%add3A_10] : memref<1600000xi32, #tpu.memory_space<hbm>> -> memref<10000xi32, #tpu.memory_space<hbm>>
    %dma_wait3A_35 = arith.constant 0 : i32
    %dma_wait3A_36 = tpu.memref_slice %arg7[%dma_wait3A_35] : memref<10032xi32, #tpu.memory_space<vmem>> -> memref<10000xi32, #tpu.memory_space<vmem>>
    %dma_wait3A_37 = tpu.memref_slice %arg3[%add3A_10] : memref<1600000xi32, #tpu.memory_space<hbm>> -> memref<10000xi32, #tpu.memory_space<hbm>>
    tpu.wait_dma2 semaphore(%arg11 : memref<!tpu.dma_semaphore, #tpu.memory_space<semaphore_mem>>) src(%dma_wait3A_37 : memref<10000xi32, #tpu.memory_space<hbm>>) dst(%dma_wait3A_36 : memref<10000xi32, #tpu.memory_space<vmem>>)
    %add3A_38 = arith.constant 10000 : i32
    %add3A_39 = arith.addi %mul3A_2, %add3A_38 : i32
    %dma_start3A_40 = arith.constant 0 : i32
    %dma_start3A_41 = tpu.memref_slice %arg6[%dma_start3A_40] : memref<10032xf32, #tpu.memory_space<vmem>> -> memref<10000xf32, #tpu.memory_space<vmem>>
    %dma_start3A_42 = tpu.memref_slice %arg2[%add3A_39] : memref<1600000xf32, #tpu.memory_space<hbm>> -> memref<10000xf32, #tpu.memory_space<hbm>>
    %dma_start3A_43 = arith.constant 0 : i32
    %dma_start3A_44 = tpu.memref_slice %arg6[%dma_start3A_43] : memref<10032xf32, #tpu.memory_space<vmem>> -> memref<10000xf32, #tpu.memory_space<vmem>>
    %dma_start3A_45 = tpu.memref_slice %arg2[%add3A_39] : memref<1600000xf32, #tpu.memory_space<hbm>> -> memref<10000xf32, #tpu.memory_space<hbm>>
    tpu.enqueue_dma source(%dma_start3A_45 : memref<10000xf32, #tpu.memory_space<hbm>>) target(%dma_start3A_44 : memref<10000xf32, #tpu.memory_space<vmem>>) target_semaphore(%arg12 : memref<!tpu.dma_semaphore, #tpu.memory_space<semaphore_mem>>)
    %dma_start3A_46 = arith.constant 0 : i32
    %dma_start3A_47 = tpu.memref_slice %arg8[%dma_start3A_46] : memref<10032xi32, #tpu.memory_space<vmem>> -> memref<10000xi32, #tpu.memory_space<vmem>>
    %dma_start3A_48 = tpu.memref_slice %arg3[%add3A_39] : memref<1600000xi32, #tpu.memory_space<hbm>> -> memref<10000xi32, #tpu.memory_space<hbm>>
    %dma_start3A_49 = arith.constant 0 : i32
    %dma_start3A_50 = tpu.memref_slice %arg8[%dma_start3A_49] : memref<10032xi32, #tpu.memory_space<vmem>> -> memref<10000xi32, #tpu.memory_space<vmem>>
    %dma_start3A_51 = tpu.memref_slice %arg3[%add3A_39] : memref<1600000xi32, #tpu.memory_space<hbm>> -> memref<10000xi32, #tpu.memory_space<hbm>>
    tpu.enqueue_dma source(%dma_start3A_51 : memref<10000xi32, #tpu.memory_space<hbm>>) target(%dma_start3A_50 : memref<10000xi32, #tpu.memory_space<vmem>>) target_semaphore(%arg12 : memref<!tpu.dma_semaphore, #tpu.memory_space<semaphore_mem>>)
    %multiple_of3A = arith.constant 0 : i32
    %multiple_of3A_52 = tpu.assume_multiple %multiple_of3A, 16 : i32
    %get3A = arith.index_cast %multiple_of3A_52 : i32 to index
    %get3A_53 = tpu.vector_load %arg5[%get3A] {strides = array<i32>} : memref<10032xf32, #tpu.memory_space<vmem>>, vector<16xf32>,
    %get3A_54 = arith.index_cast %multiple_of3A_52 : i32 to index
    %get3A_55 = tpu.vector_load %arg7[%get3A_54] {strides = array<i32>} : memref<10032xi32, #tpu.memory_space<vmem>>, vector<16xi32>,
    %multiple_of3A_56 = arith.constant 16 : i32
    %multiple_of3A_57 = tpu.assume_multiple %multiple_of3A_56, 16 : i32
    %get3A_58 = arith.index_cast %multiple_of3A_57 : i32 to index
    %get3A_59 = tpu.vector_load %arg5[%get3A_58] {strides = array<i32>} : memref<10032xf32, #tpu.memory_space<vmem>>, vector<16xf32>,
    %get3A_60 = arith.index_cast %multiple_of3A_57 : i32 to index
    %get3A_61 = tpu.vector_load %arg7[%get3A_60] {strides = array<i32>} : memref<10032xi32, #tpu.memory_space<vmem>>, vector<16xi32>,
    %scan3A_62 = arith.constant 0 : i32
    %scan3A_63 = arith.constant 25 : i32
    %scan3A_64 = arith.addi %scan3A_62, %scan3A_63 : i32
    %scan3A_65 = arith.constant 1 : i32
    %scan3A_66:4 = scf.for %scan3A_236 = %scan3A_62 to %scan3A_64 step %scan3A_65 iter_args(%scan3A_237 = %get3A_53, %scan3A_238 = %get3A_55, %scan3A_239 = %get3A_59, %scan3A_240 = %get3A_61) -> (vector<16xf32>, vector<16xi32>, vector<16xf32>, vector<16xi32>)  : i32 {
      %mul3A_241 = arith.constant 400 : i32
      %mul3A_242 = arith.muli %scan3A_236, %mul3A_241 : i32
      %add3A_243 = arith.constant 32 : i32
      %add3A_244 = arith.addi %mul3A_242, %add3A_243 : i32
      %multiple_of3A_245 = tpu.assume_multiple %add3A_244, 16 : i32
      %get3A_246 = arith.index_cast %multiple_of3A_245 : i32 to index
      %get3A_247 = tpu.vector_load %arg5[%get3A_246] {strides = array<i32>} : memref<10032xf32, #tpu.memory_space<vmem>>, vector<16xf32>,
      %get3A_248 = arith.index_cast %multiple_of3A_245 : i32 to index
      %get3A_249 = tpu.vector_load %arg7[%get3A_248] {strides = array<i32>} : memref<10032xi32, #tpu.memory_space<vmem>>, vector<16xi32>,
      %add3A_250 = arith.addi %mul3A_8, %scan3A_238 : vector<16xi32>
      tpu.vector_store_idx %arg9[%add3A_250], %scan3A_237 {add = true} : memref<32768xf32, #tpu.memory_space<vmem>>[vector<16xi32>], vector<16xf32>,
      tpu.vector_store_idx %arg10[%add3A_250], %broadcast_in_dim3A_5 {add = true} : memref<32768xf32, #tpu.memory_space<vmem>>[vector<16xi32>], vector<16xf32>,
      %mul3A_251 = arith.constant 400 : i32
      %mul3A_252 = arith.muli %scan3A_236, %mul3A_251 : i32
      %add3A_253 = arith.constant 48 : i32
      %add3A_254 = arith.addi %mul3A_252, %add3A_253 : i32
      %multiple_of3A_255 = tpu.assume_multiple %add3A_254, 16 : i32
      %get3A_256 = arith.index_cast %multiple_of3A_255 : i32 to index
      %get3A_257 = tpu.vector_load %arg5[%get3A_256] {strides = array<i32>} : memref<10032xf32, #tpu.memory_space<vmem>>, vector<16xf32>,
      %get3A_258 = arith.index_cast %multiple_of3A_255 : i32 to index
      %get3A_259 = tpu.vector_load %arg7[%get3A_258] {strides = array<i32>} : memref<10032xi32, #tpu.memory_space<vmem>>, vector<16xi32>,
      %add3A_260 = arith.addi %mul3A_8, %scan3A_240 : vector<16xi32>
      tpu.vector_store_idx %arg9[%add3A_260], %scan3A_239 {add = true} : memref<32768xf32, #tpu.memory_space<vmem>>[vector<16xi32>], vector<16xf32>,
      tpu.vector_store_idx %arg10[%add3A_260], %broadcast_in_dim3A_5 {add = true} : memref<32768xf32, #tpu.memory_space<vmem>>[vector<16xi32>], vector<16xf32>,
      %mul3A_261 = arith.constant 400 : i32
      %mul3A_262 = arith.muli %scan3A_236, %mul3A_261 : i32
      %add3A_263 = arith.constant 64 : i32
      %add3A_264 = arith.addi %mul3A_262, %add3A_263 : i32
      %multiple_of3A_265 = tpu.assume_multiple %add3A_264, 16 : i32
      %get3A_266 = arith.index_cast %multiple_of3A_265 : i32 to index
      %get3A_267 = tpu.vector_load %arg5[%get3A_266] {strides = array<i32>} : memref<10032xf32, #tpu.memory_space<vmem>>, vector<16xf32>,
      %get3A_268 = arith.index_cast %multiple_of3A_265 : i32 to index
      %get3A_269 = tpu.vector_load %arg7[%get3A_268] {strides = array<i32>} : memref<10032xi32, #tpu.memory_space<vmem>>, vector<16xi32>,
      %add3A_270 = arith.addi %mul3A_8, %get3A_249 : vector<16xi32>
      tpu.vector_store_idx %arg9[%add3A_270], %get3A_247 {add = true} : memref<32768xf32, #tpu.memory_space<vmem>>[vector<16xi32>], vector<16xf32>,
      tpu.vector_store_idx %arg10[%add3A_270], %broadcast_in_dim3A_5 {add = true} : memref<32768xf32, #tpu.memory_space<vmem>>[vector<16xi32>], vector<16xf32>,
      %mul3A_271 = arith.constant 400 : i32
      %mul3A_272 = arith.muli %scan3A_236, %mul3A_271 : i32
      %add3A_273 = arith.constant 80 : i32
      %add3A_274 = arith.addi %mul3A_272, %add3A_273 : i32
      %multiple_of3A_275 = tpu.assume_multiple %add3A_274, 16 : i32
      %get3A_276 = arith.index_cast %multiple_of3A_275 : i32 to index
      %get3A_277 = tpu.vector_load %arg5[%get3A_276] {strides = array<i32>} : memref<10032xf32, #tpu.memory_space<vmem>>, vector<16xf32>,
      %get3A_278 = arith.index_cast %multiple_of3A_275 : i32 to index
      %get3A_279 = tpu.vector_load %arg7[%get3A_278] {strides = array<i32>} : memref<10032xi32, #tpu.memory_space<vmem>>, vector<16xi32>,
      %add3A_280 = arith.addi %mul3A_8, %get3A_259 : vector<16xi32>
      tpu.vector_store_idx %arg9[%add3A_280], %get3A_257 {add = true} : memref<32768xf32, #tpu.memory_space<vmem>>[vector<16xi32>], vector<16xf32>,
      tpu.vector_store_idx %arg10[%add3A_280], %broadcast_in_dim3A_5 {add = true} : memref<32768xf32, #tpu.memory_space<vmem>>[vector<16xi32>], vector<16xf32>,
      %mul3A_281 = arith.constant 400 : i32
      %mul3A_282 = arith.muli %scan3A_236, %mul3A_281 : i32
      %add3A_283 = arith.constant 96 : i32
      %add3A_284 = arith.addi %mul3A_282, %add3A_283 : i32
      %multiple_of3A_285 = tpu.assume_multiple %add3A_284, 16 : i32
      %get3A_286 = arith.index_cast %multiple_of3A_285 : i32 to index
      %get3A_287 = tpu.vector_load %arg5[%get3A_286] {strides = array<i32>} : memref<10032xf32, #tpu.memory_space<vmem>>, vector<16xf32>,
      %get3A_288 = arith.index_cast %multiple_of3A_285 : i32 to index
      %get3A_289 = tpu.vector_load %arg7[%get3A_288] {strides = array<i32>} : memref<10032xi32, #tpu.memory_space<vmem>>, vector<16xi32>,
      %add3A_290 = arith.addi %mul3A_8, %get3A_269 : vector<16xi32>
      tpu.vector_store_idx %arg9[%add3A_290], %get3A_267 {add = true} : memref<32768xf32, #tpu.memory_space<vmem>>[vector<16xi32>], vector<16xf32>,
      tpu.vector_store_idx %arg10[%add3A_290], %broadcast_in_dim3A_5 {add = true} : memref<32768xf32, #tpu.memory_space<vmem>>[vector<16xi32>], vector<16xf32>,
      %mul3A_291 = arith.constant 400 : i32
      %mul3A_292 = arith.muli %scan3A_236, %mul3A_291 : i32
      %add3A_293 = arith.constant 112 : i32
      %add3A_294 = arith.addi %mul3A_292, %add3A_293 : i32
      %multiple_of3A_295 = tpu.assume_multiple %add3A_294, 16 : i32
      %get3A_296 = arith.index_cast %multiple_of3A_295 : i32 to index
      %get3A_297 = tpu.vector_load %arg5[%get3A_296] {strides = array<i32>} : memref<10032xf32, #tpu.memory_space<vmem>>, vector<16xf32>,
      %get3A_298 = arith.index_cast %multiple_of3A_295 : i32 to index
      %get3A_299 = tpu.vector_load %arg7[%get3A_298] {strides = array<i32>} : memref<10032xi32, #tpu.memory_space<vmem>>, vector<16xi32>,
      %add3A_300 = arith.addi %mul3A_8, %get3A_279 : vector<16xi32>
      tpu.vector_store_idx %arg9[%add3A_300], %get3A_277 {add = true} : memref<32768xf32, #tpu.memory_space<vmem>>[vector<16xi32>], vector<16xf32>,
      tpu.vector_store_idx %arg10[%add3A_300], %broadcast_in_dim3A_5 {add = true} : memref<32768xf32, #tpu.memory_space<vmem>>[vector<16xi32>], vector<16xf32>,
      %mul3A_301 = arith.constant 400 : i32
      %mul3A_302 = arith.muli %scan3A_236, %mul3A_301 : i32
      %add3A_303 = arith.constant 128 : i32
      %add3A_304 = arith.addi %mul3A_302, %add3A_303 : i32
      %multiple_of3A_305 = tpu.assume_multiple %add3A_304, 16 : i32
      %get3A_306 = arith.index_cast %multiple_of3A_305 : i32 to index
      %get3A_307 = tpu.vector_load %arg5[%get3A_306] {strides = array<i32>} : memref<10032xf32, #tpu.memory_space<vmem>>, vector<16xf32>,
      %get3A_308 = arith.index_cast %multiple_of3A_305 : i32 to index
      %get3A_309 = tpu.vector_load %arg7[%get3A_308] {strides = array<i32>} : memref<10032xi32, #tpu.memory_space<vmem>>, vector<16xi32>,
      %add3A_310 = arith.addi %mul3A_8, %get3A_289 : vector<16xi32>
      tpu.vector_store_idx %arg9[%add3A_310], %get3A_287 {add = true} : memref<32768xf32, #tpu.memory_space<vmem>>[vector<16xi32>], vector<16xf32>,
      tpu.vector_store_idx %arg10[%add3A_310], %broadcast_in_dim3A_5 {add = true} : memref<32768xf32, #tpu.memory_space<vmem>>[vector<16xi32>], vector<16xf32>,
      %mul3A_311 = arith.constant 400 : i32
      %mul3A_312 = arith.muli %scan3A_236, %mul3A_311 : i32
      %add3A_313 = arith.constant 144 : i32
      %add3A_314 = arith.addi %mul3A_312, %add3A_313 : i32
      %multiple_of3A_315 = tpu.assume_multiple %add3A_314, 16 : i32
      %get3A_316 = arith.index_cast %multiple_of3A_315 : i32 to index
      %get3A_317 = tpu.vector_load %arg5[%get3A_316] {strides = array<i32>} : memref<10032xf32, #tpu.memory_space<vmem>>, vector<16xf32>,
      %get3A_318 = arith.index_cast %multiple_of3A_315 : i32 to index
      %get3A_319 = tpu.vector_load %arg7[%get3A_318] {strides = array<i32>} : memref<10032xi32, #tpu.memory_space<vmem>>, vector<16xi32>,
      %add3A_320 = arith.addi %mul3A_8, %get3A_299 : vector<16xi32>
      tpu.vector_store_idx %arg9[%add3A_320], %get3A_297 {add = true} : memref<32768xf32, #tpu.memory_space<vmem>>[vector<16xi32>], vector<16xf32>,
      tpu.vector_store_idx %arg10[%add3A_320], %broadcast_in_dim3A_5 {add = true} : memref<32768xf32, #tpu.memory_space<vmem>>[vector<16xi32>], vector<16xf32>,
      %mul3A_321 = arith.constant 400 : i32
      %mul3A_322 = arith.muli %scan3A_236, %mul3A_321 : i32
      %add3A_323 = arith.constant 160 : i32
      %add3A_324 = arith.addi %mul3A_322, %add3A_323 : i32
      %multiple_of3A_325 = tpu.assume_multiple %add3A_324, 16 : i32
      %get3A_326 = arith.index_cast %multiple_of3A_325 : i32 to index
      %get3A_327 = tpu.vector_load %arg5[%get3A_326] {strides = array<i32>} : memref<10032xf32, #tpu.memory_space<vmem>>, vector<16xf32>,
      %get3A_328 = arith.index_cast %multiple_of3A_325 : i32 to index
      %get3A_329 = tpu.vector_load %arg7[%get3A_328] {strides = array<i32>} : memref<10032xi32, #tpu.memory_space<vmem>>, vector<16xi32>,
      %add3A_330 = arith.addi %mul3A_8, %get3A_309 : vector<16xi32>
      tpu.vector_store_idx %arg9[%add3A_330], %get3A_307 {add = true} : memref<32768xf32, #tpu.memory_space<vmem>>[vector<16xi32>], vector<16xf32>,
      tpu.vector_store_idx %arg10[%add3A_330], %broadcast_in_dim3A_5 {add = true} : memref<32768xf32, #tpu.memory_space<vmem>>[vector<16xi32>], vector<16xf32>,
      %mul3A_331 = arith.constant 400 : i32
      %mul3A_332 = arith.muli %scan3A_236, %mul3A_331 : i32
      %add3A_333 = arith.constant 176 : i32
      %add3A_334 = arith.addi %mul3A_332, %add3A_333 : i32
      %multiple_of3A_335 = tpu.assume_multiple %add3A_334, 16 : i32
      %get3A_336 = arith.index_cast %multiple_of3A_335 : i32 to index
      %get3A_337 = tpu.vector_load %arg5[%get3A_336] {strides = array<i32>} : memref<10032xf32, #tpu.memory_space<vmem>>, vector<16xf32>,
      %get3A_338 = arith.index_cast %multiple_of3A_335 : i32 to index
      %get3A_339 = tpu.vector_load %arg7[%get3A_338] {strides = array<i32>} : memref<10032xi32, #tpu.memory_space<vmem>>, vector<16xi32>,
      %add3A_340 = arith.addi %mul3A_8, %get3A_319 : vector<16xi32>
      tpu.vector_store_idx %arg9[%add3A_340], %get3A_317 {add = true} : memref<32768xf32, #tpu.memory_space<vmem>>[vector<16xi32>], vector<16xf32>,
      tpu.vector_store_idx %arg10[%add3A_340], %broadcast_in_dim3A_5 {add = true} : memref<32768xf32, #tpu.memory_space<vmem>>[vector<16xi32>], vector<16xf32>,
      %mul3A_341 = arith.constant 400 : i32
      %mul3A_342 = arith.muli %scan3A_236, %mul3A_341 : i32
      %add3A_343 = arith.constant 192 : i32
      %add3A_344 = arith.addi %mul3A_342, %add3A_343 : i32
      %multiple_of3A_345 = tpu.assume_multiple %add3A_344, 16 : i32
      %get3A_346 = arith.index_cast %multiple_of3A_345 : i32 to index
      %get3A_347 = tpu.vector_load %arg5[%get3A_346] {strides = array<i32>} : memref<10032xf32, #tpu.memory_space<vmem>>, vector<16xf32>,
      %get3A_348 = arith.index_cast %multiple_of3A_345 : i32 to index
      %get3A_349 = tpu.vector_load %arg7[%get3A_348] {strides = array<i32>} : memref<10032xi32, #tpu.memory_space<vmem>>, vector<16xi32>,
      %add3A_350 = arith.addi %mul3A_8, %get3A_329 : vector<16xi32>
      tpu.vector_store_idx %arg9[%add3A_350], %get3A_327 {add = true} : memref<32768xf32, #tpu.memory_space<vmem>>[vector<16xi32>], vector<16xf32>,
      tpu.vector_store_idx %arg10[%add3A_350], %broadcast_in_dim3A_5 {add = true} : memref<32768xf32, #tpu.memory_space<vmem>>[vector<16xi32>], vector<16xf32>,
      %mul3A_351 = arith.constant 400 : i32
      %mul3A_352 = arith.muli %scan3A_236, %mul3A_351 : i32
      %add3A_353 = arith.constant 208 : i32
      %add3A_354 = arith.addi %mul3A_352, %add3A_353 : i32
      %multiple_of3A_355 = tpu.assume_multiple %add3A_354, 16 : i32
      %get3A_356 = arith.index_cast %multiple_of3A_355 : i32 to index
      %get3A_357 = tpu.vector_load %arg5[%get3A_356] {strides = array<i32>} : memref<10032xf32, #tpu.memory_space<vmem>>, vector<16xf32>,
      %get3A_358 = arith.index_cast %multiple_of3A_355 : i32 to index
      %get3A_359 = tpu.vector_load %arg7[%get3A_358] {strides = array<i32>} : memref<10032xi32, #tpu.memory_space<vmem>>, vector<16xi32>,
      %add3A_360 = arith.addi %mul3A_8, %get3A_339 : vector<16xi32>
      tpu.vector_store_idx %arg9[%add3A_360], %get3A_337 {add = true} : memref<32768xf32, #tpu.memory_space<vmem>>[vector<16xi32>], vector<16xf32>,
      tpu.vector_store_idx %arg10[%add3A_360], %broadcast_in_dim3A_5 {add = true} : memref<32768xf32, #tpu.memory_space<vmem>>[vector<16xi32>], vector<16xf32>,
      %mul3A_361 = arith.constant 400 : i32
      %mul3A_362 = arith.muli %scan3A_236, %mul3A_361 : i32
      %add3A_363 = arith.constant 224 : i32
      %add3A_364 = arith.addi %mul3A_362, %add3A_363 : i32
      %multiple_of3A_365 = tpu.assume_multiple %add3A_364, 16 : i32
      %get3A_366 = arith.index_cast %multiple_of3A_365 : i32 to index
      %get3A_367 = tpu.vector_load %arg5[%get3A_366] {strides = array<i32>} : memref<10032xf32, #tpu.memory_space<vmem>>, vector<16xf32>,
      %get3A_368 = arith.index_cast %multiple_of3A_365 : i32 to index
      %get3A_369 = tpu.vector_load %arg7[%get3A_368] {strides = array<i32>} : memref<10032xi32, #tpu.memory_space<vmem>>, vector<16xi32>,
      %add3A_370 = arith.addi %mul3A_8, %get3A_349 : vector<16xi32>
      tpu.vector_store_idx %arg9[%add3A_370], %get3A_347 {add = true} : memref<32768xf32, #tpu.memory_space<vmem>>[vector<16xi32>], vector<16xf32>,
      tpu.vector_store_idx %arg10[%add3A_370], %broadcast_in_dim3A_5 {add = true} : memref<32768xf32, #tpu.memory_space<vmem>>[vector<16xi32>], vector<16xf32>,
      %mul3A_371 = arith.constant 400 : i32
      %mul3A_372 = arith.muli %scan3A_236, %mul3A_371 : i32
      %add3A_373 = arith.constant 240 : i32
      %add3A_374 = arith.addi %mul3A_372, %add3A_373 : i32
      %multiple_of3A_375 = tpu.assume_multiple %add3A_374, 16 : i32
      %get3A_376 = arith.index_cast %multiple_of3A_375 : i32 to index
      %get3A_377 = tpu.vector_load %arg5[%get3A_376] {strides = array<i32>} : memref<10032xf32, #tpu.memory_space<vmem>>, vector<16xf32>,
      %get3A_378 = arith.index_cast %multiple_of3A_375 : i32 to index
      %get3A_379 = tpu.vector_load %arg7[%get3A_378] {strides = array<i32>} : memref<10032xi32, #tpu.memory_space<vmem>>, vector<16xi32>,
      %add3A_380 = arith.addi %mul3A_8, %get3A_359 : vector<16xi32>
      tpu.vector_store_idx %arg9[%add3A_380], %get3A_357 {add = true} : memref<32768xf32, #tpu.memory_space<vmem>>[vector<16xi32>], vector<16xf32>,
      tpu.vector_store_idx %arg10[%add3A_380], %broadcast_in_dim3A_5 {add = true} : memref<32768xf32, #tpu.memory_space<vmem>>[vector<16xi32>], vector<16xf32>,
      %mul3A_381 = arith.constant 400 : i32
      %mul3A_382 = arith.muli %scan3A_236, %mul3A_381 : i32
      %add3A_383 = arith.constant 256 : i32
      %add3A_384 = arith.addi %mul3A_382, %add3A_383 : i32
      %multiple_of3A_385 = tpu.assume_multiple %add3A_384, 16 : i32
      %get3A_386 = arith.index_cast %multiple_of3A_385 : i32 to index
      %get3A_387 = tpu.vector_load %arg5[%get3A_386] {strides = array<i32>} : memref<10032xf32, #tpu.memory_space<vmem>>, vector<16xf32>,
      %get3A_388 = arith.index_cast %multiple_of3A_385 : i32 to index
      %get3A_389 = tpu.vector_load %arg7[%get3A_388] {strides = array<i32>} : memref<10032xi32, #tpu.memory_space<vmem>>, vector<16xi32>,
      %add3A_390 = arith.addi %mul3A_8, %get3A_369 : vector<16xi32>
      tpu.vector_store_idx %arg9[%add3A_390], %get3A_367 {add = true} : memref<32768xf32, #tpu.memory_space<vmem>>[vector<16xi32>], vector<16xf32>,
      tpu.vector_store_idx %arg10[%add3A_390], %broadcast_in_dim3A_5 {add = true} : memref<32768xf32, #tpu.memory_space<vmem>>[vector<16xi32>], vector<16xf32>,
      %mul3A_391 = arith.constant 400 : i32
      %mul3A_392 = arith.muli %scan3A_236, %mul3A_391 : i32
      %add3A_393 = arith.constant 272 : i32
      %add3A_394 = arith.addi %mul3A_392, %add3A_393 : i32
      %multiple_of3A_395 = tpu.assume_multiple %add3A_394, 16 : i32
      %get3A_396 = arith.index_cast %multiple_of3A_395 : i32 to index
      %get3A_397 = tpu.vector_load %arg5[%get3A_396] {strides = array<i32>} : memref<10032xf32, #tpu.memory_space<vmem>>, vector<16xf32>,
      %get3A_398 = arith.index_cast %multiple_of3A_395 : i32 to index
      %get3A_399 = tpu.vector_load %arg7[%get3A_398] {strides = array<i32>} : memref<10032xi32, #tpu.memory_space<vmem>>, vector<16xi32>,
      %add3A_400 = arith.addi %mul3A_8, %get3A_379 : vector<16xi32>
      tpu.vector_store_idx %arg9[%add3A_400], %get3A_377 {add = true} : memref<32768xf32, #tpu.memory_space<vmem>>[vector<16xi32>], vector<16xf32>,
      tpu.vector_store_idx %arg10[%add3A_400], %broadcast_in_dim3A_5 {add = true} : memref<32768xf32, #tpu.memory_space<vmem>>[vector<16xi32>], vector<16xf32>,
      %mul3A_401 = arith.constant 400 : i32
      %mul3A_402 = arith.muli %scan3A_236, %mul3A_401 : i32
      %add3A_403 = arith.constant 288 : i32
      %add3A_404 = arith.addi %mul3A_402, %add3A_403 : i32
      %multiple_of3A_405 = tpu.assume_multiple %add3A_404, 16 : i32
      %get3A_406 = arith.index_cast %multiple_of3A_405 : i32 to index
      %get3A_407 = tpu.vector_load %arg5[%get3A_406] {strides = array<i32>} : memref<10032xf32, #tpu.memory_space<vmem>>, vector<16xf32>,
      %get3A_408 = arith.index_cast %multiple_of3A_405 : i32 to index
      %get3A_409 = tpu.vector_load %arg7[%get3A_408] {strides = array<i32>} : memref<10032xi32, #tpu.memory_space<vmem>>, vector<16xi32>,
      %add3A_410 = arith.addi %mul3A_8, %get3A_389 : vector<16xi32>
      tpu.vector_store_idx %arg9[%add3A_410], %get3A_387 {add = true} : memref<32768xf32, #tpu.memory_space<vmem>>[vector<16xi32>], vector<16xf32>,
      tpu.vector_store_idx %arg10[%add3A_410], %broadcast_in_dim3A_5 {add = true} : memref<32768xf32, #tpu.memory_space<vmem>>[vector<16xi32>], vector<16xf32>,
      %mul3A_411 = arith.constant 400 : i32
      %mul3A_412 = arith.muli %scan3A_236, %mul3A_411 : i32
      %add3A_413 = arith.constant 304 : i32
      %add3A_414 = arith.addi %mul3A_412, %add3A_413 : i32
      %multiple_of3A_415 = tpu.assume_multiple %add3A_414, 16 : i32
      %get3A_416 = arith.index_cast %multiple_of3A_415 : i32 to index
      %get3A_417 = tpu.vector_load %arg5[%get3A_416] {strides = array<i32>} : memref<10032xf32, #tpu.memory_space<vmem>>, vector<16xf32>,
      %get3A_418 = arith.index_cast %multiple_of3A_415 : i32 to index
      %get3A_419 = tpu.vector_load %arg7[%get3A_418] {strides = array<i32>} : memref<10032xi32, #tpu.memory_space<vmem>>, vector<16xi32>,
      %add3A_420 = arith.addi %mul3A_8, %get3A_399 : vector<16xi32>
      tpu.vector_store_idx %arg9[%add3A_420], %get3A_397 {add = true} : memref<32768xf32, #tpu.memory_space<vmem>>[vector<16xi32>], vector<16xf32>,
      tpu.vector_store_idx %arg10[%add3A_420], %broadcast_in_dim3A_5 {add = true} : memref<32768xf32, #tpu.memory_space<vmem>>[vector<16xi32>], vector<16xf32>,
      %mul3A_421 = arith.constant 400 : i32
      %mul3A_422 = arith.muli %scan3A_236, %mul3A_421 : i32
      %add3A_423 = arith.constant 320 : i32
      %add3A_424 = arith.addi %mul3A_422, %add3A_423 : i32
      %multiple_of3A_425 = tpu.assume_multiple %add3A_424, 16 : i32
      %get3A_426 = arith.index_cast %multiple_of3A_425 : i32 to index
      %get3A_427 = tpu.vector_load %arg5[%get3A_426] {strides = array<i32>} : memref<10032xf32, #tpu.memory_space<vmem>>, vector<16xf32>,
      %get3A_428 = arith.index_cast %multiple_of3A_425 : i32 to index
      %get3A_429 = tpu.vector_load %arg7[%get3A_428] {strides = array<i32>} : memref<10032xi32, #tpu.memory_space<vmem>>, vector<16xi32>,
      %add3A_430 = arith.addi %mul3A_8, %get3A_409 : vector<16xi32>
      tpu.vector_store_idx %arg9[%add3A_430], %get3A_407 {add = true} : memref<32768xf32, #tpu.memory_space<vmem>>[vector<16xi32>], vector<16xf32>,
      tpu.vector_store_idx %arg10[%add3A_430], %broadcast_in_dim3A_5 {add = true} : memref<32768xf32, #tpu.memory_space<vmem>>[vector<16xi32>], vector<16xf32>,
      %mul3A_431 = arith.constant 400 : i32
      %mul3A_432 = arith.muli %scan3A_236, %mul3A_431 : i32
      %add3A_433 = arith.constant 336 : i32
      %add3A_434 = arith.addi %mul3A_432, %add3A_433 : i32
      %multiple_of3A_435 = tpu.assume_multiple %add3A_434, 16 : i32
      %get3A_436 = arith.index_cast %multiple_of3A_435 : i32 to index
      %get3A_437 = tpu.vector_load %arg5[%get3A_436] {strides = array<i32>} : memref<10032xf32, #tpu.memory_space<vmem>>, vector<16xf32>,
      %get3A_438 = arith.index_cast %multiple_of3A_435 : i32 to index
      %get3A_439 = tpu.vector_load %arg7[%get3A_438] {strides = array<i32>} : memref<10032xi32, #tpu.memory_space<vmem>>, vector<16xi32>,
      %add3A_440 = arith.addi %mul3A_8, %get3A_419 : vector<16xi32>
      tpu.vector_store_idx %arg9[%add3A_440], %get3A_417 {add = true} : memref<32768xf32, #tpu.memory_space<vmem>>[vector<16xi32>], vector<16xf32>,
      tpu.vector_store_idx %arg10[%add3A_440], %broadcast_in_dim3A_5 {add = true} : memref<32768xf32, #tpu.memory_space<vmem>>[vector<16xi32>], vector<16xf32>,
      %mul3A_441 = arith.constant 400 : i32
      %mul3A_442 = arith.muli %scan3A_236, %mul3A_441 : i32
      %add3A_443 = arith.constant 352 : i32
      %add3A_444 = arith.addi %mul3A_442, %add3A_443 : i32
      %multiple_of3A_445 = tpu.assume_multiple %add3A_444, 16 : i32
      %get3A_446 = arith.index_cast %multiple_of3A_445 : i32 to index
      %get3A_447 = tpu.vector_load %arg5[%get3A_446] {strides = array<i32>} : memref<10032xf32, #tpu.memory_space<vmem>>, vector<16xf32>,
      %get3A_448 = arith.index_cast %multiple_of3A_445 : i32 to index
      %get3A_449 = tpu.vector_load %arg7[%get3A_448] {strides = array<i32>} : memref<10032xi32, #tpu.memory_space<vmem>>, vector<16xi32>,
      %add3A_450 = arith.addi %mul3A_8, %get3A_429 : vector<16xi32>
      tpu.vector_store_idx %arg9[%add3A_450], %get3A_427 {add = true} : memref<32768xf32, #tpu.memory_space<vmem>>[vector<16xi32>], vector<16xf32>,
      tpu.vector_store_idx %arg10[%add3A_450], %broadcast_in_dim3A_5 {add = true} : memref<32768xf32, #tpu.memory_space<vmem>>[vector<16xi32>], vector<16xf32>,
      %mul3A_451 = arith.constant 400 : i32
      %mul3A_452 = arith.muli %scan3A_236, %mul3A_451 : i32
      %add3A_453 = arith.constant 368 : i32
      %add3A_454 = arith.addi %mul3A_452, %add3A_453 : i32
      %multiple_of3A_455 = tpu.assume_multiple %add3A_454, 16 : i32
      %get3A_456 = arith.index_cast %multiple_of3A_455 : i32 to index
      %get3A_457 = tpu.vector_load %arg5[%get3A_456] {strides = array<i32>} : memref<10032xf32, #tpu.memory_space<vmem>>, vector<16xf32>,
      %get3A_458 = arith.index_cast %multiple_of3A_455 : i32 to index
      %get3A_459 = tpu.vector_load %arg7[%get3A_458] {strides = array<i32>} : memref<10032xi32, #tpu.memory_space<vmem>>, vector<16xi32>,
      %add3A_460 = arith.addi %mul3A_8, %get3A_439 : vector<16xi32>
      tpu.vector_store_idx %arg9[%add3A_460], %get3A_437 {add = true} : memref<32768xf32, #tpu.memory_space<vmem>>[vector<16xi32>], vector<16xf32>,
      tpu.vector_store_idx %arg10[%add3A_460], %broadcast_in_dim3A_5 {add = true} : memref<32768xf32, #tpu.memory_space<vmem>>[vector<16xi32>], vector<16xf32>,
      %mul3A_461 = arith.constant 400 : i32
      %mul3A_462 = arith.muli %scan3A_236, %mul3A_461 : i32
      %add3A_463 = arith.constant 384 : i32
      %add3A_464 = arith.addi %mul3A_462, %add3A_463 : i32
      %multiple_of3A_465 = tpu.assume_multiple %add3A_464, 16 : i32
      %get3A_466 = arith.index_cast %multiple_of3A_465 : i32 to index
      %get3A_467 = tpu.vector_load %arg5[%get3A_466] {strides = array<i32>} : memref<10032xf32, #tpu.memory_space<vmem>>, vector<16xf32>,
      %get3A_468 = arith.index_cast %multiple_of3A_465 : i32 to index
      %get3A_469 = tpu.vector_load %arg7[%get3A_468] {strides = array<i32>} : memref<10032xi32, #tpu.memory_space<vmem>>, vector<16xi32>,
      %add3A_470 = arith.addi %mul3A_8, %get3A_449 : vector<16xi32>
      tpu.vector_store_idx %arg9[%add3A_470], %get3A_447 {add = true} : memref<32768xf32, #tpu.memory_space<vmem>>[vector<16xi32>], vector<16xf32>,
      tpu.vector_store_idx %arg10[%add3A_470], %broadcast_in_dim3A_5 {add = true} : memref<32768xf32, #tpu.memory_space<vmem>>[vector<16xi32>], vector<16xf32>,
      %mul3A_471 = arith.constant 400 : i32
      %mul3A_472 = arith.muli %scan3A_236, %mul3A_471 : i32
      %add3A_473 = arith.constant 400 : i32
      %add3A_474 = arith.addi %mul3A_472, %add3A_473 : i32
      %multiple_of3A_475 = tpu.assume_multiple %add3A_474, 16 : i32
      %get3A_476 = arith.index_cast %multiple_of3A_475 : i32 to index
      %get3A_477 = tpu.vector_load %arg5[%get3A_476] {strides = array<i32>} : memref<10032xf32, #tpu.memory_space<vmem>>, vector<16xf32>,
      %get3A_478 = arith.index_cast %multiple_of3A_475 : i32 to index
      %get3A_479 = tpu.vector_load %arg7[%get3A_478] {strides = array<i32>} : memref<10032xi32, #tpu.memory_space<vmem>>, vector<16xi32>,
      %add3A_480 = arith.addi %mul3A_8, %get3A_459 : vector<16xi32>
      tpu.vector_store_idx %arg9[%add3A_480], %get3A_457 {add = true} : memref<32768xf32, #tpu.memory_space<vmem>>[vector<16xi32>], vector<16xf32>,
      tpu.vector_store_idx %arg10[%add3A_480], %broadcast_in_dim3A_5 {add = true} : memref<32768xf32, #tpu.memory_space<vmem>>[vector<16xi32>], vector<16xf32>,
      %mul3A_481 = arith.constant 400 : i32
      %mul3A_482 = arith.muli %scan3A_236, %mul3A_481 : i32
      %add3A_483 = arith.constant 416 : i32
      %add3A_484 = arith.addi %mul3A_482, %add3A_483 : i32
      %multiple_of3A_485 = tpu.assume_multiple %add3A_484, 16 : i32
      %get3A_486 = arith.index_cast %multiple_of3A_485 : i32 to index
      %get3A_487 = tpu.vector_load %arg5[%get3A_486] {strides = array<i32>} : memref<10032xf32, #tpu.memory_space<vmem>>, vector<16xf32>,
      %get3A_488 = arith.index_cast %multiple_of3A_485 : i32 to index
      %get3A_489 = tpu.vector_load %arg7[%get3A_488] {strides = array<i32>} : memref<10032xi32, #tpu.memory_space<vmem>>, vector<16xi32>,
      %add3A_490 = arith.addi %mul3A_8, %get3A_469 : vector<16xi32>
      tpu.vector_store_idx %arg9[%add3A_490], %get3A_467 {add = true} : memref<32768xf32, #tpu.memory_space<vmem>>[vector<16xi32>], vector<16xf32>,
      tpu.vector_store_idx %arg10[%add3A_490], %broadcast_in_dim3A_5 {add = true} : memref<32768xf32, #tpu.memory_space<vmem>>[vector<16xi32>], vector<16xf32>,
      scf.yield %get3A_477, %get3A_479, %get3A_487, %get3A_489 : vector<16xf32>, vector<16xi32>, vector<16xf32>, vector<16xi32>
    }
    %scan3A_67 = arith.constant 25 : i32
    %dma_wait3A_68 = arith.constant 0 : i32
    %dma_wait3A_69 = tpu.memref_slice %arg6[%dma_wait3A_68] : memref<10032xf32, #tpu.memory_space<vmem>> -> memref<10000xf32, #tpu.memory_space<vmem>>
    %dma_wait3A_70 = tpu.memref_slice %arg2[%add3A_39] : memref<1600000xf32, #tpu.memory_space<hbm>> -> memref<10000xf32, #tpu.memory_space<hbm>>
    %dma_wait3A_71 = arith.constant 0 : i32
    %dma_wait3A_72 = tpu.memref_slice %arg6[%dma_wait3A_71] : memref<10032xf32, #tpu.memory_space<vmem>> -> memref<10000xf32, #tpu.memory_space<vmem>>
    %dma_wait3A_73 = tpu.memref_slice %arg2[%add3A_39] : memref<1600000xf32, #tpu.memory_space<hbm>> -> memref<10000xf32, #tpu.memory_space<hbm>>
    tpu.wait_dma2 semaphore(%arg12 : memref<!tpu.dma_semaphore, #tpu.memory_space<semaphore_mem>>) src(%dma_wait3A_73 : memref<10000xf32, #tpu.memory_space<hbm>>) dst(%dma_wait3A_72 : memref<10000xf32, #tpu.memory_space<vmem>>)
    %dma_wait3A_74 = arith.constant 0 : i32
    %dma_wait3A_75 = tpu.memref_slice %arg8[%dma_wait3A_74] : memref<10032xi32, #tpu.memory_space<vmem>> -> memref<10000xi32, #tpu.memory_space<vmem>>
    %dma_wait3A_76 = tpu.memref_slice %arg3[%add3A_39] : memref<1600000xi32, #tpu.memory_space<hbm>> -> memref<10000xi32, #tpu.memory_space<hbm>>
    %dma_wait3A_77 = arith.constant 0 : i32
    %dma_wait3A_78 = tpu.memref_slice %arg8[%dma_wait3A_77] : memref<10032xi32, #tpu.memory_space<vmem>> -> memref<10000xi32, #tpu.memory_space<vmem>>
    %dma_wait3A_79 = tpu.memref_slice %arg3[%add3A_39] : memref<1600000xi32, #tpu.memory_space<hbm>> -> memref<10000xi32, #tpu.memory_space<hbm>>
    tpu.wait_dma2 semaphore(%arg12 : memref<!tpu.dma_semaphore, #tpu.memory_space<semaphore_mem>>) src(%dma_wait3A_79 : memref<10000xi32, #tpu.memory_space<hbm>>) dst(%dma_wait3A_78 : memref<10000xi32, #tpu.memory_space<vmem>>)
    %add3A_80 = arith.constant 20000 : i32
    %add3A_81 = arith.addi %mul3A_2, %add3A_80 : i32
    %dma_start3A_82 = arith.constant 0 : i32
    %dma_start3A_83 = tpu.memref_slice %arg5[%dma_start3A_82] : memref<10032xf32, #tpu.memory_space<vmem>> -> memref<10000xf32, #tpu.memory_space<vmem>>
    %dma_start3A_84 = tpu.memref_slice %arg2[%add3A_81] : memref<1600000xf32, #tpu.memory_space<hbm>> -> memref<10000xf32, #tpu.memory_space<hbm>>
    %dma_start3A_85 = arith.constant 0 : i32
    %dma_start3A_86 = tpu.memref_slice %arg5[%dma_start3A_85] : memref<10032xf32, #tpu.memory_space<vmem>> -> memref<10000xf32, #tpu.memory_space<vmem>>
    %dma_start3A_87 = tpu.memref_slice %arg2[%add3A_81] : memref<1600000xf32, #tpu.memory_space<hbm>> -> memref<10000xf32, #tpu.memory_space<hbm>>
    tpu.enqueue_dma source(%dma_start3A_87 : memref<10000xf32, #tpu.memory_space<hbm>>) target(%dma_start3A_86 : memref<10000xf32, #tpu.memory_space<vmem>>) target_semaphore(%arg11 : memref<!tpu.dma_semaphore, #tpu.memory_space<semaphore_mem>>)
    %dma_start3A_88 = arith.constant 0 : i32
    %dma_start3A_89 = tpu.memref_slice %arg7[%dma_start3A_88] : memref<10032xi32, #tpu.memory_space<vmem>> -> memref<10000xi32, #tpu.memory_space<vmem>>
    %dma_start3A_90 = tpu.memref_slice %arg3[%add3A_81] : memref<1600000xi32, #tpu.memory_space<hbm>> -> memref<10000xi32, #tpu.memory_space<hbm>>
    %dma_start3A_91 = arith.constant 0 : i32
    %dma_start3A_92 = tpu.memref_slice %arg7[%dma_start3A_91] : memref<10032xi32, #tpu.memory_space<vmem>> -> memref<10000xi32, #tpu.memory_space<vmem>>
    %dma_start3A_93 = tpu.memref_slice %arg3[%add3A_81] : memref<1600000xi32, #tpu.memory_space<hbm>> -> memref<10000xi32, #tpu.memory_space<hbm>>
    tpu.enqueue_dma source(%dma_start3A_93 : memref<10000xi32, #tpu.memory_space<hbm>>) target(%dma_start3A_92 : memref<10000xi32, #tpu.memory_space<vmem>>) target_semaphore(%arg11 : memref<!tpu.dma_semaphore, #tpu.memory_space<semaphore_mem>>)
    %multiple_of3A_94 = arith.constant 0 : i32
    %multiple_of3A_95 = tpu.assume_multiple %multiple_of3A_94, 16 : i32
    %get3A_96 = arith.index_cast %multiple_of3A_95 : i32 to index
    %get3A_97 = tpu.vector_load %arg6[%get3A_96] {strides = array<i32>} : memref<10032xf32, #tpu.memory_space<vmem>>, vector<16xf32>,
    %get3A_98 = arith.index_cast %multiple_of3A_95 : i32 to index
    %get3A_99 = tpu.vector_load %arg8[%get3A_98] {strides = array<i32>} : memref<10032xi32, #tpu.memory_space<vmem>>, vector<16xi32>,
    %multiple_of3A_100 = arith.constant 16 : i32
    %multiple_of3A_101 = tpu.assume_multiple %multiple_of3A_100, 16 : i32
    %get3A_102 = arith.index_cast %multiple_of3A_101 : i32 to index
    %get3A_103 = tpu.vector_load %arg6[%get3A_102] {strides = array<i32>} : memref<10032xf32, #tpu.memory_space<vmem>>, vector<16xf32>,
    %get3A_104 = arith.index_cast %multiple_of3A_101 : i32 to index
    %get3A_105 = tpu.vector_load %arg8[%get3A_104] {strides = array<i32>} : memref<10032xi32, #tpu.memory_space<vmem>>, vector<16xi32>,
    %scan3A_106 = arith.constant 0 : i32
    %scan3A_107 = arith.constant 25 : i32
    %scan3A_108 = arith.addi %scan3A_106, %scan3A_107 : i32
    %scan3A_109 = arith.constant 1 : i32
    %scan3A_110:4 = scf.for %scan3A_236 = %scan3A_106 to %scan3A_108 step %scan3A_109 iter_args(%scan3A_237 = %get3A_97, %scan3A_238 = %get3A_99, %scan3A_239 = %get3A_103, %scan3A_240 = %get3A_105) -> (vector<16xf32>, vector<16xi32>, vector<16xf32>, vector<16xi32>)  : i32 {
      %mul3A_241 = arith.constant 400 : i32
      %mul3A_242 = arith.muli %scan3A_236, %mul3A_241 : i32
      %add3A_243 = arith.constant 32 : i32
      %add3A_244 = arith.addi %mul3A_242, %add3A_243 : i32
      %multiple_of3A_245 = tpu.assume_multiple %add3A_244, 16 : i32
      %get3A_246 = arith.index_cast %multiple_of3A_245 : i32 to index
      %get3A_247 = tpu.vector_load %arg6[%get3A_246] {strides = array<i32>} : memref<10032xf32, #tpu.memory_space<vmem>>, vector<16xf32>,
      %get3A_248 = arith.index_cast %multiple_of3A_245 : i32 to index
      %get3A_249 = tpu.vector_load %arg8[%get3A_248] {strides = array<i32>} : memref<10032xi32, #tpu.memory_space<vmem>>, vector<16xi32>,
      %add3A_250 = arith.addi %mul3A_8, %scan3A_238 : vector<16xi32>
      tpu.vector_store_idx %arg9[%add3A_250], %scan3A_237 {add = true} : memref<32768xf32, #tpu.memory_space<vmem>>[vector<16xi32>], vector<16xf32>,
      tpu.vector_store_idx %arg10[%add3A_250], %broadcast_in_dim3A_5 {add = true} : memref<32768xf32, #tpu.memory_space<vmem>>[vector<16xi32>], vector<16xf32>,
      %mul3A_251 = arith.constant 400 : i32
      %mul3A_252 = arith.muli %scan3A_236, %mul3A_251 : i32
      %add3A_253 = arith.constant 48 : i32
      %add3A_254 = arith.addi %mul3A_252, %add3A_253 : i32
      %multiple_of3A_255 = tpu.assume_multiple %add3A_254, 16 : i32
      %get3A_256 = arith.index_cast %multiple_of3A_255 : i32 to index
      %get3A_257 = tpu.vector_load %arg6[%get3A_256] {strides = array<i32>} : memref<10032xf32, #tpu.memory_space<vmem>>, vector<16xf32>,
      %get3A_258 = arith.index_cast %multiple_of3A_255 : i32 to index
      %get3A_259 = tpu.vector_load %arg8[%get3A_258] {strides = array<i32>} : memref<10032xi32, #tpu.memory_space<vmem>>, vector<16xi32>,
      %add3A_260 = arith.addi %mul3A_8, %scan3A_240 : vector<16xi32>
      tpu.vector_store_idx %arg9[%add3A_260], %scan3A_239 {add = true} : memref<32768xf32, #tpu.memory_space<vmem>>[vector<16xi32>], vector<16xf32>,
      tpu.vector_store_idx %arg10[%add3A_260], %broadcast_in_dim3A_5 {add = true} : memref<32768xf32, #tpu.memory_space<vmem>>[vector<16xi32>], vector<16xf32>,
      %mul3A_261 = arith.constant 400 : i32
      %mul3A_262 = arith.muli %scan3A_236, %mul3A_261 : i32
      %add3A_263 = arith.constant 64 : i32
      %add3A_264 = arith.addi %mul3A_262, %add3A_263 : i32
      %multiple_of3A_265 = tpu.assume_multiple %add3A_264, 16 : i32
      %get3A_266 = arith.index_cast %multiple_of3A_265 : i32 to index
      %get3A_267 = tpu.vector_load %arg6[%get3A_266] {strides = array<i32>} : memref<10032xf32, #tpu.memory_space<vmem>>, vector<16xf32>,
      %get3A_268 = arith.index_cast %multiple_of3A_265 : i32 to index
      %get3A_269 = tpu.vector_load %arg8[%get3A_268] {strides = array<i32>} : memref<10032xi32, #tpu.memory_space<vmem>>, vector<16xi32>,
      %add3A_270 = arith.addi %mul3A_8, %get3A_249 : vector<16xi32>
      tpu.vector_store_idx %arg9[%add3A_270], %get3A_247 {add = true} : memref<32768xf32, #tpu.memory_space<vmem>>[vector<16xi32>], vector<16xf32>,
      tpu.vector_store_idx %arg10[%add3A_270], %broadcast_in_dim3A_5 {add = true} : memref<32768xf32, #tpu.memory_space<vmem>>[vector<16xi32>], vector<16xf32>,
      %mul3A_271 = arith.constant 400 : i32
      %mul3A_272 = arith.muli %scan3A_236, %mul3A_271 : i32
      %add3A_273 = arith.constant 80 : i32
      %add3A_274 = arith.addi %mul3A_272, %add3A_273 : i32
      %multiple_of3A_275 = tpu.assume_multiple %add3A_274, 16 : i32
      %get3A_276 = arith.index_cast %multiple_of3A_275 : i32 to index
      %get3A_277 = tpu.vector_load %arg6[%get3A_276] {strides = array<i32>} : memref<10032xf32, #tpu.memory_space<vmem>>, vector<16xf32>,
      %get3A_278 = arith.index_cast %multiple_of3A_275 : i32 to index
      %get3A_279 = tpu.vector_load %arg8[%get3A_278] {strides = array<i32>} : memref<10032xi32, #tpu.memory_space<vmem>>, vector<16xi32>,
      %add3A_280 = arith.addi %mul3A_8, %get3A_259 : vector<16xi32>
      tpu.vector_store_idx %arg9[%add3A_280], %get3A_257 {add = true} : memref<32768xf32, #tpu.memory_space<vmem>>[vector<16xi32>], vector<16xf32>,
      tpu.vector_store_idx %arg10[%add3A_280], %broadcast_in_dim3A_5 {add = true} : memref<32768xf32, #tpu.memory_space<vmem>>[vector<16xi32>], vector<16xf32>,
      %mul3A_281 = arith.constant 400 : i32
      %mul3A_282 = arith.muli %scan3A_236, %mul3A_281 : i32
      %add3A_283 = arith.constant 96 : i32
      %add3A_284 = arith.addi %mul3A_282, %add3A_283 : i32
      %multiple_of3A_285 = tpu.assume_multiple %add3A_284, 16 : i32
      %get3A_286 = arith.index_cast %multiple_of3A_285 : i32 to index
      %get3A_287 = tpu.vector_load %arg6[%get3A_286] {strides = array<i32>} : memref<10032xf32, #tpu.memory_space<vmem>>, vector<16xf32>,
      %get3A_288 = arith.index_cast %multiple_of3A_285 : i32 to index
      %get3A_289 = tpu.vector_load %arg8[%get3A_288] {strides = array<i32>} : memref<10032xi32, #tpu.memory_space<vmem>>, vector<16xi32>,
      %add3A_290 = arith.addi %mul3A_8, %get3A_269 : vector<16xi32>
      tpu.vector_store_idx %arg9[%add3A_290], %get3A_267 {add = true} : memref<32768xf32, #tpu.memory_space<vmem>>[vector<16xi32>], vector<16xf32>,
      tpu.vector_store_idx %arg10[%add3A_290], %broadcast_in_dim3A_5 {add = true} : memref<32768xf32, #tpu.memory_space<vmem>>[vector<16xi32>], vector<16xf32>,
      %mul3A_291 = arith.constant 400 : i32
      %mul3A_292 = arith.muli %scan3A_236, %mul3A_291 : i32
      %add3A_293 = arith.constant 112 : i32
      %add3A_294 = arith.addi %mul3A_292, %add3A_293 : i32
      %multiple_of3A_295 = tpu.assume_multiple %add3A_294, 16 : i32
      %get3A_296 = arith.index_cast %multiple_of3A_295 : i32 to index
      %get3A_297 = tpu.vector_load %arg6[%get3A_296] {strides = array<i32>} : memref<10032xf32, #tpu.memory_space<vmem>>, vector<16xf32>,
      %get3A_298 = arith.index_cast %multiple_of3A_295 : i32 to index
      %get3A_299 = tpu.vector_load %arg8[%get3A_298] {strides = array<i32>} : memref<10032xi32, #tpu.memory_space<vmem>>, vector<16xi32>,
      %add3A_300 = arith.addi %mul3A_8, %get3A_279 : vector<16xi32>
      tpu.vector_store_idx %arg9[%add3A_300], %get3A_277 {add = true} : memref<32768xf32, #tpu.memory_space<vmem>>[vector<16xi32>], vector<16xf32>,
      tpu.vector_store_idx %arg10[%add3A_300], %broadcast_in_dim3A_5 {add = true} : memref<32768xf32, #tpu.memory_space<vmem>>[vector<16xi32>], vector<16xf32>,
      %mul3A_301 = arith.constant 400 : i32
      %mul3A_302 = arith.muli %scan3A_236, %mul3A_301 : i32
      %add3A_303 = arith.constant 128 : i32
      %add3A_304 = arith.addi %mul3A_302, %add3A_303 : i32
      %multiple_of3A_305 = tpu.assume_multiple %add3A_304, 16 : i32
      %get3A_306 = arith.index_cast %multiple_of3A_305 : i32 to index
      %get3A_307 = tpu.vector_load %arg6[%get3A_306] {strides = array<i32>} : memref<10032xf32, #tpu.memory_space<vmem>>, vector<16xf32>,
      %get3A_308 = arith.index_cast %multiple_of3A_305 : i32 to index
      %get3A_309 = tpu.vector_load %arg8[%get3A_308] {strides = array<i32>} : memref<10032xi32, #tpu.memory_space<vmem>>, vector<16xi32>,
      %add3A_310 = arith.addi %mul3A_8, %get3A_289 : vector<16xi32>
      tpu.vector_store_idx %arg9[%add3A_310], %get3A_287 {add = true} : memref<32768xf32, #tpu.memory_space<vmem>>[vector<16xi32>], vector<16xf32>,
      tpu.vector_store_idx %arg10[%add3A_310], %broadcast_in_dim3A_5 {add = true} : memref<32768xf32, #tpu.memory_space<vmem>>[vector<16xi32>], vector<16xf32>,
      %mul3A_311 = arith.constant 400 : i32
      %mul3A_312 = arith.muli %scan3A_236, %mul3A_311 : i32
      %add3A_313 = arith.constant 144 : i32
      %add3A_314 = arith.addi %mul3A_312, %add3A_313 : i32
      %multiple_of3A_315 = tpu.assume_multiple %add3A_314, 16 : i32
      %get3A_316 = arith.index_cast %multiple_of3A_315 : i32 to index
      %get3A_317 = tpu.vector_load %arg6[%get3A_316] {strides = array<i32>} : memref<10032xf32, #tpu.memory_space<vmem>>, vector<16xf32>,
      %get3A_318 = arith.index_cast %multiple_of3A_315 : i32 to index
      %get3A_319 = tpu.vector_load %arg8[%get3A_318] {strides = array<i32>} : memref<10032xi32, #tpu.memory_space<vmem>>, vector<16xi32>,
      %add3A_320 = arith.addi %mul3A_8, %get3A_299 : vector<16xi32>
      tpu.vector_store_idx %arg9[%add3A_320], %get3A_297 {add = true} : memref<32768xf32, #tpu.memory_space<vmem>>[vector<16xi32>], vector<16xf32>,
      tpu.vector_store_idx %arg10[%add3A_320], %broadcast_in_dim3A_5 {add = true} : memref<32768xf32, #tpu.memory_space<vmem>>[vector<16xi32>], vector<16xf32>,
      %mul3A_321 = arith.constant 400 : i32
      %mul3A_322 = arith.muli %scan3A_236, %mul3A_321 : i32
      %add3A_323 = arith.constant 160 : i32
      %add3A_324 = arith.addi %mul3A_322, %add3A_323 : i32
      %multiple_of3A_325 = tpu.assume_multiple %add3A_324, 16 : i32
      %get3A_326 = arith.index_cast %multiple_of3A_325 : i32 to index
      %get3A_327 = tpu.vector_load %arg6[%get3A_326] {strides = array<i32>} : memref<10032xf32, #tpu.memory_space<vmem>>, vector<16xf32>,
      %get3A_328 = arith.index_cast %multiple_of3A_325 : i32 to index
      %get3A_329 = tpu.vector_load %arg8[%get3A_328] {strides = array<i32>} : memref<10032xi32, #tpu.memory_space<vmem>>, vector<16xi32>,
      %add3A_330 = arith.addi %mul3A_8, %get3A_309 : vector<16xi32>
      tpu.vector_store_idx %arg9[%add3A_330], %get3A_307 {add = true} : memref<32768xf32, #tpu.memory_space<vmem>>[vector<16xi32>], vector<16xf32>,
      tpu.vector_store_idx %arg10[%add3A_330], %broadcast_in_dim3A_5 {add = true} : memref<32768xf32, #tpu.memory_space<vmem>>[vector<16xi32>], vector<16xf32>,
      %mul3A_331 = arith.constant 400 : i32
      %mul3A_332 = arith.muli %scan3A_236, %mul3A_331 : i32
      %add3A_333 = arith.constant 176 : i32
      %add3A_334 = arith.addi %mul3A_332, %add3A_333 : i32
      %multiple_of3A_335 = tpu.assume_multiple %add3A_334, 16 : i32
      %get3A_336 = arith.index_cast %multiple_of3A_335 : i32 to index
      %get3A_337 = tpu.vector_load %arg6[%get3A_336] {strides = array<i32>} : memref<10032xf32, #tpu.memory_space<vmem>>, vector<16xf32>,
      %get3A_338 = arith.index_cast %multiple_of3A_335 : i32 to index
      %get3A_339 = tpu.vector_load %arg8[%get3A_338] {strides = array<i32>} : memref<10032xi32, #tpu.memory_space<vmem>>, vector<16xi32>,
      %add3A_340 = arith.addi %mul3A_8, %get3A_319 : vector<16xi32>
      tpu.vector_store_idx %arg9[%add3A_340], %get3A_317 {add = true} : memref<32768xf32, #tpu.memory_space<vmem>>[vector<16xi32>], vector<16xf32>,
      tpu.vector_store_idx %arg10[%add3A_340], %broadcast_in_dim3A_5 {add = true} : memref<32768xf32, #tpu.memory_space<vmem>>[vector<16xi32>], vector<16xf32>,
      %mul3A_341 = arith.constant 400 : i32
      %mul3A_342 = arith.muli %scan3A_236, %mul3A_341 : i32
      %add3A_343 = arith.constant 192 : i32
      %add3A_344 = arith.addi %mul3A_342, %add3A_343 : i32
      %multiple_of3A_345 = tpu.assume_multiple %add3A_344, 16 : i32
      %get3A_346 = arith.index_cast %multiple_of3A_345 : i32 to index
      %get3A_347 = tpu.vector_load %arg6[%get3A_346] {strides = array<i32>} : memref<10032xf32, #tpu.memory_space<vmem>>, vector<16xf32>,
      %get3A_348 = arith.index_cast %multiple_of3A_345 : i32 to index
      %get3A_349 = tpu.vector_load %arg8[%get3A_348] {strides = array<i32>} : memref<10032xi32, #tpu.memory_space<vmem>>, vector<16xi32>,
      %add3A_350 = arith.addi %mul3A_8, %get3A_329 : vector<16xi32>
      tpu.vector_store_idx %arg9[%add3A_350], %get3A_327 {add = true} : memref<32768xf32, #tpu.memory_space<vmem>>[vector<16xi32>], vector<16xf32>,
      tpu.vector_store_idx %arg10[%add3A_350], %broadcast_in_dim3A_5 {add = true} : memref<32768xf32, #tpu.memory_space<vmem>>[vector<16xi32>], vector<16xf32>,
      %mul3A_351 = arith.constant 400 : i32
      %mul3A_352 = arith.muli %scan3A_236, %mul3A_351 : i32
      %add3A_353 = arith.constant 208 : i32
      %add3A_354 = arith.addi %mul3A_352, %add3A_353 : i32
      %multiple_of3A_355 = tpu.assume_multiple %add3A_354, 16 : i32
      %get3A_356 = arith.index_cast %multiple_of3A_355 : i32 to index
      %get3A_357 = tpu.vector_load %arg6[%get3A_356] {strides = array<i32>} : memref<10032xf32, #tpu.memory_space<vmem>>, vector<16xf32>,
      %get3A_358 = arith.index_cast %multiple_of3A_355 : i32 to index
      %get3A_359 = tpu.vector_load %arg8[%get3A_358] {strides = array<i32>} : memref<10032xi32, #tpu.memory_space<vmem>>, vector<16xi32>,
      %add3A_360 = arith.addi %mul3A_8, %get3A_339 : vector<16xi32>
      tpu.vector_store_idx %arg9[%add3A_360], %get3A_337 {add = true} : memref<32768xf32, #tpu.memory_space<vmem>>[vector<16xi32>], vector<16xf32>,
      tpu.vector_store_idx %arg10[%add3A_360], %broadcast_in_dim3A_5 {add = true} : memref<32768xf32, #tpu.memory_space<vmem>>[vector<16xi32>], vector<16xf32>,
      %mul3A_361 = arith.constant 400 : i32
      %mul3A_362 = arith.muli %scan3A_236, %mul3A_361 : i32
      %add3A_363 = arith.constant 224 : i32
      %add3A_364 = arith.addi %mul3A_362, %add3A_363 : i32
      %multiple_of3A_365 = tpu.assume_multiple %add3A_364, 16 : i32
      %get3A_366 = arith.index_cast %multiple_of3A_365 : i32 to index
      %get3A_367 = tpu.vector_load %arg6[%get3A_366] {strides = array<i32>} : memref<10032xf32, #tpu.memory_space<vmem>>, vector<16xf32>,
      %get3A_368 = arith.index_cast %multiple_of3A_365 : i32 to index
      %get3A_369 = tpu.vector_load %arg8[%get3A_368] {strides = array<i32>} : memref<10032xi32, #tpu.memory_space<vmem>>, vector<16xi32>,
      %add3A_370 = arith.addi %mul3A_8, %get3A_349 : vector<16xi32>
      tpu.vector_store_idx %arg9[%add3A_370], %get3A_347 {add = true} : memref<32768xf32, #tpu.memory_space<vmem>>[vector<16xi32>], vector<16xf32>,
      tpu.vector_store_idx %arg10[%add3A_370], %broadcast_in_dim3A_5 {add = true} : memref<32768xf32, #tpu.memory_space<vmem>>[vector<16xi32>], vector<16xf32>,
      %mul3A_371 = arith.constant 400 : i32
      %mul3A_372 = arith.muli %scan3A_236, %mul3A_371 : i32
      %add3A_373 = arith.constant 240 : i32
      %add3A_374 = arith.addi %mul3A_372, %add3A_373 : i32
      %multiple_of3A_375 = tpu.assume_multiple %add3A_374, 16 : i32
      %get3A_376 = arith.index_cast %multiple_of3A_375 : i32 to index
      %get3A_377 = tpu.vector_load %arg6[%get3A_376] {strides = array<i32>} : memref<10032xf32, #tpu.memory_space<vmem>>, vector<16xf32>,
      %get3A_378 = arith.index_cast %multiple_of3A_375 : i32 to index
      %get3A_379 = tpu.vector_load %arg8[%get3A_378] {strides = array<i32>} : memref<10032xi32, #tpu.memory_space<vmem>>, vector<16xi32>,
      %add3A_380 = arith.addi %mul3A_8, %get3A_359 : vector<16xi32>
      tpu.vector_store_idx %arg9[%add3A_380], %get3A_357 {add = true} : memref<32768xf32, #tpu.memory_space<vmem>>[vector<16xi32>], vector<16xf32>,
      tpu.vector_store_idx %arg10[%add3A_380], %broadcast_in_dim3A_5 {add = true} : memref<32768xf32, #tpu.memory_space<vmem>>[vector<16xi32>], vector<16xf32>,
      %mul3A_381 = arith.constant 400 : i32
      %mul3A_382 = arith.muli %scan3A_236, %mul3A_381 : i32
      %add3A_383 = arith.constant 256 : i32
      %add3A_384 = arith.addi %mul3A_382, %add3A_383 : i32
      %multiple_of3A_385 = tpu.assume_multiple %add3A_384, 16 : i32
      %get3A_386 = arith.index_cast %multiple_of3A_385 : i32 to index
      %get3A_387 = tpu.vector_load %arg6[%get3A_386] {strides = array<i32>} : memref<10032xf32, #tpu.memory_space<vmem>>, vector<16xf32>,
      %get3A_388 = arith.index_cast %multiple_of3A_385 : i32 to index
      %get3A_389 = tpu.vector_load %arg8[%get3A_388] {strides = array<i32>} : memref<10032xi32, #tpu.memory_space<vmem>>, vector<16xi32>,
      %add3A_390 = arith.addi %mul3A_8, %get3A_369 : vector<16xi32>
      tpu.vector_store_idx %arg9[%add3A_390], %get3A_367 {add = true} : memref<32768xf32, #tpu.memory_space<vmem>>[vector<16xi32>], vector<16xf32>,
      tpu.vector_store_idx %arg10[%add3A_390], %broadcast_in_dim3A_5 {add = true} : memref<32768xf32, #tpu.memory_space<vmem>>[vector<16xi32>], vector<16xf32>,
      %mul3A_391 = arith.constant 400 : i32
      %mul3A_392 = arith.muli %scan3A_236, %mul3A_391 : i32
      %add3A_393 = arith.constant 272 : i32
      %add3A_394 = arith.addi %mul3A_392, %add3A_393 : i32
      %multiple_of3A_395 = tpu.assume_multiple %add3A_394, 16 : i32
      %get3A_396 = arith.index_cast %multiple_of3A_395 : i32 to index
      %get3A_397 = tpu.vector_load %arg6[%get3A_396] {strides = array<i32>} : memref<10032xf32, #tpu.memory_space<vmem>>, vector<16xf32>,
      %get3A_398 = arith.index_cast %multiple_of3A_395 : i32 to index
      %get3A_399 = tpu.vector_load %arg8[%get3A_398] {strides = array<i32>} : memref<10032xi32, #tpu.memory_space<vmem>>, vector<16xi32>,
      %add3A_400 = arith.addi %mul3A_8, %get3A_379 : vector<16xi32>
      tpu.vector_store_idx %arg9[%add3A_400], %get3A_377 {add = true} : memref<32768xf32, #tpu.memory_space<vmem>>[vector<16xi32>], vector<16xf32>,
      tpu.vector_store_idx %arg10[%add3A_400], %broadcast_in_dim3A_5 {add = true} : memref<32768xf32, #tpu.memory_space<vmem>>[vector<16xi32>], vector<16xf32>,
      %mul3A_401 = arith.constant 400 : i32
      %mul3A_402 = arith.muli %scan3A_236, %mul3A_401 : i32
      %add3A_403 = arith.constant 288 : i32
      %add3A_404 = arith.addi %mul3A_402, %add3A_403 : i32
      %multiple_of3A_405 = tpu.assume_multiple %add3A_404, 16 : i32
      %get3A_406 = arith.index_cast %multiple_of3A_405 : i32 to index
      %get3A_407 = tpu.vector_load %arg6[%get3A_406] {strides = array<i32>} : memref<10032xf32, #tpu.memory_space<vmem>>, vector<16xf32>,
      %get3A_408 = arith.index_cast %multiple_of3A_405 : i32 to index
      %get3A_409 = tpu.vector_load %arg8[%get3A_408] {strides = array<i32>} : memref<10032xi32, #tpu.memory_space<vmem>>, vector<16xi32>,
      %add3A_410 = arith.addi %mul3A_8, %get3A_389 : vector<16xi32>
      tpu.vector_store_idx %arg9[%add3A_410], %get3A_387 {add = true} : memref<32768xf32, #tpu.memory_space<vmem>>[vector<16xi32>], vector<16xf32>,
      tpu.vector_store_idx %arg10[%add3A_410], %broadcast_in_dim3A_5 {add = true} : memref<32768xf32, #tpu.memory_space<vmem>>[vector<16xi32>], vector<16xf32>,
      %mul3A_411 = arith.constant 400 : i32
      %mul3A_412 = arith.muli %scan3A_236, %mul3A_411 : i32
      %add3A_413 = arith.constant 304 : i32
      %add3A_414 = arith.addi %mul3A_412, %add3A_413 : i32
      %multiple_of3A_415 = tpu.assume_multiple %add3A_414, 16 : i32
      %get3A_416 = arith.index_cast %multiple_of3A_415 : i32 to index
      %get3A_417 = tpu.vector_load %arg6[%get3A_416] {strides = array<i32>} : memref<10032xf32, #tpu.memory_space<vmem>>, vector<16xf32>,
      %get3A_418 = arith.index_cast %multiple_of3A_415 : i32 to index
      %get3A_419 = tpu.vector_load %arg8[%get3A_418] {strides = array<i32>} : memref<10032xi32, #tpu.memory_space<vmem>>, vector<16xi32>,
      %add3A_420 = arith.addi %mul3A_8, %get3A_399 : vector<16xi32>
      tpu.vector_store_idx %arg9[%add3A_420], %get3A_397 {add = true} : memref<32768xf32, #tpu.memory_space<vmem>>[vector<16xi32>], vector<16xf32>,
      tpu.vector_store_idx %arg10[%add3A_420], %broadcast_in_dim3A_5 {add = true} : memref<32768xf32, #tpu.memory_space<vmem>>[vector<16xi32>], vector<16xf32>,
      %mul3A_421 = arith.constant 400 : i32
      %mul3A_422 = arith.muli %scan3A_236, %mul3A_421 : i32
      %add3A_423 = arith.constant 320 : i32
      %add3A_424 = arith.addi %mul3A_422, %add3A_423 : i32
      %multiple_of3A_425 = tpu.assume_multiple %add3A_424, 16 : i32
      %get3A_426 = arith.index_cast %multiple_of3A_425 : i32 to index
      %get3A_427 = tpu.vector_load %arg6[%get3A_426] {strides = array<i32>} : memref<10032xf32, #tpu.memory_space<vmem>>, vector<16xf32>,
      %get3A_428 = arith.index_cast %multiple_of3A_425 : i32 to index
      %get3A_429 = tpu.vector_load %arg8[%get3A_428] {strides = array<i32>} : memref<10032xi32, #tpu.memory_space<vmem>>, vector<16xi32>,
      %add3A_430 = arith.addi %mul3A_8, %get3A_409 : vector<16xi32>
      tpu.vector_store_idx %arg9[%add3A_430], %get3A_407 {add = true} : memref<32768xf32, #tpu.memory_space<vmem>>[vector<16xi32>], vector<16xf32>,
      tpu.vector_store_idx %arg10[%add3A_430], %broadcast_in_dim3A_5 {add = true} : memref<32768xf32, #tpu.memory_space<vmem>>[vector<16xi32>], vector<16xf32>,
      %mul3A_431 = arith.constant 400 : i32
      %mul3A_432 = arith.muli %scan3A_236, %mul3A_431 : i32
      %add3A_433 = arith.constant 336 : i32
      %add3A_434 = arith.addi %mul3A_432, %add3A_433 : i32
      %multiple_of3A_435 = tpu.assume_multiple %add3A_434, 16 : i32
      %get3A_436 = arith.index_cast %multiple_of3A_435 : i32 to index
      %get3A_437 = tpu.vector_load %arg6[%get3A_436] {strides = array<i32>} : memref<10032xf32, #tpu.memory_space<vmem>>, vector<16xf32>,
      %get3A_438 = arith.index_cast %multiple_of3A_435 : i32 to index
      %get3A_439 = tpu.vector_load %arg8[%get3A_438] {strides = array<i32>} : memref<10032xi32, #tpu.memory_space<vmem>>, vector<16xi32>,
      %add3A_440 = arith.addi %mul3A_8, %get3A_419 : vector<16xi32>
      tpu.vector_store_idx %arg9[%add3A_440], %get3A_417 {add = true} : memref<32768xf32, #tpu.memory_space<vmem>>[vector<16xi32>], vector<16xf32>,
      tpu.vector_store_idx %arg10[%add3A_440], %broadcast_in_dim3A_5 {add = true} : memref<32768xf32, #tpu.memory_space<vmem>>[vector<16xi32>], vector<16xf32>,
      %mul3A_441 = arith.constant 400 : i32
      %mul3A_442 = arith.muli %scan3A_236, %mul3A_441 : i32
      %add3A_443 = arith.constant 352 : i32
      %add3A_444 = arith.addi %mul3A_442, %add3A_443 : i32
      %multiple_of3A_445 = tpu.assume_multiple %add3A_444, 16 : i32
      %get3A_446 = arith.index_cast %multiple_of3A_445 : i32 to index
      %get3A_447 = tpu.vector_load %arg6[%get3A_446] {strides = array<i32>} : memref<10032xf32, #tpu.memory_space<vmem>>, vector<16xf32>,
      %get3A_448 = arith.index_cast %multiple_of3A_445 : i32 to index
      %get3A_449 = tpu.vector_load %arg8[%get3A_448] {strides = array<i32>} : memref<10032xi32, #tpu.memory_space<vmem>>, vector<16xi32>,
      %add3A_450 = arith.addi %mul3A_8, %get3A_429 : vector<16xi32>
      tpu.vector_store_idx %arg9[%add3A_450], %get3A_427 {add = true} : memref<32768xf32, #tpu.memory_space<vmem>>[vector<16xi32>], vector<16xf32>,
      tpu.vector_store_idx %arg10[%add3A_450], %broadcast_in_dim3A_5 {add = true} : memref<32768xf32, #tpu.memory_space<vmem>>[vector<16xi32>], vector<16xf32>,
      %mul3A_451 = arith.constant 400 : i32
      %mul3A_452 = arith.muli %scan3A_236, %mul3A_451 : i32
      %add3A_453 = arith.constant 368 : i32
      %add3A_454 = arith.addi %mul3A_452, %add3A_453 : i32
      %multiple_of3A_455 = tpu.assume_multiple %add3A_454, 16 : i32
      %get3A_456 = arith.index_cast %multiple_of3A_455 : i32 to index
      %get3A_457 = tpu.vector_load %arg6[%get3A_456] {strides = array<i32>} : memref<10032xf32, #tpu.memory_space<vmem>>, vector<16xf32>,
      %get3A_458 = arith.index_cast %multiple_of3A_455 : i32 to index
      %get3A_459 = tpu.vector_load %arg8[%get3A_458] {strides = array<i32>} : memref<10032xi32, #tpu.memory_space<vmem>>, vector<16xi32>,
      %add3A_460 = arith.addi %mul3A_8, %get3A_439 : vector<16xi32>
      tpu.vector_store_idx %arg9[%add3A_460], %get3A_437 {add = true} : memref<32768xf32, #tpu.memory_space<vmem>>[vector<16xi32>], vector<16xf32>,
      tpu.vector_store_idx %arg10[%add3A_460], %broadcast_in_dim3A_5 {add = true} : memref<32768xf32, #tpu.memory_space<vmem>>[vector<16xi32>], vector<16xf32>,
      %mul3A_461 = arith.constant 400 : i32
      %mul3A_462 = arith.muli %scan3A_236, %mul3A_461 : i32
      %add3A_463 = arith.constant 384 : i32
      %add3A_464 = arith.addi %mul3A_462, %add3A_463 : i32
      %multiple_of3A_465 = tpu.assume_multiple %add3A_464, 16 : i32
      %get3A_466 = arith.index_cast %multiple_of3A_465 : i32 to index
      %get3A_467 = tpu.vector_load %arg6[%get3A_466] {strides = array<i32>} : memref<10032xf32, #tpu.memory_space<vmem>>, vector<16xf32>,
      %get3A_468 = arith.index_cast %multiple_of3A_465 : i32 to index
      %get3A_469 = tpu.vector_load %arg8[%get3A_468] {strides = array<i32>} : memref<10032xi32, #tpu.memory_space<vmem>>, vector<16xi32>,
      %add3A_470 = arith.addi %mul3A_8, %get3A_449 : vector<16xi32>
      tpu.vector_store_idx %arg9[%add3A_470], %get3A_447 {add = true} : memref<32768xf32, #tpu.memory_space<vmem>>[vector<16xi32>], vector<16xf32>,
      tpu.vector_store_idx %arg10[%add3A_470], %broadcast_in_dim3A_5 {add = true} : memref<32768xf32, #tpu.memory_space<vmem>>[vector<16xi32>], vector<16xf32>,
      %mul3A_471 = arith.constant 400 : i32
      %mul3A_472 = arith.muli %scan3A_236, %mul3A_471 : i32
      %add3A_473 = arith.constant 400 : i32
      %add3A_474 = arith.addi %mul3A_472, %add3A_473 : i32
      %multiple_of3A_475 = tpu.assume_multiple %add3A_474, 16 : i32
      %get3A_476 = arith.index_cast %multiple_of3A_475 : i32 to index
      %get3A_477 = tpu.vector_load %arg6[%get3A_476] {strides = array<i32>} : memref<10032xf32, #tpu.memory_space<vmem>>, vector<16xf32>,
      %get3A_478 = arith.index_cast %multiple_of3A_475 : i32 to index
      %get3A_479 = tpu.vector_load %arg8[%get3A_478] {strides = array<i32>} : memref<10032xi32, #tpu.memory_space<vmem>>, vector<16xi32>,
      %add3A_480 = arith.addi %mul3A_8, %get3A_459 : vector<16xi32>
      tpu.vector_store_idx %arg9[%add3A_480], %get3A_457 {add = true} : memref<32768xf32, #tpu.memory_space<vmem>>[vector<16xi32>], vector<16xf32>,
      tpu.vector_store_idx %arg10[%add3A_480], %broadcast_in_dim3A_5 {add = true} : memref<32768xf32, #tpu.memory_space<vmem>>[vector<16xi32>], vector<16xf32>,
      %mul3A_481 = arith.constant 400 : i32
      %mul3A_482 = arith.muli %scan3A_236, %mul3A_481 : i32
      %add3A_483 = arith.constant 416 : i32
      %add3A_484 = arith.addi %mul3A_482, %add3A_483 : i32
      %multiple_of3A_485 = tpu.assume_multiple %add3A_484, 16 : i32
      %get3A_486 = arith.index_cast %multiple_of3A_485 : i32 to index
      %get3A_487 = tpu.vector_load %arg6[%get3A_486] {strides = array<i32>} : memref<10032xf32, #tpu.memory_space<vmem>>, vector<16xf32>,
      %get3A_488 = arith.index_cast %multiple_of3A_485 : i32 to index
      %get3A_489 = tpu.vector_load %arg8[%get3A_488] {strides = array<i32>} : memref<10032xi32, #tpu.memory_space<vmem>>, vector<16xi32>,
      %add3A_490 = arith.addi %mul3A_8, %get3A_469 : vector<16xi32>
      tpu.vector_store_idx %arg9[%add3A_490], %get3A_467 {add = true} : memref<32768xf32, #tpu.memory_space<vmem>>[vector<16xi32>], vector<16xf32>,
      tpu.vector_store_idx %arg10[%add3A_490], %broadcast_in_dim3A_5 {add = true} : memref<32768xf32, #tpu.memory_space<vmem>>[vector<16xi32>], vector<16xf32>,
      scf.yield %get3A_477, %get3A_479, %get3A_487, %get3A_489 : vector<16xf32>, vector<16xi32>, vector<16xf32>, vector<16xi32>
    }
    %scan3A_111 = arith.constant 25 : i32
    %dma_wait3A_112 = arith.constant 0 : i32
    %dma_wait3A_113 = tpu.memref_slice %arg5[%dma_wait3A_112] : memref<10032xf32, #tpu.memory_space<vmem>> -> memref<10000xf32, #tpu.memory_space<vmem>>
    %dma_wait3A_114 = tpu.memref_slice %arg2[%add3A_81] : memref<1600000xf32, #tpu.memory_space<hbm>> -> memref<10000xf32, #tpu.memory_space<hbm>>
    %dma_wait3A_115 = arith.constant 0 : i32
    %dma_wait3A_116 = tpu.memref_slice %arg5[%dma_wait3A_115] : memref<10032xf32, #tpu.memory_space<vmem>> -> memref<10000xf32, #tpu.memory_space<vmem>>
    %dma_wait3A_117 = tpu.memref_slice %arg2[%add3A_81] : memref<1600000xf32, #tpu.memory_space<hbm>> -> memref<10000xf32, #tpu.memory_space<hbm>>
    tpu.wait_dma2 semaphore(%arg11 : memref<!tpu.dma_semaphore, #tpu.memory_space<semaphore_mem>>) src(%dma_wait3A_117 : memref<10000xf32, #tpu.memory_space<hbm>>) dst(%dma_wait3A_116 : memref<10000xf32, #tpu.memory_space<vmem>>)
    %dma_wait3A_118 = arith.constant 0 : i32
    %dma_wait3A_119 = tpu.memref_slice %arg7[%dma_wait3A_118] : memref<10032xi32, #tpu.memory_space<vmem>> -> memref<10000xi32, #tpu.memory_space<vmem>>
    %dma_wait3A_120 = tpu.memref_slice %arg3[%add3A_81] : memref<1600000xi32, #tpu.memory_space<hbm>> -> memref<10000xi32, #tpu.memory_space<hbm>>
    %dma_wait3A_121 = arith.constant 0 : i32
    %dma_wait3A_122 = tpu.memref_slice %arg7[%dma_wait3A_121] : memref<10032xi32, #tpu.memory_space<vmem>> -> memref<10000xi32, #tpu.memory_space<vmem>>
    %dma_wait3A_123 = tpu.memref_slice %arg3[%add3A_81] : memref<1600000xi32, #tpu.memory_space<hbm>> -> memref<10000xi32, #tpu.memory_space<hbm>>
    tpu.wait_dma2 semaphore(%arg11 : memref<!tpu.dma_semaphore, #tpu.memory_space<semaphore_mem>>) src(%dma_wait3A_123 : memref<10000xi32, #tpu.memory_space<hbm>>) dst(%dma_wait3A_122 : memref<10000xi32, #tpu.memory_space<vmem>>)
    %add3A_124 = arith.constant 30000 : i32
    %add3A_125 = arith.addi %mul3A_2, %add3A_124 : i32
    %dma_start3A_126 = arith.constant 0 : i32
    %dma_start3A_127 = tpu.memref_slice %arg6[%dma_start3A_126] : memref<10032xf32, #tpu.memory_space<vmem>> -> memref<10000xf32, #tpu.memory_space<vmem>>
    %dma_start3A_128 = tpu.memref_slice %arg2[%add3A_125] : memref<1600000xf32, #tpu.memory_space<hbm>> -> memref<10000xf32, #tpu.memory_space<hbm>>
    %dma_start3A_129 = arith.constant 0 : i32
    %dma_start3A_130 = tpu.memref_slice %arg6[%dma_start3A_129] : memref<10032xf32, #tpu.memory_space<vmem>> -> memref<10000xf32, #tpu.memory_space<vmem>>
    %dma_start3A_131 = tpu.memref_slice %arg2[%add3A_125] : memref<1600000xf32, #tpu.memory_space<hbm>> -> memref<10000xf32, #tpu.memory_space<hbm>>
    tpu.enqueue_dma source(%dma_start3A_131 : memref<10000xf32, #tpu.memory_space<hbm>>) target(%dma_start3A_130 : memref<10000xf32, #tpu.memory_space<vmem>>) target_semaphore(%arg12 : memref<!tpu.dma_semaphore, #tpu.memory_space<semaphore_mem>>)
    %dma_start3A_132 = arith.constant 0 : i32
    %dma_start3A_133 = tpu.memref_slice %arg8[%dma_start3A_132] : memref<10032xi32, #tpu.memory_space<vmem>> -> memref<10000xi32, #tpu.memory_space<vmem>>
    %dma_start3A_134 = tpu.memref_slice %arg3[%add3A_125] : memref<1600000xi32, #tpu.memory_space<hbm>> -> memref<10000xi32, #tpu.memory_space<hbm>>
    %dma_start3A_135 = arith.constant 0 : i32
    %dma_start3A_136 = tpu.memref_slice %arg8[%dma_start3A_135] : memref<10032xi32, #tpu.memory_space<vmem>> -> memref<10000xi32, #tpu.memory_space<vmem>>
    %dma_start3A_137 = tpu.memref_slice %arg3[%add3A_125] : memref<1600000xi32, #tpu.memory_space<hbm>> -> memref<10000xi32, #tpu.memory_space<hbm>>
    tpu.enqueue_dma source(%dma_start3A_137 : memref<10000xi32, #tpu.memory_space<hbm>>) target(%dma_start3A_136 : memref<10000xi32, #tpu.memory_space<vmem>>) target_semaphore(%arg12 : memref<!tpu.dma_semaphore, #tpu.memory_space<semaphore_mem>>)
    %multiple_of3A_138 = arith.constant 0 : i32
    %multiple_of3A_139 = tpu.assume_multiple %multiple_of3A_138, 16 : i32
    %get3A_140 = arith.index_cast %multiple_of3A_139 : i32 to index
    %get3A_141 = tpu.vector_load %arg5[%get3A_140] {strides = array<i32>} : memref<10032xf32, #tpu.memory_space<vmem>>, vector<16xf32>,
    %get3A_142 = arith.index_cast %multiple_of3A_139 : i32 to index
    %get3A_143 = tpu.vector_load %arg7[%get3A_142] {strides = array<i32>} : memref<10032xi32, #tpu.memory_space<vmem>>, vector<16xi32>,
    %multiple_of3A_144 = arith.constant 16 : i32
    %multiple_of3A_145 = tpu.assume_multiple %multiple_of3A_144, 16 : i32
    %get3A_146 = arith.index_cast %multiple_of3A_145 : i32 to index
    %get3A_147 = tpu.vector_load %arg5[%get3A_146] {strides = array<i32>} : memref<10032xf32, #tpu.memory_space<vmem>>, vector<16xf32>,
    %get3A_148 = arith.index_cast %multiple_of3A_145 : i32 to index
    %get3A_149 = tpu.vector_load %arg7[%get3A_148] {strides = array<i32>} : memref<10032xi32, #tpu.memory_space<vmem>>, vector<16xi32>,
    %scan3A_150 = arith.constant 0 : i32
    %scan3A_151 = arith.constant 25 : i32
    %scan3A_152 = arith.addi %scan3A_150, %scan3A_151 : i32
    %scan3A_153 = arith.constant 1 : i32
    %scan3A_154:4 = scf.for %scan3A_236 = %scan3A_150 to %scan3A_152 step %scan3A_153 iter_args(%scan3A_237 = %get3A_141, %scan3A_238 = %get3A_143, %scan3A_239 = %get3A_147, %scan3A_240 = %get3A_149) -> (vector<16xf32>, vector<16xi32>, vector<16xf32>, vector<16xi32>)  : i32 {
      %mul3A_241 = arith.constant 400 : i32
      %mul3A_242 = arith.muli %scan3A_236, %mul3A_241 : i32
      %add3A_243 = arith.constant 32 : i32
      %add3A_244 = arith.addi %mul3A_242, %add3A_243 : i32
      %multiple_of3A_245 = tpu.assume_multiple %add3A_244, 16 : i32
      %get3A_246 = arith.index_cast %multiple_of3A_245 : i32 to index
      %get3A_247 = tpu.vector_load %arg5[%get3A_246] {strides = array<i32>} : memref<10032xf32, #tpu.memory_space<vmem>>, vector<16xf32>,
      %get3A_248 = arith.index_cast %multiple_of3A_245 : i32 to index
      %get3A_249 = tpu.vector_load %arg7[%get3A_248] {strides = array<i32>} : memref<10032xi32, #tpu.memory_space<vmem>>, vector<16xi32>,
      %add3A_250 = arith.addi %mul3A_8, %scan3A_238 : vector<16xi32>
      tpu.vector_store_idx %arg9[%add3A_250], %scan3A_237 {add = true} : memref<32768xf32, #tpu.memory_space<vmem>>[vector<16xi32>], vector<16xf32>,
      tpu.vector_store_idx %arg10[%add3A_250], %broadcast_in_dim3A_5 {add = true} : memref<32768xf32, #tpu.memory_space<vmem>>[vector<16xi32>], vector<16xf32>,
      %mul3A_251 = arith.constant 400 : i32
      %mul3A_252 = arith.muli %scan3A_236, %mul3A_251 : i32
      %add3A_253 = arith.constant 48 : i32
      %add3A_254 = arith.addi %mul3A_252, %add3A_253 : i32
      %multiple_of3A_255 = tpu.assume_multiple %add3A_254, 16 : i32
      %get3A_256 = arith.index_cast %multiple_of3A_255 : i32 to index
      %get3A_257 = tpu.vector_load %arg5[%get3A_256] {strides = array<i32>} : memref<10032xf32, #tpu.memory_space<vmem>>, vector<16xf32>,
      %get3A_258 = arith.index_cast %multiple_of3A_255 : i32 to index
      %get3A_259 = tpu.vector_load %arg7[%get3A_258] {strides = array<i32>} : memref<10032xi32, #tpu.memory_space<vmem>>, vector<16xi32>,
      %add3A_260 = arith.addi %mul3A_8, %scan3A_240 : vector<16xi32>
      tpu.vector_store_idx %arg9[%add3A_260], %scan3A_239 {add = true} : memref<32768xf32, #tpu.memory_space<vmem>>[vector<16xi32>], vector<16xf32>,
      tpu.vector_store_idx %arg10[%add3A_260], %broadcast_in_dim3A_5 {add = true} : memref<32768xf32, #tpu.memory_space<vmem>>[vector<16xi32>], vector<16xf32>,
      %mul3A_261 = arith.constant 400 : i32
      %mul3A_262 = arith.muli %scan3A_236, %mul3A_261 : i32
      %add3A_263 = arith.constant 64 : i32
      %add3A_264 = arith.addi %mul3A_262, %add3A_263 : i32
      %multiple_of3A_265 = tpu.assume_multiple %add3A_264, 16 : i32
      %get3A_266 = arith.index_cast %multiple_of3A_265 : i32 to index
      %get3A_267 = tpu.vector_load %arg5[%get3A_266] {strides = array<i32>} : memref<10032xf32, #tpu.memory_space<vmem>>, vector<16xf32>,
      %get3A_268 = arith.index_cast %multiple_of3A_265 : i32 to index
      %get3A_269 = tpu.vector_load %arg7[%get3A_268] {strides = array<i32>} : memref<10032xi32, #tpu.memory_space<vmem>>, vector<16xi32>,
      %add3A_270 = arith.addi %mul3A_8, %get3A_249 : vector<16xi32>
      tpu.vector_store_idx %arg9[%add3A_270], %get3A_247 {add = true} : memref<32768xf32, #tpu.memory_space<vmem>>[vector<16xi32>], vector<16xf32>,
      tpu.vector_store_idx %arg10[%add3A_270], %broadcast_in_dim3A_5 {add = true} : memref<32768xf32, #tpu.memory_space<vmem>>[vector<16xi32>], vector<16xf32>,
      %mul3A_271 = arith.constant 400 : i32
      %mul3A_272 = arith.muli %scan3A_236, %mul3A_271 : i32
      %add3A_273 = arith.constant 80 : i32
      %add3A_274 = arith.addi %mul3A_272, %add3A_273 : i32
      %multiple_of3A_275 = tpu.assume_multiple %add3A_274, 16 : i32
      %get3A_276 = arith.index_cast %multiple_of3A_275 : i32 to index
      %get3A_277 = tpu.vector_load %arg5[%get3A_276] {strides = array<i32>} : memref<10032xf32, #tpu.memory_space<vmem>>, vector<16xf32>,
      %get3A_278 = arith.index_cast %multiple_of3A_275 : i32 to index
      %get3A_279 = tpu.vector_load %arg7[%get3A_278] {strides = array<i32>} : memref<10032xi32, #tpu.memory_space<vmem>>, vector<16xi32>,
      %add3A_280 = arith.addi %mul3A_8, %get3A_259 : vector<16xi32>
      tpu.vector_store_idx %arg9[%add3A_280], %get3A_257 {add = true} : memref<32768xf32, #tpu.memory_space<vmem>>[vector<16xi32>], vector<16xf32>,
      tpu.vector_store_idx %arg10[%add3A_280], %broadcast_in_dim3A_5 {add = true} : memref<32768xf32, #tpu.memory_space<vmem>>[vector<16xi32>], vector<16xf32>,
      %mul3A_281 = arith.constant 400 : i32
      %mul3A_282 = arith.muli %scan3A_236, %mul3A_281 : i32
      %add3A_283 = arith.constant 96 : i32
      %add3A_284 = arith.addi %mul3A_282, %add3A_283 : i32
      %multiple_of3A_285 = tpu.assume_multiple %add3A_284, 16 : i32
      %get3A_286 = arith.index_cast %multiple_of3A_285 : i32 to index
      %get3A_287 = tpu.vector_load %arg5[%get3A_286] {strides = array<i32>} : memref<10032xf32, #tpu.memory_space<vmem>>, vector<16xf32>,
      %get3A_288 = arith.index_cast %multiple_of3A_285 : i32 to index
      %get3A_289 = tpu.vector_load %arg7[%get3A_288] {strides = array<i32>} : memref<10032xi32, #tpu.memory_space<vmem>>, vector<16xi32>,
      %add3A_290 = arith.addi %mul3A_8, %get3A_269 : vector<16xi32>
      tpu.vector_store_idx %arg9[%add3A_290], %get3A_267 {add = true} : memref<32768xf32, #tpu.memory_space<vmem>>[vector<16xi32>], vector<16xf32>,
      tpu.vector_store_idx %arg10[%add3A_290], %broadcast_in_dim3A_5 {add = true} : memref<32768xf32, #tpu.memory_space<vmem>>[vector<16xi32>], vector<16xf32>,
      %mul3A_291 = arith.constant 400 : i32
      %mul3A_292 = arith.muli %scan3A_236, %mul3A_291 : i32
      %add3A_293 = arith.constant 112 : i32
      %add3A_294 = arith.addi %mul3A_292, %add3A_293 : i32
      %multiple_of3A_295 = tpu.assume_multiple %add3A_294, 16 : i32
      %get3A_296 = arith.index_cast %multiple_of3A_295 : i32 to index
      %get3A_297 = tpu.vector_load %arg5[%get3A_296] {strides = array<i32>} : memref<10032xf32, #tpu.memory_space<vmem>>, vector<16xf32>,
      %get3A_298 = arith.index_cast %multiple_of3A_295 : i32 to index
      %get3A_299 = tpu.vector_load %arg7[%get3A_298] {strides = array<i32>} : memref<10032xi32, #tpu.memory_space<vmem>>, vector<16xi32>,
      %add3A_300 = arith.addi %mul3A_8, %get3A_279 : vector<16xi32>
      tpu.vector_store_idx %arg9[%add3A_300], %get3A_277 {add = true} : memref<32768xf32, #tpu.memory_space<vmem>>[vector<16xi32>], vector<16xf32>,
      tpu.vector_store_idx %arg10[%add3A_300], %broadcast_in_dim3A_5 {add = true} : memref<32768xf32, #tpu.memory_space<vmem>>[vector<16xi32>], vector<16xf32>,
      %mul3A_301 = arith.constant 400 : i32
      %mul3A_302 = arith.muli %scan3A_236, %mul3A_301 : i32
      %add3A_303 = arith.constant 128 : i32
      %add3A_304 = arith.addi %mul3A_302, %add3A_303 : i32
      %multiple_of3A_305 = tpu.assume_multiple %add3A_304, 16 : i32
      %get3A_306 = arith.index_cast %multiple_of3A_305 : i32 to index
      %get3A_307 = tpu.vector_load %arg5[%get3A_306] {strides = array<i32>} : memref<10032xf32, #tpu.memory_space<vmem>>, vector<16xf32>,
      %get3A_308 = arith.index_cast %multiple_of3A_305 : i32 to index
      %get3A_309 = tpu.vector_load %arg7[%get3A_308] {strides = array<i32>} : memref<10032xi32, #tpu.memory_space<vmem>>, vector<16xi32>,
      %add3A_310 = arith.addi %mul3A_8, %get3A_289 : vector<16xi32>
      tpu.vector_store_idx %arg9[%add3A_310], %get3A_287 {add = true} : memref<32768xf32, #tpu.memory_space<vmem>>[vector<16xi32>], vector<16xf32>,
      tpu.vector_store_idx %arg10[%add3A_310], %broadcast_in_dim3A_5 {add = true} : memref<32768xf32, #tpu.memory_space<vmem>>[vector<16xi32>], vector<16xf32>,
      %mul3A_311 = arith.constant 400 : i32
      %mul3A_312 = arith.muli %scan3A_236, %mul3A_311 : i32
      %add3A_313 = arith.constant 144 : i32
      %add3A_314 = arith.addi %mul3A_312, %add3A_313 : i32
      %multiple_of3A_315 = tpu.assume_multiple %add3A_314, 16 : i32
      %get3A_316 = arith.index_cast %multiple_of3A_315 : i32 to index
      %get3A_317 = tpu.vector_load %arg5[%get3A_316] {strides = array<i32>} : memref<10032xf32, #tpu.memory_space<vmem>>, vector<16xf32>,
      %get3A_318 = arith.index_cast %multiple_of3A_315 : i32 to index
      %get3A_319 = tpu.vector_load %arg7[%get3A_318] {strides = array<i32>} : memref<10032xi32, #tpu.memory_space<vmem>>, vector<16xi32>,
      %add3A_320 = arith.addi %mul3A_8, %get3A_299 : vector<16xi32>
      tpu.vector_store_idx %arg9[%add3A_320], %get3A_297 {add = true} : memref<32768xf32, #tpu.memory_space<vmem>>[vector<16xi32>], vector<16xf32>,
      tpu.vector_store_idx %arg10[%add3A_320], %broadcast_in_dim3A_5 {add = true} : memref<32768xf32, #tpu.memory_space<vmem>>[vector<16xi32>], vector<16xf32>,
      %mul3A_321 = arith.constant 400 : i32
      %mul3A_322 = arith.muli %scan3A_236, %mul3A_321 : i32
      %add3A_323 = arith.constant 160 : i32
      %add3A_324 = arith.addi %mul3A_322, %add3A_323 : i32
      %multiple_of3A_325 = tpu.assume_multiple %add3A_324, 16 : i32
      %get3A_326 = arith.index_cast %multiple_of3A_325 : i32 to index
      %get3A_327 = tpu.vector_load %arg5[%get3A_326] {strides = array<i32>} : memref<10032xf32, #tpu.memory_space<vmem>>, vector<16xf32>,
      %get3A_328 = arith.index_cast %multiple_of3A_325 : i32 to index
      %get3A_329 = tpu.vector_load %arg7[%get3A_328] {strides = array<i32>} : memref<10032xi32, #tpu.memory_space<vmem>>, vector<16xi32>,
      %add3A_330 = arith.addi %mul3A_8, %get3A_309 : vector<16xi32>
      tpu.vector_store_idx %arg9[%add3A_330], %get3A_307 {add = true} : memref<32768xf32, #tpu.memory_space<vmem>>[vector<16xi32>], vector<16xf32>,
      tpu.vector_store_idx %arg10[%add3A_330], %broadcast_in_dim3A_5 {add = true} : memref<32768xf32, #tpu.memory_space<vmem>>[vector<16xi32>], vector<16xf32>,
      %mul3A_331 = arith.constant 400 : i32
      %mul3A_332 = arith.muli %scan3A_236, %mul3A_331 : i32
      %add3A_333 = arith.constant 176 : i32
      %add3A_334 = arith.addi %mul3A_332, %add3A_333 : i32
      %multiple_of3A_335 = tpu.assume_multiple %add3A_334, 16 : i32
      %get3A_336 = arith.index_cast %multiple_of3A_335 : i32 to index
      %get3A_337 = tpu.vector_load %arg5[%get3A_336] {strides = array<i32>} : memref<10032xf32, #tpu.memory_space<vmem>>, vector<16xf32>,
      %get3A_338 = arith.index_cast %multiple_of3A_335 : i32 to index
      %get3A_339 = tpu.vector_load %arg7[%get3A_338] {strides = array<i32>} : memref<10032xi32, #tpu.memory_space<vmem>>, vector<16xi32>,
      %add3A_340 = arith.addi %mul3A_8, %get3A_319 : vector<16xi32>
      tpu.vector_store_idx %arg9[%add3A_340], %get3A_317 {add = true} : memref<32768xf32, #tpu.memory_space<vmem>>[vector<16xi32>], vector<16xf32>,
      tpu.vector_store_idx %arg10[%add3A_340], %broadcast_in_dim3A_5 {add = true} : memref<32768xf32, #tpu.memory_space<vmem>>[vector<16xi32>], vector<16xf32>,
      %mul3A_341 = arith.constant 400 : i32
      %mul3A_342 = arith.muli %scan3A_236, %mul3A_341 : i32
      %add3A_343 = arith.constant 192 : i32
      %add3A_344 = arith.addi %mul3A_342, %add3A_343 : i32
      %multiple_of3A_345 = tpu.assume_multiple %add3A_344, 16 : i32
      %get3A_346 = arith.index_cast %multiple_of3A_345 : i32 to index
      %get3A_347 = tpu.vector_load %arg5[%get3A_346] {strides = array<i32>} : memref<10032xf32, #tpu.memory_space<vmem>>, vector<16xf32>,
      %get3A_348 = arith.index_cast %multiple_of3A_345 : i32 to index
      %get3A_349 = tpu.vector_load %arg7[%get3A_348] {strides = array<i32>} : memref<10032xi32, #tpu.memory_space<vmem>>, vector<16xi32>,
      %add3A_350 = arith.addi %mul3A_8, %get3A_329 : vector<16xi32>
      tpu.vector_store_idx %arg9[%add3A_350], %get3A_327 {add = true} : memref<32768xf32, #tpu.memory_space<vmem>>[vector<16xi32>], vector<16xf32>,
      tpu.vector_store_idx %arg10[%add3A_350], %broadcast_in_dim3A_5 {add = true} : memref<32768xf32, #tpu.memory_space<vmem>>[vector<16xi32>], vector<16xf32>,
      %mul3A_351 = arith.constant 400 : i32
      %mul3A_352 = arith.muli %scan3A_236, %mul3A_351 : i32
      %add3A_353 = arith.constant 208 : i32
      %add3A_354 = arith.addi %mul3A_352, %add3A_353 : i32
      %multiple_of3A_355 = tpu.assume_multiple %add3A_354, 16 : i32
      %get3A_356 = arith.index_cast %multiple_of3A_355 : i32 to index
      %get3A_357 = tpu.vector_load %arg5[%get3A_356] {strides = array<i32>} : memref<10032xf32, #tpu.memory_space<vmem>>, vector<16xf32>,
      %get3A_358 = arith.index_cast %multiple_of3A_355 : i32 to index
      %get3A_359 = tpu.vector_load %arg7[%get3A_358] {strides = array<i32>} : memref<10032xi32, #tpu.memory_space<vmem>>, vector<16xi32>,
      %add3A_360 = arith.addi %mul3A_8, %get3A_339 : vector<16xi32>
      tpu.vector_store_idx %arg9[%add3A_360], %get3A_337 {add = true} : memref<32768xf32, #tpu.memory_space<vmem>>[vector<16xi32>], vector<16xf32>,
      tpu.vector_store_idx %arg10[%add3A_360], %broadcast_in_dim3A_5 {add = true} : memref<32768xf32, #tpu.memory_space<vmem>>[vector<16xi32>], vector<16xf32>,
      %mul3A_361 = arith.constant 400 : i32
      %mul3A_362 = arith.muli %scan3A_236, %mul3A_361 : i32
      %add3A_363 = arith.constant 224 : i32
      %add3A_364 = arith.addi %mul3A_362, %add3A_363 : i32
      %multiple_of3A_365 = tpu.assume_multiple %add3A_364, 16 : i32
      %get3A_366 = arith.index_cast %multiple_of3A_365 : i32 to index
      %get3A_367 = tpu.vector_load %arg5[%get3A_366] {strides = array<i32>} : memref<10032xf32, #tpu.memory_space<vmem>>, vector<16xf32>,
      %get3A_368 = arith.index_cast %multiple_of3A_365 : i32 to index
      %get3A_369 = tpu.vector_load %arg7[%get3A_368] {strides = array<i32>} : memref<10032xi32, #tpu.memory_space<vmem>>, vector<16xi32>,
      %add3A_370 = arith.addi %mul3A_8, %get3A_349 : vector<16xi32>
      tpu.vector_store_idx %arg9[%add3A_370], %get3A_347 {add = true} : memref<32768xf32, #tpu.memory_space<vmem>>[vector<16xi32>], vector<16xf32>,
      tpu.vector_store_idx %arg10[%add3A_370], %broadcast_in_dim3A_5 {add = true} : memref<32768xf32, #tpu.memory_space<vmem>>[vector<16xi32>], vector<16xf32>,
      %mul3A_371 = arith.constant 400 : i32
      %mul3A_372 = arith.muli %scan3A_236, %mul3A_371 : i32
      %add3A_373 = arith.constant 240 : i32
      %add3A_374 = arith.addi %mul3A_372, %add3A_373 : i32
      %multiple_of3A_375 = tpu.assume_multiple %add3A_374, 16 : i32
      %get3A_376 = arith.index_cast %multiple_of3A_375 : i32 to index
      %get3A_377 = tpu.vector_load %arg5[%get3A_376] {strides = array<i32>} : memref<10032xf32, #tpu.memory_space<vmem>>, vector<16xf32>,
      %get3A_378 = arith.index_cast %multiple_of3A_375 : i32 to index
      %get3A_379 = tpu.vector_load %arg7[%get3A_378] {strides = array<i32>} : memref<10032xi32, #tpu.memory_space<vmem>>, vector<16xi32>,
      %add3A_380 = arith.addi %mul3A_8, %get3A_359 : vector<16xi32>
      tpu.vector_store_idx %arg9[%add3A_380], %get3A_357 {add = true} : memref<32768xf32, #tpu.memory_space<vmem>>[vector<16xi32>], vector<16xf32>,
      tpu.vector_store_idx %arg10[%add3A_380], %broadcast_in_dim3A_5 {add = true} : memref<32768xf32, #tpu.memory_space<vmem>>[vector<16xi32>], vector<16xf32>,
      %mul3A_381 = arith.constant 400 : i32
      %mul3A_382 = arith.muli %scan3A_236, %mul3A_381 : i32
      %add3A_383 = arith.constant 256 : i32
      %add3A_384 = arith.addi %mul3A_382, %add3A_383 : i32
      %multiple_of3A_385 = tpu.assume_multiple %add3A_384, 16 : i32
      %get3A_386 = arith.index_cast %multiple_of3A_385 : i32 to index
      %get3A_387 = tpu.vector_load %arg5[%get3A_386] {strides = array<i32>} : memref<10032xf32, #tpu.memory_space<vmem>>, vector<16xf32>,
      %get3A_388 = arith.index_cast %multiple_of3A_385 : i32 to index
      %get3A_389 = tpu.vector_load %arg7[%get3A_388] {strides = array<i32>} : memref<10032xi32, #tpu.memory_space<vmem>>, vector<16xi32>,
      %add3A_390 = arith.addi %mul3A_8, %get3A_369 : vector<16xi32>
      tpu.vector_store_idx %arg9[%add3A_390], %get3A_367 {add = true} : memref<32768xf32, #tpu.memory_space<vmem>>[vector<16xi32>], vector<16xf32>,
      tpu.vector_store_idx %arg10[%add3A_390], %broadcast_in_dim3A_5 {add = true} : memref<32768xf32, #tpu.memory_space<vmem>>[vector<16xi32>], vector<16xf32>,
      %mul3A_391 = arith.constant 400 : i32
      %mul3A_392 = arith.muli %scan3A_236, %mul3A_391 : i32
      %add3A_393 = arith.constant 272 : i32
      %add3A_394 = arith.addi %mul3A_392, %add3A_393 : i32
      %multiple_of3A_395 = tpu.assume_multiple %add3A_394, 16 : i32
      %get3A_396 = arith.index_cast %multiple_of3A_395 : i32 to index
      %get3A_397 = tpu.vector_load %arg5[%get3A_396] {strides = array<i32>} : memref<10032xf32, #tpu.memory_space<vmem>>, vector<16xf32>,
      %get3A_398 = arith.index_cast %multiple_of3A_395 : i32 to index
      %get3A_399 = tpu.vector_load %arg7[%get3A_398] {strides = array<i32>} : memref<10032xi32, #tpu.memory_space<vmem>>, vector<16xi32>,
      %add3A_400 = arith.addi %mul3A_8, %get3A_379 : vector<16xi32>
      tpu.vector_store_idx %arg9[%add3A_400], %get3A_377 {add = true} : memref<32768xf32, #tpu.memory_space<vmem>>[vector<16xi32>], vector<16xf32>,
      tpu.vector_store_idx %arg10[%add3A_400], %broadcast_in_dim3A_5 {add = true} : memref<32768xf32, #tpu.memory_space<vmem>>[vector<16xi32>], vector<16xf32>,
      %mul3A_401 = arith.constant 400 : i32
      %mul3A_402 = arith.muli %scan3A_236, %mul3A_401 : i32
      %add3A_403 = arith.constant 288 : i32
      %add3A_404 = arith.addi %mul3A_402, %add3A_403 : i32
      %multiple_of3A_405 = tpu.assume_multiple %add3A_404, 16 : i32
      %get3A_406 = arith.index_cast %multiple_of3A_405 : i32 to index
      %get3A_407 = tpu.vector_load %arg5[%get3A_406] {strides = array<i32>} : memref<10032xf32, #tpu.memory_space<vmem>>, vector<16xf32>,
      %get3A_408 = arith.index_cast %multiple_of3A_405 : i32 to index
      %get3A_409 = tpu.vector_load %arg7[%get3A_408] {strides = array<i32>} : memref<10032xi32, #tpu.memory_space<vmem>>, vector<16xi32>,
      %add3A_410 = arith.addi %mul3A_8, %get3A_389 : vector<16xi32>
      tpu.vector_store_idx %arg9[%add3A_410], %get3A_387 {add = true} : memref<32768xf32, #tpu.memory_space<vmem>>[vector<16xi32>], vector<16xf32>,
      tpu.vector_store_idx %arg10[%add3A_410], %broadcast_in_dim3A_5 {add = true} : memref<32768xf32, #tpu.memory_space<vmem>>[vector<16xi32>], vector<16xf32>,
      %mul3A_411 = arith.constant 400 : i32
      %mul3A_412 = arith.muli %scan3A_236, %mul3A_411 : i32
      %add3A_413 = arith.constant 304 : i32
      %add3A_414 = arith.addi %mul3A_412, %add3A_413 : i32
      %multiple_of3A_415 = tpu.assume_multiple %add3A_414, 16 : i32
      %get3A_416 = arith.index_cast %multiple_of3A_415 : i32 to index
      %get3A_417 = tpu.vector_load %arg5[%get3A_416] {strides = array<i32>} : memref<10032xf32, #tpu.memory_space<vmem>>, vector<16xf32>,
      %get3A_418 = arith.index_cast %multiple_of3A_415 : i32 to index
      %get3A_419 = tpu.vector_load %arg7[%get3A_418] {strides = array<i32>} : memref<10032xi32, #tpu.memory_space<vmem>>, vector<16xi32>,
      %add3A_420 = arith.addi %mul3A_8, %get3A_399 : vector<16xi32>
      tpu.vector_store_idx %arg9[%add3A_420], %get3A_397 {add = true} : memref<32768xf32, #tpu.memory_space<vmem>>[vector<16xi32>], vector<16xf32>,
      tpu.vector_store_idx %arg10[%add3A_420], %broadcast_in_dim3A_5 {add = true} : memref<32768xf32, #tpu.memory_space<vmem>>[vector<16xi32>], vector<16xf32>,
      %mul3A_421 = arith.constant 400 : i32
      %mul3A_422 = arith.muli %scan3A_236, %mul3A_421 : i32
      %add3A_423 = arith.constant 320 : i32
      %add3A_424 = arith.addi %mul3A_422, %add3A_423 : i32
      %multiple_of3A_425 = tpu.assume_multiple %add3A_424, 16 : i32
      %get3A_426 = arith.index_cast %multiple_of3A_425 : i32 to index
      %get3A_427 = tpu.vector_load %arg5[%get3A_426] {strides = array<i32>} : memref<10032xf32, #tpu.memory_space<vmem>>, vector<16xf32>,
      %get3A_428 = arith.index_cast %multiple_of3A_425 : i32 to index
      %get3A_429 = tpu.vector_load %arg7[%get3A_428] {strides = array<i32>} : memref<10032xi32, #tpu.memory_space<vmem>>, vector<16xi32>,
      %add3A_430 = arith.addi %mul3A_8, %get3A_409 : vector<16xi32>
      tpu.vector_store_idx %arg9[%add3A_430], %get3A_407 {add = true} : memref<32768xf32, #tpu.memory_space<vmem>>[vector<16xi32>], vector<16xf32>,
      tpu.vector_store_idx %arg10[%add3A_430], %broadcast_in_dim3A_5 {add = true} : memref<32768xf32, #tpu.memory_space<vmem>>[vector<16xi32>], vector<16xf32>,
      %mul3A_431 = arith.constant 400 : i32
      %mul3A_432 = arith.muli %scan3A_236, %mul3A_431 : i32
      %add3A_433 = arith.constant 336 : i32
      %add3A_434 = arith.addi %mul3A_432, %add3A_433 : i32
      %multiple_of3A_435 = tpu.assume_multiple %add3A_434, 16 : i32
      %get3A_436 = arith.index_cast %multiple_of3A_435 : i32 to index
      %get3A_437 = tpu.vector_load %arg5[%get3A_436] {strides = array<i32>} : memref<10032xf32, #tpu.memory_space<vmem>>, vector<16xf32>,
      %get3A_438 = arith.index_cast %multiple_of3A_435 : i32 to index
      %get3A_439 = tpu.vector_load %arg7[%get3A_438] {strides = array<i32>} : memref<10032xi32, #tpu.memory_space<vmem>>, vector<16xi32>,
      %add3A_440 = arith.addi %mul3A_8, %get3A_419 : vector<16xi32>
      tpu.vector_store_idx %arg9[%add3A_440], %get3A_417 {add = true} : memref<32768xf32, #tpu.memory_space<vmem>>[vector<16xi32>], vector<16xf32>,
      tpu.vector_store_idx %arg10[%add3A_440], %broadcast_in_dim3A_5 {add = true} : memref<32768xf32, #tpu.memory_space<vmem>>[vector<16xi32>], vector<16xf32>,
      %mul3A_441 = arith.constant 400 : i32
      %mul3A_442 = arith.muli %scan3A_236, %mul3A_441 : i32
      %add3A_443 = arith.constant 352 : i32
      %add3A_444 = arith.addi %mul3A_442, %add3A_443 : i32
      %multiple_of3A_445 = tpu.assume_multiple %add3A_444, 16 : i32
      %get3A_446 = arith.index_cast %multiple_of3A_445 : i32 to index
      %get3A_447 = tpu.vector_load %arg5[%get3A_446] {strides = array<i32>} : memref<10032xf32, #tpu.memory_space<vmem>>, vector<16xf32>,
      %get3A_448 = arith.index_cast %multiple_of3A_445 : i32 to index
      %get3A_449 = tpu.vector_load %arg7[%get3A_448] {strides = array<i32>} : memref<10032xi32, #tpu.memory_space<vmem>>, vector<16xi32>,
      %add3A_450 = arith.addi %mul3A_8, %get3A_429 : vector<16xi32>
      tpu.vector_store_idx %arg9[%add3A_450], %get3A_427 {add = true} : memref<32768xf32, #tpu.memory_space<vmem>>[vector<16xi32>], vector<16xf32>,
      tpu.vector_store_idx %arg10[%add3A_450], %broadcast_in_dim3A_5 {add = true} : memref<32768xf32, #tpu.memory_space<vmem>>[vector<16xi32>], vector<16xf32>,
      %mul3A_451 = arith.constant 400 : i32
      %mul3A_452 = arith.muli %scan3A_236, %mul3A_451 : i32
      %add3A_453 = arith.constant 368 : i32
      %add3A_454 = arith.addi %mul3A_452, %add3A_453 : i32
      %multiple_of3A_455 = tpu.assume_multiple %add3A_454, 16 : i32
      %get3A_456 = arith.index_cast %multiple_of3A_455 : i32 to index
      %get3A_457 = tpu.vector_load %arg5[%get3A_456] {strides = array<i32>} : memref<10032xf32, #tpu.memory_space<vmem>>, vector<16xf32>,
      %get3A_458 = arith.index_cast %multiple_of3A_455 : i32 to index
      %get3A_459 = tpu.vector_load %arg7[%get3A_458] {strides = array<i32>} : memref<10032xi32, #tpu.memory_space<vmem>>, vector<16xi32>,
      %add3A_460 = arith.addi %mul3A_8, %get3A_439 : vector<16xi32>
      tpu.vector_store_idx %arg9[%add3A_460], %get3A_437 {add = true} : memref<32768xf32, #tpu.memory_space<vmem>>[vector<16xi32>], vector<16xf32>,
      tpu.vector_store_idx %arg10[%add3A_460], %broadcast_in_dim3A_5 {add = true} : memref<32768xf32, #tpu.memory_space<vmem>>[vector<16xi32>], vector<16xf32>,
      %mul3A_461 = arith.constant 400 : i32
      %mul3A_462 = arith.muli %scan3A_236, %mul3A_461 : i32
      %add3A_463 = arith.constant 384 : i32
      %add3A_464 = arith.addi %mul3A_462, %add3A_463 : i32
      %multiple_of3A_465 = tpu.assume_multiple %add3A_464, 16 : i32
      %get3A_466 = arith.index_cast %multiple_of3A_465 : i32 to index
      %get3A_467 = tpu.vector_load %arg5[%get3A_466] {strides = array<i32>} : memref<10032xf32, #tpu.memory_space<vmem>>, vector<16xf32>,
      %get3A_468 = arith.index_cast %multiple_of3A_465 : i32 to index
      %get3A_469 = tpu.vector_load %arg7[%get3A_468] {strides = array<i32>} : memref<10032xi32, #tpu.memory_space<vmem>>, vector<16xi32>,
      %add3A_470 = arith.addi %mul3A_8, %get3A_449 : vector<16xi32>
      tpu.vector_store_idx %arg9[%add3A_470], %get3A_447 {add = true} : memref<32768xf32, #tpu.memory_space<vmem>>[vector<16xi32>], vector<16xf32>,
      tpu.vector_store_idx %arg10[%add3A_470], %broadcast_in_dim3A_5 {add = true} : memref<32768xf32, #tpu.memory_space<vmem>>[vector<16xi32>], vector<16xf32>,
      %mul3A_471 = arith.constant 400 : i32
      %mul3A_472 = arith.muli %scan3A_236, %mul3A_471 : i32
      %add3A_473 = arith.constant 400 : i32
      %add3A_474 = arith.addi %mul3A_472, %add3A_473 : i32
      %multiple_of3A_475 = tpu.assume_multiple %add3A_474, 16 : i32
      %get3A_476 = arith.index_cast %multiple_of3A_475 : i32 to index
      %get3A_477 = tpu.vector_load %arg5[%get3A_476] {strides = array<i32>} : memref<10032xf32, #tpu.memory_space<vmem>>, vector<16xf32>,
      %get3A_478 = arith.index_cast %multiple_of3A_475 : i32 to index
      %get3A_479 = tpu.vector_load %arg7[%get3A_478] {strides = array<i32>} : memref<10032xi32, #tpu.memory_space<vmem>>, vector<16xi32>,
      %add3A_480 = arith.addi %mul3A_8, %get3A_459 : vector<16xi32>
      tpu.vector_store_idx %arg9[%add3A_480], %get3A_457 {add = true} : memref<32768xf32, #tpu.memory_space<vmem>>[vector<16xi32>], vector<16xf32>,
      tpu.vector_store_idx %arg10[%add3A_480], %broadcast_in_dim3A_5 {add = true} : memref<32768xf32, #tpu.memory_space<vmem>>[vector<16xi32>], vector<16xf32>,
      %mul3A_481 = arith.constant 400 : i32
      %mul3A_482 = arith.muli %scan3A_236, %mul3A_481 : i32
      %add3A_483 = arith.constant 416 : i32
      %add3A_484 = arith.addi %mul3A_482, %add3A_483 : i32
      %multiple_of3A_485 = tpu.assume_multiple %add3A_484, 16 : i32
      %get3A_486 = arith.index_cast %multiple_of3A_485 : i32 to index
      %get3A_487 = tpu.vector_load %arg5[%get3A_486] {strides = array<i32>} : memref<10032xf32, #tpu.memory_space<vmem>>, vector<16xf32>,
      %get3A_488 = arith.index_cast %multiple_of3A_485 : i32 to index
      %get3A_489 = tpu.vector_load %arg7[%get3A_488] {strides = array<i32>} : memref<10032xi32, #tpu.memory_space<vmem>>, vector<16xi32>,
      %add3A_490 = arith.addi %mul3A_8, %get3A_469 : vector<16xi32>
      tpu.vector_store_idx %arg9[%add3A_490], %get3A_467 {add = true} : memref<32768xf32, #tpu.memory_space<vmem>>[vector<16xi32>], vector<16xf32>,
      tpu.vector_store_idx %arg10[%add3A_490], %broadcast_in_dim3A_5 {add = true} : memref<32768xf32, #tpu.memory_space<vmem>>[vector<16xi32>], vector<16xf32>,
      scf.yield %get3A_477, %get3A_479, %get3A_487, %get3A_489 : vector<16xf32>, vector<16xi32>, vector<16xf32>, vector<16xi32>
    }
    %scan3A_155 = arith.constant 25 : i32
    %dma_wait3A_156 = arith.constant 0 : i32
    %dma_wait3A_157 = tpu.memref_slice %arg6[%dma_wait3A_156] : memref<10032xf32, #tpu.memory_space<vmem>> -> memref<10000xf32, #tpu.memory_space<vmem>>
    %dma_wait3A_158 = tpu.memref_slice %arg2[%add3A_125] : memref<1600000xf32, #tpu.memory_space<hbm>> -> memref<10000xf32, #tpu.memory_space<hbm>>
    %dma_wait3A_159 = arith.constant 0 : i32
    %dma_wait3A_160 = tpu.memref_slice %arg6[%dma_wait3A_159] : memref<10032xf32, #tpu.memory_space<vmem>> -> memref<10000xf32, #tpu.memory_space<vmem>>
    %dma_wait3A_161 = tpu.memref_slice %arg2[%add3A_125] : memref<1600000xf32, #tpu.memory_space<hbm>> -> memref<10000xf32, #tpu.memory_space<hbm>>
    tpu.wait_dma2 semaphore(%arg12 : memref<!tpu.dma_semaphore, #tpu.memory_space<semaphore_mem>>) src(%dma_wait3A_161 : memref<10000xf32, #tpu.memory_space<hbm>>) dst(%dma_wait3A_160 : memref<10000xf32, #tpu.memory_space<vmem>>)
    %dma_wait3A_162 = arith.constant 0 : i32
    %dma_wait3A_163 = tpu.memref_slice %arg8[%dma_wait3A_162] : memref<10032xi32, #tpu.memory_space<vmem>> -> memref<10000xi32, #tpu.memory_space<vmem>>
    %dma_wait3A_164 = tpu.memref_slice %arg3[%add3A_125] : memref<1600000xi32, #tpu.memory_space<hbm>> -> memref<10000xi32, #tpu.memory_space<hbm>>
    %dma_wait3A_165 = arith.constant 0 : i32
    %dma_wait3A_166 = tpu.memref_slice %arg8[%dma_wait3A_165] : memref<10032xi32, #tpu.memory_space<vmem>> -> memref<10000xi32, #tpu.memory_space<vmem>>
    %dma_wait3A_167 = tpu.memref_slice %arg3[%add3A_125] : memref<1600000xi32, #tpu.memory_space<hbm>> -> memref<10000xi32, #tpu.memory_space<hbm>>
    tpu.wait_dma2 semaphore(%arg12 : memref<!tpu.dma_semaphore, #tpu.memory_space<semaphore_mem>>) src(%dma_wait3A_167 : memref<10000xi32, #tpu.memory_space<hbm>>) dst(%dma_wait3A_166 : memref<10000xi32, #tpu.memory_space<vmem>>)
    %add3A_168 = arith.constant 40000 : i32
    %add3A_169 = arith.addi %mul3A_2, %add3A_168 : i32
    %dma_start3A_170 = arith.constant 0 : i32
    %dma_start3A_171 = tpu.memref_slice %arg5[%dma_start3A_170] : memref<10032xf32, #tpu.memory_space<vmem>> -> memref<10000xf32, #tpu.memory_space<vmem>>
    %dma_start3A_172 = tpu.memref_slice %arg2[%add3A_169] : memref<1600000xf32, #tpu.memory_space<hbm>> -> memref<10000xf32, #tpu.memory_space<hbm>>
    %dma_start3A_173 = arith.constant 0 : i32
    %dma_start3A_174 = tpu.memref_slice %arg5[%dma_start3A_173] : memref<10032xf32, #tpu.memory_space<vmem>> -> memref<10000xf32, #tpu.memory_space<vmem>>
    %dma_start3A_175 = tpu.memref_slice %arg2[%add3A_169] : memref<1600000xf32, #tpu.memory_space<hbm>> -> memref<10000xf32, #tpu.memory_space<hbm>>
    tpu.enqueue_dma source(%dma_start3A_175 : memref<10000xf32, #tpu.memory_space<hbm>>) target(%dma_start3A_174 : memref<10000xf32, #tpu.memory_space<vmem>>) target_semaphore(%arg11 : memref<!tpu.dma_semaphore, #tpu.memory_space<semaphore_mem>>)
    %dma_start3A_176 = arith.constant 0 : i32
    %dma_start3A_177 = tpu.memref_slice %arg7[%dma_start3A_176] : memref<10032xi32, #tpu.memory_space<vmem>> -> memref<10000xi32, #tpu.memory_space<vmem>>
    %dma_start3A_178 = tpu.memref_slice %arg3[%add3A_169] : memref<1600000xi32, #tpu.memory_space<hbm>> -> memref<10000xi32, #tpu.memory_space<hbm>>
    %dma_start3A_179 = arith.constant 0 : i32
    %dma_start3A_180 = tpu.memref_slice %arg7[%dma_start3A_179] : memref<10032xi32, #tpu.memory_space<vmem>> -> memref<10000xi32, #tpu.memory_space<vmem>>
    %dma_start3A_181 = tpu.memref_slice %arg3[%add3A_169] : memref<1600000xi32, #tpu.memory_space<hbm>> -> memref<10000xi32, #tpu.memory_space<hbm>>
    tpu.enqueue_dma source(%dma_start3A_181 : memref<10000xi32, #tpu.memory_space<hbm>>) target(%dma_start3A_180 : memref<10000xi32, #tpu.memory_space<vmem>>) target_semaphore(%arg11 : memref<!tpu.dma_semaphore, #tpu.memory_space<semaphore_mem>>)
    %multiple_of3A_182 = arith.constant 0 : i32
    %multiple_of3A_183 = tpu.assume_multiple %multiple_of3A_182, 16 : i32
    %get3A_184 = arith.index_cast %multiple_of3A_183 : i32 to index
    %get3A_185 = tpu.vector_load %arg6[%get3A_184] {strides = array<i32>} : memref<10032xf32, #tpu.memory_space<vmem>>, vector<16xf32>,
    %get3A_186 = arith.index_cast %multiple_of3A_183 : i32 to index
    %get3A_187 = tpu.vector_load %arg8[%get3A_186] {strides = array<i32>} : memref<10032xi32, #tpu.memory_space<vmem>>, vector<16xi32>,
    %multiple_of3A_188 = arith.constant 16 : i32
    %multiple_of3A_189 = tpu.assume_multiple %multiple_of3A_188, 16 : i32
    %get3A_190 = arith.index_cast %multiple_of3A_189 : i32 to index
    %get3A_191 = tpu.vector_load %arg6[%get3A_190] {strides = array<i32>} : memref<10032xf32, #tpu.memory_space<vmem>>, vector<16xf32>,
    %get3A_192 = arith.index_cast %multiple_of3A_189 : i32 to index
    %get3A_193 = tpu.vector_load %arg8[%get3A_192] {strides = array<i32>} : memref<10032xi32, #tpu.memory_space<vmem>>, vector<16xi32>,
    %scan3A_194 = arith.constant 0 : i32
    %scan3A_195 = arith.constant 25 : i32
    %scan3A_196 = arith.addi %scan3A_194, %scan3A_195 : i32
    %scan3A_197 = arith.constant 1 : i32
    %scan3A_198:4 = scf.for %scan3A_236 = %scan3A_194 to %scan3A_196 step %scan3A_197 iter_args(%scan3A_237 = %get3A_185, %scan3A_238 = %get3A_187, %scan3A_239 = %get3A_191, %scan3A_240 = %get3A_193) -> (vector<16xf32>, vector<16xi32>, vector<16xf32>, vector<16xi32>)  : i32 {
      %mul3A_241 = arith.constant 400 : i32
      %mul3A_242 = arith.muli %scan3A_236, %mul3A_241 : i32
      %add3A_243 = arith.constant 32 : i32
      %add3A_244 = arith.addi %mul3A_242, %add3A_243 : i32
      %multiple_of3A_245 = tpu.assume_multiple %add3A_244, 16 : i32
      %get3A_246 = arith.index_cast %multiple_of3A_245 : i32 to index
      %get3A_247 = tpu.vector_load %arg6[%get3A_246] {strides = array<i32>} : memref<10032xf32, #tpu.memory_space<vmem>>, vector<16xf32>,
      %get3A_248 = arith.index_cast %multiple_of3A_245 : i32 to index
      %get3A_249 = tpu.vector_load %arg8[%get3A_248] {strides = array<i32>} : memref<10032xi32, #tpu.memory_space<vmem>>, vector<16xi32>,
      %add3A_250 = arith.addi %mul3A_8, %scan3A_238 : vector<16xi32>
      tpu.vector_store_idx %arg9[%add3A_250], %scan3A_237 {add = true} : memref<32768xf32, #tpu.memory_space<vmem>>[vector<16xi32>], vector<16xf32>,
      tpu.vector_store_idx %arg10[%add3A_250], %broadcast_in_dim3A_5 {add = true} : memref<32768xf32, #tpu.memory_space<vmem>>[vector<16xi32>], vector<16xf32>,
      %mul3A_251 = arith.constant 400 : i32
      %mul3A_252 = arith.muli %scan3A_236, %mul3A_251 : i32
      %add3A_253 = arith.constant 48 : i32
      %add3A_254 = arith.addi %mul3A_252, %add3A_253 : i32
      %multiple_of3A_255 = tpu.assume_multiple %add3A_254, 16 : i32
      %get3A_256 = arith.index_cast %multiple_of3A_255 : i32 to index
      %get3A_257 = tpu.vector_load %arg6[%get3A_256] {strides = array<i32>} : memref<10032xf32, #tpu.memory_space<vmem>>, vector<16xf32>,
      %get3A_258 = arith.index_cast %multiple_of3A_255 : i32 to index
      %get3A_259 = tpu.vector_load %arg8[%get3A_258] {strides = array<i32>} : memref<10032xi32, #tpu.memory_space<vmem>>, vector<16xi32>,
      %add3A_260 = arith.addi %mul3A_8, %scan3A_240 : vector<16xi32>
      tpu.vector_store_idx %arg9[%add3A_260], %scan3A_239 {add = true} : memref<32768xf32, #tpu.memory_space<vmem>>[vector<16xi32>], vector<16xf32>,
      tpu.vector_store_idx %arg10[%add3A_260], %broadcast_in_dim3A_5 {add = true} : memref<32768xf32, #tpu.memory_space<vmem>>[vector<16xi32>], vector<16xf32>,
      %mul3A_261 = arith.constant 400 : i32
      %mul3A_262 = arith.muli %scan3A_236, %mul3A_261 : i32
      %add3A_263 = arith.constant 64 : i32
      %add3A_264 = arith.addi %mul3A_262, %add3A_263 : i32
      %multiple_of3A_265 = tpu.assume_multiple %add3A_264, 16 : i32
      %get3A_266 = arith.index_cast %multiple_of3A_265 : i32 to index
      %get3A_267 = tpu.vector_load %arg6[%get3A_266] {strides = array<i32>} : memref<10032xf32, #tpu.memory_space<vmem>>, vector<16xf32>,
      %get3A_268 = arith.index_cast %multiple_of3A_265 : i32 to index
      %get3A_269 = tpu.vector_load %arg8[%get3A_268] {strides = array<i32>} : memref<10032xi32, #tpu.memory_space<vmem>>, vector<16xi32>,
      %add3A_270 = arith.addi %mul3A_8, %get3A_249 : vector<16xi32>
      tpu.vector_store_idx %arg9[%add3A_270], %get3A_247 {add = true} : memref<32768xf32, #tpu.memory_space<vmem>>[vector<16xi32>], vector<16xf32>,
      tpu.vector_store_idx %arg10[%add3A_270], %broadcast_in_dim3A_5 {add = true} : memref<32768xf32, #tpu.memory_space<vmem>>[vector<16xi32>], vector<16xf32>,
      %mul3A_271 = arith.constant 400 : i32
      %mul3A_272 = arith.muli %scan3A_236, %mul3A_271 : i32
      %add3A_273 = arith.constant 80 : i32
      %add3A_274 = arith.addi %mul3A_272, %add3A_273 : i32
      %multiple_of3A_275 = tpu.assume_multiple %add3A_274, 16 : i32
      %get3A_276 = arith.index_cast %multiple_of3A_275 : i32 to index
      %get3A_277 = tpu.vector_load %arg6[%get3A_276] {strides = array<i32>} : memref<10032xf32, #tpu.memory_space<vmem>>, vector<16xf32>,
      %get3A_278 = arith.index_cast %multiple_of3A_275 : i32 to index
      %get3A_279 = tpu.vector_load %arg8[%get3A_278] {strides = array<i32>} : memref<10032xi32, #tpu.memory_space<vmem>>, vector<16xi32>,
      %add3A_280 = arith.addi %mul3A_8, %get3A_259 : vector<16xi32>
      tpu.vector_store_idx %arg9[%add3A_280], %get3A_257 {add = true} : memref<32768xf32, #tpu.memory_space<vmem>>[vector<16xi32>], vector<16xf32>,
      tpu.vector_store_idx %arg10[%add3A_280], %broadcast_in_dim3A_5 {add = true} : memref<32768xf32, #tpu.memory_space<vmem>>[vector<16xi32>], vector<16xf32>,
      %mul3A_281 = arith.constant 400 : i32
      %mul3A_282 = arith.muli %scan3A_236, %mul3A_281 : i32
      %add3A_283 = arith.constant 96 : i32
      %add3A_284 = arith.addi %mul3A_282, %add3A_283 : i32
      %multiple_of3A_285 = tpu.assume_multiple %add3A_284, 16 : i32
      %get3A_286 = arith.index_cast %multiple_of3A_285 : i32 to index
      %get3A_287 = tpu.vector_load %arg6[%get3A_286] {strides = array<i32>} : memref<10032xf32, #tpu.memory_space<vmem>>, vector<16xf32>,
      %get3A_288 = arith.index_cast %multiple_of3A_285 : i32 to index
      %get3A_289 = tpu.vector_load %arg8[%get3A_288] {strides = array<i32>} : memref<10032xi32, #tpu.memory_space<vmem>>, vector<16xi32>,
      %add3A_290 = arith.addi %mul3A_8, %get3A_269 : vector<16xi32>
      tpu.vector_store_idx %arg9[%add3A_290], %get3A_267 {add = true} : memref<32768xf32, #tpu.memory_space<vmem>>[vector<16xi32>], vector<16xf32>,
      tpu.vector_store_idx %arg10[%add3A_290], %broadcast_in_dim3A_5 {add = true} : memref<32768xf32, #tpu.memory_space<vmem>>[vector<16xi32>], vector<16xf32>,
      %mul3A_291 = arith.constant 400 : i32
      %mul3A_292 = arith.muli %scan3A_236, %mul3A_291 : i32
      %add3A_293 = arith.constant 112 : i32
      %add3A_294 = arith.addi %mul3A_292, %add3A_293 : i32
      %multiple_of3A_295 = tpu.assume_multiple %add3A_294, 16 : i32
      %get3A_296 = arith.index_cast %multiple_of3A_295 : i32 to index
      %get3A_297 = tpu.vector_load %arg6[%get3A_296] {strides = array<i32>} : memref<10032xf32, #tpu.memory_space<vmem>>, vector<16xf32>,
      %get3A_298 = arith.index_cast %multiple_of3A_295 : i32 to index
      %get3A_299 = tpu.vector_load %arg8[%get3A_298] {strides = array<i32>} : memref<10032xi32, #tpu.memory_space<vmem>>, vector<16xi32>,
      %add3A_300 = arith.addi %mul3A_8, %get3A_279 : vector<16xi32>
      tpu.vector_store_idx %arg9[%add3A_300], %get3A_277 {add = true} : memref<32768xf32, #tpu.memory_space<vmem>>[vector<16xi32>], vector<16xf32>,
      tpu.vector_store_idx %arg10[%add3A_300], %broadcast_in_dim3A_5 {add = true} : memref<32768xf32, #tpu.memory_space<vmem>>[vector<16xi32>], vector<16xf32>,
      %mul3A_301 = arith.constant 400 : i32
      %mul3A_302 = arith.muli %scan3A_236, %mul3A_301 : i32
      %add3A_303 = arith.constant 128 : i32
      %add3A_304 = arith.addi %mul3A_302, %add3A_303 : i32
      %multiple_of3A_305 = tpu.assume_multiple %add3A_304, 16 : i32
      %get3A_306 = arith.index_cast %multiple_of3A_305 : i32 to index
      %get3A_307 = tpu.vector_load %arg6[%get3A_306] {strides = array<i32>} : memref<10032xf32, #tpu.memory_space<vmem>>, vector<16xf32>,
      %get3A_308 = arith.index_cast %multiple_of3A_305 : i32 to index
      %get3A_309 = tpu.vector_load %arg8[%get3A_308] {strides = array<i32>} : memref<10032xi32, #tpu.memory_space<vmem>>, vector<16xi32>,
      %add3A_310 = arith.addi %mul3A_8, %get3A_289 : vector<16xi32>
      tpu.vector_store_idx %arg9[%add3A_310], %get3A_287 {add = true} : memref<32768xf32, #tpu.memory_space<vmem>>[vector<16xi32>], vector<16xf32>,
      tpu.vector_store_idx %arg10[%add3A_310], %broadcast_in_dim3A_5 {add = true} : memref<32768xf32, #tpu.memory_space<vmem>>[vector<16xi32>], vector<16xf32>,
      %mul3A_311 = arith.constant 400 : i32
      %mul3A_312 = arith.muli %scan3A_236, %mul3A_311 : i32
      %add3A_313 = arith.constant 144 : i32
      %add3A_314 = arith.addi %mul3A_312, %add3A_313 : i32
      %multiple_of3A_315 = tpu.assume_multiple %add3A_314, 16 : i32
      %get3A_316 = arith.index_cast %multiple_of3A_315 : i32 to index
      %get3A_317 = tpu.vector_load %arg6[%get3A_316] {strides = array<i32>} : memref<10032xf32, #tpu.memory_space<vmem>>, vector<16xf32>,
      %get3A_318 = arith.index_cast %multiple_of3A_315 : i32 to index
      %get3A_319 = tpu.vector_load %arg8[%get3A_318] {strides = array<i32>} : memref<10032xi32, #tpu.memory_space<vmem>>, vector<16xi32>,
      %add3A_320 = arith.addi %mul3A_8, %get3A_299 : vector<16xi32>
      tpu.vector_store_idx %arg9[%add3A_320], %get3A_297 {add = true} : memref<32768xf32, #tpu.memory_space<vmem>>[vector<16xi32>], vector<16xf32>,
      tpu.vector_store_idx %arg10[%add3A_320], %broadcast_in_dim3A_5 {add = true} : memref<32768xf32, #tpu.memory_space<vmem>>[vector<16xi32>], vector<16xf32>,
      %mul3A_321 = arith.constant 400 : i32
      %mul3A_322 = arith.muli %scan3A_236, %mul3A_321 : i32
      %add3A_323 = arith.constant 160 : i32
      %add3A_324 = arith.addi %mul3A_322, %add3A_323 : i32
      %multiple_of3A_325 = tpu.assume_multiple %add3A_324, 16 : i32
      %get3A_326 = arith.index_cast %multiple_of3A_325 : i32 to index
      %get3A_327 = tpu.vector_load %arg6[%get3A_326] {strides = array<i32>} : memref<10032xf32, #tpu.memory_space<vmem>>, vector<16xf32>,
      %get3A_328 = arith.index_cast %multiple_of3A_325 : i32 to index
      %get3A_329 = tpu.vector_load %arg8[%get3A_328] {strides = array<i32>} : memref<10032xi32, #tpu.memory_space<vmem>>, vector<16xi32>,
      %add3A_330 = arith.addi %mul3A_8, %get3A_309 : vector<16xi32>
      tpu.vector_store_idx %arg9[%add3A_330], %get3A_307 {add = true} : memref<32768xf32, #tpu.memory_space<vmem>>[vector<16xi32>], vector<16xf32>,
      tpu.vector_store_idx %arg10[%add3A_330], %broadcast_in_dim3A_5 {add = true} : memref<32768xf32, #tpu.memory_space<vmem>>[vector<16xi32>], vector<16xf32>,
      %mul3A_331 = arith.constant 400 : i32
      %mul3A_332 = arith.muli %scan3A_236, %mul3A_331 : i32
      %add3A_333 = arith.constant 176 : i32
      %add3A_334 = arith.addi %mul3A_332, %add3A_333 : i32
      %multiple_of3A_335 = tpu.assume_multiple %add3A_334, 16 : i32
      %get3A_336 = arith.index_cast %multiple_of3A_335 : i32 to index
      %get3A_337 = tpu.vector_load %arg6[%get3A_336] {strides = array<i32>} : memref<10032xf32, #tpu.memory_space<vmem>>, vector<16xf32>,
      %get3A_338 = arith.index_cast %multiple_of3A_335 : i32 to index
      %get3A_339 = tpu.vector_load %arg8[%get3A_338] {strides = array<i32>} : memref<10032xi32, #tpu.memory_space<vmem>>, vector<16xi32>,
      %add3A_340 = arith.addi %mul3A_8, %get3A_319 : vector<16xi32>
      tpu.vector_store_idx %arg9[%add3A_340], %get3A_317 {add = true} : memref<32768xf32, #tpu.memory_space<vmem>>[vector<16xi32>], vector<16xf32>,
      tpu.vector_store_idx %arg10[%add3A_340], %broadcast_in_dim3A_5 {add = true} : memref<32768xf32, #tpu.memory_space<vmem>>[vector<16xi32>], vector<16xf32>,
      %mul3A_341 = arith.constant 400 : i32
      %mul3A_342 = arith.muli %scan3A_236, %mul3A_341 : i32
      %add3A_343 = arith.constant 192 : i32
      %add3A_344 = arith.addi %mul3A_342, %add3A_343 : i32
      %multiple_of3A_345 = tpu.assume_multiple %add3A_344, 16 : i32
      %get3A_346 = arith.index_cast %multiple_of3A_345 : i32 to index
      %get3A_347 = tpu.vector_load %arg6[%get3A_346] {strides = array<i32>} : memref<10032xf32, #tpu.memory_space<vmem>>, vector<16xf32>,
      %get3A_348 = arith.index_cast %multiple_of3A_345 : i32 to index
      %get3A_349 = tpu.vector_load %arg8[%get3A_348] {strides = array<i32>} : memref<10032xi32, #tpu.memory_space<vmem>>, vector<16xi32>,
      %add3A_350 = arith.addi %mul3A_8, %get3A_329 : vector<16xi32>
      tpu.vector_store_idx %arg9[%add3A_350], %get3A_327 {add = true} : memref<32768xf32, #tpu.memory_space<vmem>>[vector<16xi32>], vector<16xf32>,
      tpu.vector_store_idx %arg10[%add3A_350], %broadcast_in_dim3A_5 {add = true} : memref<32768xf32, #tpu.memory_space<vmem>>[vector<16xi32>], vector<16xf32>,
      %mul3A_351 = arith.constant 400 : i32
      %mul3A_352 = arith.muli %scan3A_236, %mul3A_351 : i32
      %add3A_353 = arith.constant 208 : i32
      %add3A_354 = arith.addi %mul3A_352, %add3A_353 : i32
      %multiple_of3A_355 = tpu.assume_multiple %add3A_354, 16 : i32
      %get3A_356 = arith.index_cast %multiple_of3A_355 : i32 to index
      %get3A_357 = tpu.vector_load %arg6[%get3A_356] {strides = array<i32>} : memref<10032xf32, #tpu.memory_space<vmem>>, vector<16xf32>,
      %get3A_358 = arith.index_cast %multiple_of3A_355 : i32 to index
      %get3A_359 = tpu.vector_load %arg8[%get3A_358] {strides = array<i32>} : memref<10032xi32, #tpu.memory_space<vmem>>, vector<16xi32>,
      %add3A_360 = arith.addi %mul3A_8, %get3A_339 : vector<16xi32>
      tpu.vector_store_idx %arg9[%add3A_360], %get3A_337 {add = true} : memref<32768xf32, #tpu.memory_space<vmem>>[vector<16xi32>], vector<16xf32>,
      tpu.vector_store_idx %arg10[%add3A_360], %broadcast_in_dim3A_5 {add = true} : memref<32768xf32, #tpu.memory_space<vmem>>[vector<16xi32>], vector<16xf32>,
      %mul3A_361 = arith.constant 400 : i32
      %mul3A_362 = arith.muli %scan3A_236, %mul3A_361 : i32
      %add3A_363 = arith.constant 224 : i32
      %add3A_364 = arith.addi %mul3A_362, %add3A_363 : i32
      %multiple_of3A_365 = tpu.assume_multiple %add3A_364, 16 : i32
      %get3A_366 = arith.index_cast %multiple_of3A_365 : i32 to index
      %get3A_367 = tpu.vector_load %arg6[%get3A_366] {strides = array<i32>} : memref<10032xf32, #tpu.memory_space<vmem>>, vector<16xf32>,
      %get3A_368 = arith.index_cast %multiple_of3A_365 : i32 to index
      %get3A_369 = tpu.vector_load %arg8[%get3A_368] {strides = array<i32>} : memref<10032xi32, #tpu.memory_space<vmem>>, vector<16xi32>,
      %add3A_370 = arith.addi %mul3A_8, %get3A_349 : vector<16xi32>
      tpu.vector_store_idx %arg9[%add3A_370], %get3A_347 {add = true} : memref<32768xf32, #tpu.memory_space<vmem>>[vector<16xi32>], vector<16xf32>,
      tpu.vector_store_idx %arg10[%add3A_370], %broadcast_in_dim3A_5 {add = true} : memref<32768xf32, #tpu.memory_space<vmem>>[vector<16xi32>], vector<16xf32>,
      %mul3A_371 = arith.constant 400 : i32
      %mul3A_372 = arith.muli %scan3A_236, %mul3A_371 : i32
      %add3A_373 = arith.constant 240 : i32
      %add3A_374 = arith.addi %mul3A_372, %add3A_373 : i32
      %multiple_of3A_375 = tpu.assume_multiple %add3A_374, 16 : i32
      %get3A_376 = arith.index_cast %multiple_of3A_375 : i32 to index
      %get3A_377 = tpu.vector_load %arg6[%get3A_376] {strides = array<i32>} : memref<10032xf32, #tpu.memory_space<vmem>>, vector<16xf32>,
      %get3A_378 = arith.index_cast %multiple_of3A_375 : i32 to index
      %get3A_379 = tpu.vector_load %arg8[%get3A_378] {strides = array<i32>} : memref<10032xi32, #tpu.memory_space<vmem>>, vector<16xi32>,
      %add3A_380 = arith.addi %mul3A_8, %get3A_359 : vector<16xi32>
      tpu.vector_store_idx %arg9[%add3A_380], %get3A_357 {add = true} : memref<32768xf32, #tpu.memory_space<vmem>>[vector<16xi32>], vector<16xf32>,
      tpu.vector_store_idx %arg10[%add3A_380], %broadcast_in_dim3A_5 {add = true} : memref<32768xf32, #tpu.memory_space<vmem>>[vector<16xi32>], vector<16xf32>,
      %mul3A_381 = arith.constant 400 : i32
      %mul3A_382 = arith.muli %scan3A_236, %mul3A_381 : i32
      %add3A_383 = arith.constant 256 : i32
      %add3A_384 = arith.addi %mul3A_382, %add3A_383 : i32
      %multiple_of3A_385 = tpu.assume_multiple %add3A_384, 16 : i32
      %get3A_386 = arith.index_cast %multiple_of3A_385 : i32 to index
      %get3A_387 = tpu.vector_load %arg6[%get3A_386] {strides = array<i32>} : memref<10032xf32, #tpu.memory_space<vmem>>, vector<16xf32>,
      %get3A_388 = arith.index_cast %multiple_of3A_385 : i32 to index
      %get3A_389 = tpu.vector_load %arg8[%get3A_388] {strides = array<i32>} : memref<10032xi32, #tpu.memory_space<vmem>>, vector<16xi32>,
      %add3A_390 = arith.addi %mul3A_8, %get3A_369 : vector<16xi32>
      tpu.vector_store_idx %arg9[%add3A_390], %get3A_367 {add = true} : memref<32768xf32, #tpu.memory_space<vmem>>[vector<16xi32>], vector<16xf32>,
      tpu.vector_store_idx %arg10[%add3A_390], %broadcast_in_dim3A_5 {add = true} : memref<32768xf32, #tpu.memory_space<vmem>>[vector<16xi32>], vector<16xf32>,
      %mul3A_391 = arith.constant 400 : i32
      %mul3A_392 = arith.muli %scan3A_236, %mul3A_391 : i32
      %add3A_393 = arith.constant 272 : i32
      %add3A_394 = arith.addi %mul3A_392, %add3A_393 : i32
      %multiple_of3A_395 = tpu.assume_multiple %add3A_394, 16 : i32
      %get3A_396 = arith.index_cast %multiple_of3A_395 : i32 to index
      %get3A_397 = tpu.vector_load %arg6[%get3A_396] {strides = array<i32>} : memref<10032xf32, #tpu.memory_space<vmem>>, vector<16xf32>,
      %get3A_398 = arith.index_cast %multiple_of3A_395 : i32 to index
      %get3A_399 = tpu.vector_load %arg8[%get3A_398] {strides = array<i32>} : memref<10032xi32, #tpu.memory_space<vmem>>, vector<16xi32>,
      %add3A_400 = arith.addi %mul3A_8, %get3A_379 : vector<16xi32>
      tpu.vector_store_idx %arg9[%add3A_400], %get3A_377 {add = true} : memref<32768xf32, #tpu.memory_space<vmem>>[vector<16xi32>], vector<16xf32>,
      tpu.vector_store_idx %arg10[%add3A_400], %broadcast_in_dim3A_5 {add = true} : memref<32768xf32, #tpu.memory_space<vmem>>[vector<16xi32>], vector<16xf32>,
      %mul3A_401 = arith.constant 400 : i32
      %mul3A_402 = arith.muli %scan3A_236, %mul3A_401 : i32
      %add3A_403 = arith.constant 288 : i32
      %add3A_404 = arith.addi %mul3A_402, %add3A_403 : i32
      %multiple_of3A_405 = tpu.assume_multiple %add3A_404, 16 : i32
      %get3A_406 = arith.index_cast %multiple_of3A_405 : i32 to index
      %get3A_407 = tpu.vector_load %arg6[%get3A_406] {strides = array<i32>} : memref<10032xf32, #tpu.memory_space<vmem>>, vector<16xf32>,
      %get3A_408 = arith.index_cast %multiple_of3A_405 : i32 to index
      %get3A_409 = tpu.vector_load %arg8[%get3A_408] {strides = array<i32>} : memref<10032xi32, #tpu.memory_space<vmem>>, vector<16xi32>,
      %add3A_410 = arith.addi %mul3A_8, %get3A_389 : vector<16xi32>
      tpu.vector_store_idx %arg9[%add3A_410], %get3A_387 {add = true} : memref<32768xf32, #tpu.memory_space<vmem>>[vector<16xi32>], vector<16xf32>,
      tpu.vector_store_idx %arg10[%add3A_410], %broadcast_in_dim3A_5 {add = true} : memref<32768xf32, #tpu.memory_space<vmem>>[vector<16xi32>], vector<16xf32>,
      %mul3A_411 = arith.constant 400 : i32
      %mul3A_412 = arith.muli %scan3A_236, %mul3A_411 : i32
      %add3A_413 = arith.constant 304 : i32
      %add3A_414 = arith.addi %mul3A_412, %add3A_413 : i32
      %multiple_of3A_415 = tpu.assume_multiple %add3A_414, 16 : i32
      %get3A_416 = arith.index_cast %multiple_of3A_415 : i32 to index
      %get3A_417 = tpu.vector_load %arg6[%get3A_416] {strides = array<i32>} : memref<10032xf32, #tpu.memory_space<vmem>>, vector<16xf32>,
      %get3A_418 = arith.index_cast %multiple_of3A_415 : i32 to index
      %get3A_419 = tpu.vector_load %arg8[%get3A_418] {strides = array<i32>} : memref<10032xi32, #tpu.memory_space<vmem>>, vector<16xi32>,
      %add3A_420 = arith.addi %mul3A_8, %get3A_399 : vector<16xi32>
      tpu.vector_store_idx %arg9[%add3A_420], %get3A_397 {add = true} : memref<32768xf32, #tpu.memory_space<vmem>>[vector<16xi32>], vector<16xf32>,
      tpu.vector_store_idx %arg10[%add3A_420], %broadcast_in_dim3A_5 {add = true} : memref<32768xf32, #tpu.memory_space<vmem>>[vector<16xi32>], vector<16xf32>,
      %mul3A_421 = arith.constant 400 : i32
      %mul3A_422 = arith.muli %scan3A_236, %mul3A_421 : i32
      %add3A_423 = arith.constant 320 : i32
      %add3A_424 = arith.addi %mul3A_422, %add3A_423 : i32
      %multiple_of3A_425 = tpu.assume_multiple %add3A_424, 16 : i32
      %get3A_426 = arith.index_cast %multiple_of3A_425 : i32 to index
      %get3A_427 = tpu.vector_load %arg6[%get3A_426] {strides = array<i32>} : memref<10032xf32, #tpu.memory_space<vmem>>, vector<16xf32>,
      %get3A_428 = arith.index_cast %multiple_of3A_425 : i32 to index
      %get3A_429 = tpu.vector_load %arg8[%get3A_428] {strides = array<i32>} : memref<10032xi32, #tpu.memory_space<vmem>>, vector<16xi32>,
      %add3A_430 = arith.addi %mul3A_8, %get3A_409 : vector<16xi32>
      tpu.vector_store_idx %arg9[%add3A_430], %get3A_407 {add = true} : memref<32768xf32, #tpu.memory_space<vmem>>[vector<16xi32>], vector<16xf32>,
      tpu.vector_store_idx %arg10[%add3A_430], %broadcast_in_dim3A_5 {add = true} : memref<32768xf32, #tpu.memory_space<vmem>>[vector<16xi32>], vector<16xf32>,
      %mul3A_431 = arith.constant 400 : i32
      %mul3A_432 = arith.muli %scan3A_236, %mul3A_431 : i32
      %add3A_433 = arith.constant 336 : i32
      %add3A_434 = arith.addi %mul3A_432, %add3A_433 : i32
      %multiple_of3A_435 = tpu.assume_multiple %add3A_434, 16 : i32
      %get3A_436 = arith.index_cast %multiple_of3A_435 : i32 to index
      %get3A_437 = tpu.vector_load %arg6[%get3A_436] {strides = array<i32>} : memref<10032xf32, #tpu.memory_space<vmem>>, vector<16xf32>,
      %get3A_438 = arith.index_cast %multiple_of3A_435 : i32 to index
      %get3A_439 = tpu.vector_load %arg8[%get3A_438] {strides = array<i32>} : memref<10032xi32, #tpu.memory_space<vmem>>, vector<16xi32>,
      %add3A_440 = arith.addi %mul3A_8, %get3A_419 : vector<16xi32>
      tpu.vector_store_idx %arg9[%add3A_440], %get3A_417 {add = true} : memref<32768xf32, #tpu.memory_space<vmem>>[vector<16xi32>], vector<16xf32>,
      tpu.vector_store_idx %arg10[%add3A_440], %broadcast_in_dim3A_5 {add = true} : memref<32768xf32, #tpu.memory_space<vmem>>[vector<16xi32>], vector<16xf32>,
      %mul3A_441 = arith.constant 400 : i32
      %mul3A_442 = arith.muli %scan3A_236, %mul3A_441 : i32
      %add3A_443 = arith.constant 352 : i32
      %add3A_444 = arith.addi %mul3A_442, %add3A_443 : i32
      %multiple_of3A_445 = tpu.assume_multiple %add3A_444, 16 : i32
      %get3A_446 = arith.index_cast %multiple_of3A_445 : i32 to index
      %get3A_447 = tpu.vector_load %arg6[%get3A_446] {strides = array<i32>} : memref<10032xf32, #tpu.memory_space<vmem>>, vector<16xf32>,
      %get3A_448 = arith.index_cast %multiple_of3A_445 : i32 to index
      %get3A_449 = tpu.vector_load %arg8[%get3A_448] {strides = array<i32>} : memref<10032xi32, #tpu.memory_space<vmem>>, vector<16xi32>,
      %add3A_450 = arith.addi %mul3A_8, %get3A_429 : vector<16xi32>
      tpu.vector_store_idx %arg9[%add3A_450], %get3A_427 {add = true} : memref<32768xf32, #tpu.memory_space<vmem>>[vector<16xi32>], vector<16xf32>,
      tpu.vector_store_idx %arg10[%add3A_450], %broadcast_in_dim3A_5 {add = true} : memref<32768xf32, #tpu.memory_space<vmem>>[vector<16xi32>], vector<16xf32>,
      %mul3A_451 = arith.constant 400 : i32
      %mul3A_452 = arith.muli %scan3A_236, %mul3A_451 : i32
      %add3A_453 = arith.constant 368 : i32
      %add3A_454 = arith.addi %mul3A_452, %add3A_453 : i32
      %multiple_of3A_455 = tpu.assume_multiple %add3A_454, 16 : i32
      %get3A_456 = arith.index_cast %multiple_of3A_455 : i32 to index
      %get3A_457 = tpu.vector_load %arg6[%get3A_456] {strides = array<i32>} : memref<10032xf32, #tpu.memory_space<vmem>>, vector<16xf32>,
      %get3A_458 = arith.index_cast %multiple_of3A_455 : i32 to index
      %get3A_459 = tpu.vector_load %arg8[%get3A_458] {strides = array<i32>} : memref<10032xi32, #tpu.memory_space<vmem>>, vector<16xi32>,
      %add3A_460 = arith.addi %mul3A_8, %get3A_439 : vector<16xi32>
      tpu.vector_store_idx %arg9[%add3A_460], %get3A_437 {add = true} : memref<32768xf32, #tpu.memory_space<vmem>>[vector<16xi32>], vector<16xf32>,
      tpu.vector_store_idx %arg10[%add3A_460], %broadcast_in_dim3A_5 {add = true} : memref<32768xf32, #tpu.memory_space<vmem>>[vector<16xi32>], vector<16xf32>,
      %mul3A_461 = arith.constant 400 : i32
      %mul3A_462 = arith.muli %scan3A_236, %mul3A_461 : i32
      %add3A_463 = arith.constant 384 : i32
      %add3A_464 = arith.addi %mul3A_462, %add3A_463 : i32
      %multiple_of3A_465 = tpu.assume_multiple %add3A_464, 16 : i32
      %get3A_466 = arith.index_cast %multiple_of3A_465 : i32 to index
      %get3A_467 = tpu.vector_load %arg6[%get3A_466] {strides = array<i32>} : memref<10032xf32, #tpu.memory_space<vmem>>, vector<16xf32>,
      %get3A_468 = arith.index_cast %multiple_of3A_465 : i32 to index
      %get3A_469 = tpu.vector_load %arg8[%get3A_468] {strides = array<i32>} : memref<10032xi32, #tpu.memory_space<vmem>>, vector<16xi32>,
      %add3A_470 = arith.addi %mul3A_8, %get3A_449 : vector<16xi32>
      tpu.vector_store_idx %arg9[%add3A_470], %get3A_447 {add = true} : memref<32768xf32, #tpu.memory_space<vmem>>[vector<16xi32>], vector<16xf32>,
      tpu.vector_store_idx %arg10[%add3A_470], %broadcast_in_dim3A_5 {add = true} : memref<32768xf32, #tpu.memory_space<vmem>>[vector<16xi32>], vector<16xf32>,
      %mul3A_471 = arith.constant 400 : i32
      %mul3A_472 = arith.muli %scan3A_236, %mul3A_471 : i32
      %add3A_473 = arith.constant 400 : i32
      %add3A_474 = arith.addi %mul3A_472, %add3A_473 : i32
      %multiple_of3A_475 = tpu.assume_multiple %add3A_474, 16 : i32
      %get3A_476 = arith.index_cast %multiple_of3A_475 : i32 to index
      %get3A_477 = tpu.vector_load %arg6[%get3A_476] {strides = array<i32>} : memref<10032xf32, #tpu.memory_space<vmem>>, vector<16xf32>,
      %get3A_478 = arith.index_cast %multiple_of3A_475 : i32 to index
      %get3A_479 = tpu.vector_load %arg8[%get3A_478] {strides = array<i32>} : memref<10032xi32, #tpu.memory_space<vmem>>, vector<16xi32>,
      %add3A_480 = arith.addi %mul3A_8, %get3A_459 : vector<16xi32>
      tpu.vector_store_idx %arg9[%add3A_480], %get3A_457 {add = true} : memref<32768xf32, #tpu.memory_space<vmem>>[vector<16xi32>], vector<16xf32>,
      tpu.vector_store_idx %arg10[%add3A_480], %broadcast_in_dim3A_5 {add = true} : memref<32768xf32, #tpu.memory_space<vmem>>[vector<16xi32>], vector<16xf32>,
      %mul3A_481 = arith.constant 400 : i32
      %mul3A_482 = arith.muli %scan3A_236, %mul3A_481 : i32
      %add3A_483 = arith.constant 416 : i32
      %add3A_484 = arith.addi %mul3A_482, %add3A_483 : i32
      %multiple_of3A_485 = tpu.assume_multiple %add3A_484, 16 : i32
      %get3A_486 = arith.index_cast %multiple_of3A_485 : i32 to index
      %get3A_487 = tpu.vector_load %arg6[%get3A_486] {strides = array<i32>} : memref<10032xf32, #tpu.memory_space<vmem>>, vector<16xf32>,
      %get3A_488 = arith.index_cast %multiple_of3A_485 : i32 to index
      %get3A_489 = tpu.vector_load %arg8[%get3A_488] {strides = array<i32>} : memref<10032xi32, #tpu.memory_space<vmem>>, vector<16xi32>,
      %add3A_490 = arith.addi %mul3A_8, %get3A_469 : vector<16xi32>
      tpu.vector_store_idx %arg9[%add3A_490], %get3A_467 {add = true} : memref<32768xf32, #tpu.memory_space<vmem>>[vector<16xi32>], vector<16xf32>,
      tpu.vector_store_idx %arg10[%add3A_490], %broadcast_in_dim3A_5 {add = true} : memref<32768xf32, #tpu.memory_space<vmem>>[vector<16xi32>], vector<16xf32>,
      scf.yield %get3A_477, %get3A_479, %get3A_487, %get3A_489 : vector<16xf32>, vector<16xi32>, vector<16xf32>, vector<16xi32>
    }
    %scan3A_199 = arith.constant 25 : i32
    %dma_wait3A_200 = arith.constant 0 : i32
    %dma_wait3A_201 = tpu.memref_slice %arg5[%dma_wait3A_200] : memref<10032xf32, #tpu.memory_space<vmem>> -> memref<10000xf32, #tpu.memory_space<vmem>>
    %dma_wait3A_202 = tpu.memref_slice %arg2[%add3A_169] : memref<1600000xf32, #tpu.memory_space<hbm>> -> memref<10000xf32, #tpu.memory_space<hbm>>
    %dma_wait3A_203 = arith.constant 0 : i32
    %dma_wait3A_204 = tpu.memref_slice %arg5[%dma_wait3A_203] : memref<10032xf32, #tpu.memory_space<vmem>> -> memref<10000xf32, #tpu.memory_space<vmem>>
    %dma_wait3A_205 = tpu.memref_slice %arg2[%add3A_169] : memref<1600000xf32, #tpu.memory_space<hbm>> -> memref<10000xf32, #tpu.memory_space<hbm>>
    tpu.wait_dma2 semaphore(%arg11 : memref<!tpu.dma_semaphore, #tpu.memory_space<semaphore_mem>>) src(%dma_wait3A_205 : memref<10000xf32, #tpu.memory_space<hbm>>) dst(%dma_wait3A_204 : memref<10000xf32, #tpu.memory_space<vmem>>)
    %dma_wait3A_206 = arith.constant 0 : i32
    %dma_wait3A_207 = tpu.memref_slice %arg7[%dma_wait3A_206] : memref<10032xi32, #tpu.memory_space<vmem>> -> memref<10000xi32, #tpu.memory_space<vmem>>
    %dma_wait3A_208 = tpu.memref_slice %arg3[%add3A_169] : memref<1600000xi32, #tpu.memory_space<hbm>> -> memref<10000xi32, #tpu.memory_space<hbm>>
    %dma_wait3A_209 = arith.constant 0 : i32
    %dma_wait3A_210 = tpu.memref_slice %arg7[%dma_wait3A_209] : memref<10032xi32, #tpu.memory_space<vmem>> -> memref<10000xi32, #tpu.memory_space<vmem>>
    %dma_wait3A_211 = tpu.memref_slice %arg3[%add3A_169] : memref<1600000xi32, #tpu.memory_space<hbm>> -> memref<10000xi32, #tpu.memory_space<hbm>>
    tpu.wait_dma2 semaphore(%arg11 : memref<!tpu.dma_semaphore, #tpu.memory_space<semaphore_mem>>) src(%dma_wait3A_211 : memref<10000xi32, #tpu.memory_space<hbm>>) dst(%dma_wait3A_210 : memref<10000xi32, #tpu.memory_space<vmem>>)
    %multiple_of3A_212 = arith.constant 0 : i32
    %multiple_of3A_213 = tpu.assume_multiple %multiple_of3A_212, 16 : i32
    %get3A_214 = arith.index_cast %multiple_of3A_213 : i32 to index
    %get3A_215 = tpu.vector_load %arg5[%get3A_214] {strides = array<i32>} : memref<10032xf32, #tpu.memory_space<vmem>>, vector<16xf32>,
    %get3A_216 = arith.index_cast %multiple_of3A_213 : i32 to index
    %get3A_217 = tpu.vector_load %arg7[%get3A_216] {strides = array<i32>} : memref<10032xi32, #tpu.memory_space<vmem>>, vector<16xi32>,
    %multiple_of3A_218 = arith.constant 16 : i32
    %multiple_of3A_219 = tpu.assume_multiple %multiple_of3A_218, 16 : i32
    %get3A_220 = arith.index_cast %multiple_of3A_219 : i32 to index
    %get3A_221 = tpu.vector_load %arg5[%get3A_220] {strides = array<i32>} : memref<10032xf32, #tpu.memory_space<vmem>>, vector<16xf32>,
    %get3A_222 = arith.index_cast %multiple_of3A_219 : i32 to index
    %get3A_223 = tpu.vector_load %arg7[%get3A_222] {strides = array<i32>} : memref<10032xi32, #tpu.memory_space<vmem>>, vector<16xi32>,
    %scan3A_224 = arith.constant 0 : i32
    %scan3A_225 = arith.constant 25 : i32
    %scan3A_226 = arith.addi %scan3A_224, %scan3A_225 : i32
    %scan3A_227 = arith.constant 1 : i32
    %scan3A_228:4 = scf.for %scan3A_236 = %scan3A_224 to %scan3A_226 step %scan3A_227 iter_args(%scan3A_237 = %get3A_215, %scan3A_238 = %get3A_217, %scan3A_239 = %get3A_221, %scan3A_240 = %get3A_223) -> (vector<16xf32>, vector<16xi32>, vector<16xf32>, vector<16xi32>)  : i32 {
      %mul3A_241 = arith.constant 400 : i32
      %mul3A_242 = arith.muli %scan3A_236, %mul3A_241 : i32
      %add3A_243 = arith.constant 32 : i32
      %add3A_244 = arith.addi %mul3A_242, %add3A_243 : i32
      %multiple_of3A_245 = tpu.assume_multiple %add3A_244, 16 : i32
      %get3A_246 = arith.index_cast %multiple_of3A_245 : i32 to index
      %get3A_247 = tpu.vector_load %arg5[%get3A_246] {strides = array<i32>} : memref<10032xf32, #tpu.memory_space<vmem>>, vector<16xf32>,
      %get3A_248 = arith.index_cast %multiple_of3A_245 : i32 to index
      %get3A_249 = tpu.vector_load %arg7[%get3A_248] {strides = array<i32>} : memref<10032xi32, #tpu.memory_space<vmem>>, vector<16xi32>,
      %add3A_250 = arith.addi %mul3A_8, %scan3A_238 : vector<16xi32>
      tpu.vector_store_idx %arg9[%add3A_250], %scan3A_237 {add = true} : memref<32768xf32, #tpu.memory_space<vmem>>[vector<16xi32>], vector<16xf32>,
      tpu.vector_store_idx %arg10[%add3A_250], %broadcast_in_dim3A_5 {add = true} : memref<32768xf32, #tpu.memory_space<vmem>>[vector<16xi32>], vector<16xf32>,
      %mul3A_251 = arith.constant 400 : i32
      %mul3A_252 = arith.muli %scan3A_236, %mul3A_251 : i32
      %add3A_253 = arith.constant 48 : i32
      %add3A_254 = arith.addi %mul3A_252, %add3A_253 : i32
      %multiple_of3A_255 = tpu.assume_multiple %add3A_254, 16 : i32
      %get3A_256 = arith.index_cast %multiple_of3A_255 : i32 to index
      %get3A_257 = tpu.vector_load %arg5[%get3A_256] {strides = array<i32>} : memref<10032xf32, #tpu.memory_space<vmem>>, vector<16xf32>,
      %get3A_258 = arith.index_cast %multiple_of3A_255 : i32 to index
      %get3A_259 = tpu.vector_load %arg7[%get3A_258] {strides = array<i32>} : memref<10032xi32, #tpu.memory_space<vmem>>, vector<16xi32>,
      %add3A_260 = arith.addi %mul3A_8, %scan3A_240 : vector<16xi32>
      tpu.vector_store_idx %arg9[%add3A_260], %scan3A_239 {add = true} : memref<32768xf32, #tpu.memory_space<vmem>>[vector<16xi32>], vector<16xf32>,
      tpu.vector_store_idx %arg10[%add3A_260], %broadcast_in_dim3A_5 {add = true} : memref<32768xf32, #tpu.memory_space<vmem>>[vector<16xi32>], vector<16xf32>,
      %mul3A_261 = arith.constant 400 : i32
      %mul3A_262 = arith.muli %scan3A_236, %mul3A_261 : i32
      %add3A_263 = arith.constant 64 : i32
      %add3A_264 = arith.addi %mul3A_262, %add3A_263 : i32
      %multiple_of3A_265 = tpu.assume_multiple %add3A_264, 16 : i32
      %get3A_266 = arith.index_cast %multiple_of3A_265 : i32 to index
      %get3A_267 = tpu.vector_load %arg5[%get3A_266] {strides = array<i32>} : memref<10032xf32, #tpu.memory_space<vmem>>, vector<16xf32>,
      %get3A_268 = arith.index_cast %multiple_of3A_265 : i32 to index
      %get3A_269 = tpu.vector_load %arg7[%get3A_268] {strides = array<i32>} : memref<10032xi32, #tpu.memory_space<vmem>>, vector<16xi32>,
      %add3A_270 = arith.addi %mul3A_8, %get3A_249 : vector<16xi32>
      tpu.vector_store_idx %arg9[%add3A_270], %get3A_247 {add = true} : memref<32768xf32, #tpu.memory_space<vmem>>[vector<16xi32>], vector<16xf32>,
      tpu.vector_store_idx %arg10[%add3A_270], %broadcast_in_dim3A_5 {add = true} : memref<32768xf32, #tpu.memory_space<vmem>>[vector<16xi32>], vector<16xf32>,
      %mul3A_271 = arith.constant 400 : i32
      %mul3A_272 = arith.muli %scan3A_236, %mul3A_271 : i32
      %add3A_273 = arith.constant 80 : i32
      %add3A_274 = arith.addi %mul3A_272, %add3A_273 : i32
      %multiple_of3A_275 = tpu.assume_multiple %add3A_274, 16 : i32
      %get3A_276 = arith.index_cast %multiple_of3A_275 : i32 to index
      %get3A_277 = tpu.vector_load %arg5[%get3A_276] {strides = array<i32>} : memref<10032xf32, #tpu.memory_space<vmem>>, vector<16xf32>,
      %get3A_278 = arith.index_cast %multiple_of3A_275 : i32 to index
      %get3A_279 = tpu.vector_load %arg7[%get3A_278] {strides = array<i32>} : memref<10032xi32, #tpu.memory_space<vmem>>, vector<16xi32>,
      %add3A_280 = arith.addi %mul3A_8, %get3A_259 : vector<16xi32>
      tpu.vector_store_idx %arg9[%add3A_280], %get3A_257 {add = true} : memref<32768xf32, #tpu.memory_space<vmem>>[vector<16xi32>], vector<16xf32>,
      tpu.vector_store_idx %arg10[%add3A_280], %broadcast_in_dim3A_5 {add = true} : memref<32768xf32, #tpu.memory_space<vmem>>[vector<16xi32>], vector<16xf32>,
      %mul3A_281 = arith.constant 400 : i32
      %mul3A_282 = arith.muli %scan3A_236, %mul3A_281 : i32
      %add3A_283 = arith.constant 96 : i32
      %add3A_284 = arith.addi %mul3A_282, %add3A_283 : i32
      %multiple_of3A_285 = tpu.assume_multiple %add3A_284, 16 : i32
      %get3A_286 = arith.index_cast %multiple_of3A_285 : i32 to index
      %get3A_287 = tpu.vector_load %arg5[%get3A_286] {strides = array<i32>} : memref<10032xf32, #tpu.memory_space<vmem>>, vector<16xf32>,
      %get3A_288 = arith.index_cast %multiple_of3A_285 : i32 to index
      %get3A_289 = tpu.vector_load %arg7[%get3A_288] {strides = array<i32>} : memref<10032xi32, #tpu.memory_space<vmem>>, vector<16xi32>,
      %add3A_290 = arith.addi %mul3A_8, %get3A_269 : vector<16xi32>
      tpu.vector_store_idx %arg9[%add3A_290], %get3A_267 {add = true} : memref<32768xf32, #tpu.memory_space<vmem>>[vector<16xi32>], vector<16xf32>,
      tpu.vector_store_idx %arg10[%add3A_290], %broadcast_in_dim3A_5 {add = true} : memref<32768xf32, #tpu.memory_space<vmem>>[vector<16xi32>], vector<16xf32>,
      %mul3A_291 = arith.constant 400 : i32
      %mul3A_292 = arith.muli %scan3A_236, %mul3A_291 : i32
      %add3A_293 = arith.constant 112 : i32
      %add3A_294 = arith.addi %mul3A_292, %add3A_293 : i32
      %multiple_of3A_295 = tpu.assume_multiple %add3A_294, 16 : i32
      %get3A_296 = arith.index_cast %multiple_of3A_295 : i32 to index
      %get3A_297 = tpu.vector_load %arg5[%get3A_296] {strides = array<i32>} : memref<10032xf32, #tpu.memory_space<vmem>>, vector<16xf32>,
      %get3A_298 = arith.index_cast %multiple_of3A_295 : i32 to index
      %get3A_299 = tpu.vector_load %arg7[%get3A_298] {strides = array<i32>} : memref<10032xi32, #tpu.memory_space<vmem>>, vector<16xi32>,
      %add3A_300 = arith.addi %mul3A_8, %get3A_279 : vector<16xi32>
      tpu.vector_store_idx %arg9[%add3A_300], %get3A_277 {add = true} : memref<32768xf32, #tpu.memory_space<vmem>>[vector<16xi32>], vector<16xf32>,
      tpu.vector_store_idx %arg10[%add3A_300], %broadcast_in_dim3A_5 {add = true} : memref<32768xf32, #tpu.memory_space<vmem>>[vector<16xi32>], vector<16xf32>,
      %mul3A_301 = arith.constant 400 : i32
      %mul3A_302 = arith.muli %scan3A_236, %mul3A_301 : i32
      %add3A_303 = arith.constant 128 : i32
      %add3A_304 = arith.addi %mul3A_302, %add3A_303 : i32
      %multiple_of3A_305 = tpu.assume_multiple %add3A_304, 16 : i32
      %get3A_306 = arith.index_cast %multiple_of3A_305 : i32 to index
      %get3A_307 = tpu.vector_load %arg5[%get3A_306] {strides = array<i32>} : memref<10032xf32, #tpu.memory_space<vmem>>, vector<16xf32>,
      %get3A_308 = arith.index_cast %multiple_of3A_305 : i32 to index
      %get3A_309 = tpu.vector_load %arg7[%get3A_308] {strides = array<i32>} : memref<10032xi32, #tpu.memory_space<vmem>>, vector<16xi32>,
      %add3A_310 = arith.addi %mul3A_8, %get3A_289 : vector<16xi32>
      tpu.vector_store_idx %arg9[%add3A_310], %get3A_287 {add = true} : memref<32768xf32, #tpu.memory_space<vmem>>[vector<16xi32>], vector<16xf32>,
      tpu.vector_store_idx %arg10[%add3A_310], %broadcast_in_dim3A_5 {add = true} : memref<32768xf32, #tpu.memory_space<vmem>>[vector<16xi32>], vector<16xf32>,
      %mul3A_311 = arith.constant 400 : i32
      %mul3A_312 = arith.muli %scan3A_236, %mul3A_311 : i32
      %add3A_313 = arith.constant 144 : i32
      %add3A_314 = arith.addi %mul3A_312, %add3A_313 : i32
      %multiple_of3A_315 = tpu.assume_multiple %add3A_314, 16 : i32
      %get3A_316 = arith.index_cast %multiple_of3A_315 : i32 to index
      %get3A_317 = tpu.vector_load %arg5[%get3A_316] {strides = array<i32>} : memref<10032xf32, #tpu.memory_space<vmem>>, vector<16xf32>,
      %get3A_318 = arith.index_cast %multiple_of3A_315 : i32 to index
      %get3A_319 = tpu.vector_load %arg7[%get3A_318] {strides = array<i32>} : memref<10032xi32, #tpu.memory_space<vmem>>, vector<16xi32>,
      %add3A_320 = arith.addi %mul3A_8, %get3A_299 : vector<16xi32>
      tpu.vector_store_idx %arg9[%add3A_320], %get3A_297 {add = true} : memref<32768xf32, #tpu.memory_space<vmem>>[vector<16xi32>], vector<16xf32>,
      tpu.vector_store_idx %arg10[%add3A_320], %broadcast_in_dim3A_5 {add = true} : memref<32768xf32, #tpu.memory_space<vmem>>[vector<16xi32>], vector<16xf32>,
      %mul3A_321 = arith.constant 400 : i32
      %mul3A_322 = arith.muli %scan3A_236, %mul3A_321 : i32
      %add3A_323 = arith.constant 160 : i32
      %add3A_324 = arith.addi %mul3A_322, %add3A_323 : i32
      %multiple_of3A_325 = tpu.assume_multiple %add3A_324, 16 : i32
      %get3A_326 = arith.index_cast %multiple_of3A_325 : i32 to index
      %get3A_327 = tpu.vector_load %arg5[%get3A_326] {strides = array<i32>} : memref<10032xf32, #tpu.memory_space<vmem>>, vector<16xf32>,
      %get3A_328 = arith.index_cast %multiple_of3A_325 : i32 to index
      %get3A_329 = tpu.vector_load %arg7[%get3A_328] {strides = array<i32>} : memref<10032xi32, #tpu.memory_space<vmem>>, vector<16xi32>,
      %add3A_330 = arith.addi %mul3A_8, %get3A_309 : vector<16xi32>
      tpu.vector_store_idx %arg9[%add3A_330], %get3A_307 {add = true} : memref<32768xf32, #tpu.memory_space<vmem>>[vector<16xi32>], vector<16xf32>,
      tpu.vector_store_idx %arg10[%add3A_330], %broadcast_in_dim3A_5 {add = true} : memref<32768xf32, #tpu.memory_space<vmem>>[vector<16xi32>], vector<16xf32>,
      %mul3A_331 = arith.constant 400 : i32
      %mul3A_332 = arith.muli %scan3A_236, %mul3A_331 : i32
      %add3A_333 = arith.constant 176 : i32
      %add3A_334 = arith.addi %mul3A_332, %add3A_333 : i32
      %multiple_of3A_335 = tpu.assume_multiple %add3A_334, 16 : i32
      %get3A_336 = arith.index_cast %multiple_of3A_335 : i32 to index
      %get3A_337 = tpu.vector_load %arg5[%get3A_336] {strides = array<i32>} : memref<10032xf32, #tpu.memory_space<vmem>>, vector<16xf32>,
      %get3A_338 = arith.index_cast %multiple_of3A_335 : i32 to index
      %get3A_339 = tpu.vector_load %arg7[%get3A_338] {strides = array<i32>} : memref<10032xi32, #tpu.memory_space<vmem>>, vector<16xi32>,
      %add3A_340 = arith.addi %mul3A_8, %get3A_319 : vector<16xi32>
      tpu.vector_store_idx %arg9[%add3A_340], %get3A_317 {add = true} : memref<32768xf32, #tpu.memory_space<vmem>>[vector<16xi32>], vector<16xf32>,
      tpu.vector_store_idx %arg10[%add3A_340], %broadcast_in_dim3A_5 {add = true} : memref<32768xf32, #tpu.memory_space<vmem>>[vector<16xi32>], vector<16xf32>,
      %mul3A_341 = arith.constant 400 : i32
      %mul3A_342 = arith.muli %scan3A_236, %mul3A_341 : i32
      %add3A_343 = arith.constant 192 : i32
      %add3A_344 = arith.addi %mul3A_342, %add3A_343 : i32
      %multiple_of3A_345 = tpu.assume_multiple %add3A_344, 16 : i32
      %get3A_346 = arith.index_cast %multiple_of3A_345 : i32 to index
      %get3A_347 = tpu.vector_load %arg5[%get3A_346] {strides = array<i32>} : memref<10032xf32, #tpu.memory_space<vmem>>, vector<16xf32>,
      %get3A_348 = arith.index_cast %multiple_of3A_345 : i32 to index
      %get3A_349 = tpu.vector_load %arg7[%get3A_348] {strides = array<i32>} : memref<10032xi32, #tpu.memory_space<vmem>>, vector<16xi32>,
      %add3A_350 = arith.addi %mul3A_8, %get3A_329 : vector<16xi32>
      tpu.vector_store_idx %arg9[%add3A_350], %get3A_327 {add = true} : memref<32768xf32, #tpu.memory_space<vmem>>[vector<16xi32>], vector<16xf32>,
      tpu.vector_store_idx %arg10[%add3A_350], %broadcast_in_dim3A_5 {add = true} : memref<32768xf32, #tpu.memory_space<vmem>>[vector<16xi32>], vector<16xf32>,
      %mul3A_351 = arith.constant 400 : i32
      %mul3A_352 = arith.muli %scan3A_236, %mul3A_351 : i32
      %add3A_353 = arith.constant 208 : i32
      %add3A_354 = arith.addi %mul3A_352, %add3A_353 : i32
      %multiple_of3A_355 = tpu.assume_multiple %add3A_354, 16 : i32
      %get3A_356 = arith.index_cast %multiple_of3A_355 : i32 to index
      %get3A_357 = tpu.vector_load %arg5[%get3A_356] {strides = array<i32>} : memref<10032xf32, #tpu.memory_space<vmem>>, vector<16xf32>,
      %get3A_358 = arith.index_cast %multiple_of3A_355 : i32 to index
      %get3A_359 = tpu.vector_load %arg7[%get3A_358] {strides = array<i32>} : memref<10032xi32, #tpu.memory_space<vmem>>, vector<16xi32>,
      %add3A_360 = arith.addi %mul3A_8, %get3A_339 : vector<16xi32>
      tpu.vector_store_idx %arg9[%add3A_360], %get3A_337 {add = true} : memref<32768xf32, #tpu.memory_space<vmem>>[vector<16xi32>], vector<16xf32>,
      tpu.vector_store_idx %arg10[%add3A_360], %broadcast_in_dim3A_5 {add = true} : memref<32768xf32, #tpu.memory_space<vmem>>[vector<16xi32>], vector<16xf32>,
      %mul3A_361 = arith.constant 400 : i32
      %mul3A_362 = arith.muli %scan3A_236, %mul3A_361 : i32
      %add3A_363 = arith.constant 224 : i32
      %add3A_364 = arith.addi %mul3A_362, %add3A_363 : i32
      %multiple_of3A_365 = tpu.assume_multiple %add3A_364, 16 : i32
      %get3A_366 = arith.index_cast %multiple_of3A_365 : i32 to index
      %get3A_367 = tpu.vector_load %arg5[%get3A_366] {strides = array<i32>} : memref<10032xf32, #tpu.memory_space<vmem>>, vector<16xf32>,
      %get3A_368 = arith.index_cast %multiple_of3A_365 : i32 to index
      %get3A_369 = tpu.vector_load %arg7[%get3A_368] {strides = array<i32>} : memref<10032xi32, #tpu.memory_space<vmem>>, vector<16xi32>,
      %add3A_370 = arith.addi %mul3A_8, %get3A_349 : vector<16xi32>
      tpu.vector_store_idx %arg9[%add3A_370], %get3A_347 {add = true} : memref<32768xf32, #tpu.memory_space<vmem>>[vector<16xi32>], vector<16xf32>,
      tpu.vector_store_idx %arg10[%add3A_370], %broadcast_in_dim3A_5 {add = true} : memref<32768xf32, #tpu.memory_space<vmem>>[vector<16xi32>], vector<16xf32>,
      %mul3A_371 = arith.constant 400 : i32
      %mul3A_372 = arith.muli %scan3A_236, %mul3A_371 : i32
      %add3A_373 = arith.constant 240 : i32
      %add3A_374 = arith.addi %mul3A_372, %add3A_373 : i32
      %multiple_of3A_375 = tpu.assume_multiple %add3A_374, 16 : i32
      %get3A_376 = arith.index_cast %multiple_of3A_375 : i32 to index
      %get3A_377 = tpu.vector_load %arg5[%get3A_376] {strides = array<i32>} : memref<10032xf32, #tpu.memory_space<vmem>>, vector<16xf32>,
      %get3A_378 = arith.index_cast %multiple_of3A_375 : i32 to index
      %get3A_379 = tpu.vector_load %arg7[%get3A_378] {strides = array<i32>} : memref<10032xi32, #tpu.memory_space<vmem>>, vector<16xi32>,
      %add3A_380 = arith.addi %mul3A_8, %get3A_359 : vector<16xi32>
      tpu.vector_store_idx %arg9[%add3A_380], %get3A_357 {add = true} : memref<32768xf32, #tpu.memory_space<vmem>>[vector<16xi32>], vector<16xf32>,
      tpu.vector_store_idx %arg10[%add3A_380], %broadcast_in_dim3A_5 {add = true} : memref<32768xf32, #tpu.memory_space<vmem>>[vector<16xi32>], vector<16xf32>,
      %mul3A_381 = arith.constant 400 : i32
      %mul3A_382 = arith.muli %scan3A_236, %mul3A_381 : i32
      %add3A_383 = arith.constant 256 : i32
      %add3A_384 = arith.addi %mul3A_382, %add3A_383 : i32
      %multiple_of3A_385 = tpu.assume_multiple %add3A_384, 16 : i32
      %get3A_386 = arith.index_cast %multiple_of3A_385 : i32 to index
      %get3A_387 = tpu.vector_load %arg5[%get3A_386] {strides = array<i32>} : memref<10032xf32, #tpu.memory_space<vmem>>, vector<16xf32>,
      %get3A_388 = arith.index_cast %multiple_of3A_385 : i32 to index
      %get3A_389 = tpu.vector_load %arg7[%get3A_388] {strides = array<i32>} : memref<10032xi32, #tpu.memory_space<vmem>>, vector<16xi32>,
      %add3A_390 = arith.addi %mul3A_8, %get3A_369 : vector<16xi32>
      tpu.vector_store_idx %arg9[%add3A_390], %get3A_367 {add = true} : memref<32768xf32, #tpu.memory_space<vmem>>[vector<16xi32>], vector<16xf32>,
      tpu.vector_store_idx %arg10[%add3A_390], %broadcast_in_dim3A_5 {add = true} : memref<32768xf32, #tpu.memory_space<vmem>>[vector<16xi32>], vector<16xf32>,
      %mul3A_391 = arith.constant 400 : i32
      %mul3A_392 = arith.muli %scan3A_236, %mul3A_391 : i32
      %add3A_393 = arith.constant 272 : i32
      %add3A_394 = arith.addi %mul3A_392, %add3A_393 : i32
      %multiple_of3A_395 = tpu.assume_multiple %add3A_394, 16 : i32
      %get3A_396 = arith.index_cast %multiple_of3A_395 : i32 to index
      %get3A_397 = tpu.vector_load %arg5[%get3A_396] {strides = array<i32>} : memref<10032xf32, #tpu.memory_space<vmem>>, vector<16xf32>,
      %get3A_398 = arith.index_cast %multiple_of3A_395 : i32 to index
      %get3A_399 = tpu.vector_load %arg7[%get3A_398] {strides = array<i32>} : memref<10032xi32, #tpu.memory_space<vmem>>, vector<16xi32>,
      %add3A_400 = arith.addi %mul3A_8, %get3A_379 : vector<16xi32>
      tpu.vector_store_idx %arg9[%add3A_400], %get3A_377 {add = true} : memref<32768xf32, #tpu.memory_space<vmem>>[vector<16xi32>], vector<16xf32>,
      tpu.vector_store_idx %arg10[%add3A_400], %broadcast_in_dim3A_5 {add = true} : memref<32768xf32, #tpu.memory_space<vmem>>[vector<16xi32>], vector<16xf32>,
      %mul3A_401 = arith.constant 400 : i32
      %mul3A_402 = arith.muli %scan3A_236, %mul3A_401 : i32
      %add3A_403 = arith.constant 288 : i32
      %add3A_404 = arith.addi %mul3A_402, %add3A_403 : i32
      %multiple_of3A_405 = tpu.assume_multiple %add3A_404, 16 : i32
      %get3A_406 = arith.index_cast %multiple_of3A_405 : i32 to index
      %get3A_407 = tpu.vector_load %arg5[%get3A_406] {strides = array<i32>} : memref<10032xf32, #tpu.memory_space<vmem>>, vector<16xf32>,
      %get3A_408 = arith.index_cast %multiple_of3A_405 : i32 to index
      %get3A_409 = tpu.vector_load %arg7[%get3A_408] {strides = array<i32>} : memref<10032xi32, #tpu.memory_space<vmem>>, vector<16xi32>,
      %add3A_410 = arith.addi %mul3A_8, %get3A_389 : vector<16xi32>
      tpu.vector_store_idx %arg9[%add3A_410], %get3A_387 {add = true} : memref<32768xf32, #tpu.memory_space<vmem>>[vector<16xi32>], vector<16xf32>,
      tpu.vector_store_idx %arg10[%add3A_410], %broadcast_in_dim3A_5 {add = true} : memref<32768xf32, #tpu.memory_space<vmem>>[vector<16xi32>], vector<16xf32>,
      %mul3A_411 = arith.constant 400 : i32
      %mul3A_412 = arith.muli %scan3A_236, %mul3A_411 : i32
      %add3A_413 = arith.constant 304 : i32
      %add3A_414 = arith.addi %mul3A_412, %add3A_413 : i32
      %multiple_of3A_415 = tpu.assume_multiple %add3A_414, 16 : i32
      %get3A_416 = arith.index_cast %multiple_of3A_415 : i32 to index
      %get3A_417 = tpu.vector_load %arg5[%get3A_416] {strides = array<i32>} : memref<10032xf32, #tpu.memory_space<vmem>>, vector<16xf32>,
      %get3A_418 = arith.index_cast %multiple_of3A_415 : i32 to index
      %get3A_419 = tpu.vector_load %arg7[%get3A_418] {strides = array<i32>} : memref<10032xi32, #tpu.memory_space<vmem>>, vector<16xi32>,
      %add3A_420 = arith.addi %mul3A_8, %get3A_399 : vector<16xi32>
      tpu.vector_store_idx %arg9[%add3A_420], %get3A_397 {add = true} : memref<32768xf32, #tpu.memory_space<vmem>>[vector<16xi32>], vector<16xf32>,
      tpu.vector_store_idx %arg10[%add3A_420], %broadcast_in_dim3A_5 {add = true} : memref<32768xf32, #tpu.memory_space<vmem>>[vector<16xi32>], vector<16xf32>,
      %mul3A_421 = arith.constant 400 : i32
      %mul3A_422 = arith.muli %scan3A_236, %mul3A_421 : i32
      %add3A_423 = arith.constant 320 : i32
      %add3A_424 = arith.addi %mul3A_422, %add3A_423 : i32
      %multiple_of3A_425 = tpu.assume_multiple %add3A_424, 16 : i32
      %get3A_426 = arith.index_cast %multiple_of3A_425 : i32 to index
      %get3A_427 = tpu.vector_load %arg5[%get3A_426] {strides = array<i32>} : memref<10032xf32, #tpu.memory_space<vmem>>, vector<16xf32>,
      %get3A_428 = arith.index_cast %multiple_of3A_425 : i32 to index
      %get3A_429 = tpu.vector_load %arg7[%get3A_428] {strides = array<i32>} : memref<10032xi32, #tpu.memory_space<vmem>>, vector<16xi32>,
      %add3A_430 = arith.addi %mul3A_8, %get3A_409 : vector<16xi32>
      tpu.vector_store_idx %arg9[%add3A_430], %get3A_407 {add = true} : memref<32768xf32, #tpu.memory_space<vmem>>[vector<16xi32>], vector<16xf32>,
      tpu.vector_store_idx %arg10[%add3A_430], %broadcast_in_dim3A_5 {add = true} : memref<32768xf32, #tpu.memory_space<vmem>>[vector<16xi32>], vector<16xf32>,
      %mul3A_431 = arith.constant 400 : i32
      %mul3A_432 = arith.muli %scan3A_236, %mul3A_431 : i32
      %add3A_433 = arith.constant 336 : i32
      %add3A_434 = arith.addi %mul3A_432, %add3A_433 : i32
      %multiple_of3A_435 = tpu.assume_multiple %add3A_434, 16 : i32
      %get3A_436 = arith.index_cast %multiple_of3A_435 : i32 to index
      %get3A_437 = tpu.vector_load %arg5[%get3A_436] {strides = array<i32>} : memref<10032xf32, #tpu.memory_space<vmem>>, vector<16xf32>,
      %get3A_438 = arith.index_cast %multiple_of3A_435 : i32 to index
      %get3A_439 = tpu.vector_load %arg7[%get3A_438] {strides = array<i32>} : memref<10032xi32, #tpu.memory_space<vmem>>, vector<16xi32>,
      %add3A_440 = arith.addi %mul3A_8, %get3A_419 : vector<16xi32>
      tpu.vector_store_idx %arg9[%add3A_440], %get3A_417 {add = true} : memref<32768xf32, #tpu.memory_space<vmem>>[vector<16xi32>], vector<16xf32>,
      tpu.vector_store_idx %arg10[%add3A_440], %broadcast_in_dim3A_5 {add = true} : memref<32768xf32, #tpu.memory_space<vmem>>[vector<16xi32>], vector<16xf32>,
      %mul3A_441 = arith.constant 400 : i32
      %mul3A_442 = arith.muli %scan3A_236, %mul3A_441 : i32
      %add3A_443 = arith.constant 352 : i32
      %add3A_444 = arith.addi %mul3A_442, %add3A_443 : i32
      %multiple_of3A_445 = tpu.assume_multiple %add3A_444, 16 : i32
      %get3A_446 = arith.index_cast %multiple_of3A_445 : i32 to index
      %get3A_447 = tpu.vector_load %arg5[%get3A_446] {strides = array<i32>} : memref<10032xf32, #tpu.memory_space<vmem>>, vector<16xf32>,
      %get3A_448 = arith.index_cast %multiple_of3A_445 : i32 to index
      %get3A_449 = tpu.vector_load %arg7[%get3A_448] {strides = array<i32>} : memref<10032xi32, #tpu.memory_space<vmem>>, vector<16xi32>,
      %add3A_450 = arith.addi %mul3A_8, %get3A_429 : vector<16xi32>
      tpu.vector_store_idx %arg9[%add3A_450], %get3A_427 {add = true} : memref<32768xf32, #tpu.memory_space<vmem>>[vector<16xi32>], vector<16xf32>,
      tpu.vector_store_idx %arg10[%add3A_450], %broadcast_in_dim3A_5 {add = true} : memref<32768xf32, #tpu.memory_space<vmem>>[vector<16xi32>], vector<16xf32>,
      %mul3A_451 = arith.constant 400 : i32
      %mul3A_452 = arith.muli %scan3A_236, %mul3A_451 : i32
      %add3A_453 = arith.constant 368 : i32
      %add3A_454 = arith.addi %mul3A_452, %add3A_453 : i32
      %multiple_of3A_455 = tpu.assume_multiple %add3A_454, 16 : i32
      %get3A_456 = arith.index_cast %multiple_of3A_455 : i32 to index
      %get3A_457 = tpu.vector_load %arg5[%get3A_456] {strides = array<i32>} : memref<10032xf32, #tpu.memory_space<vmem>>, vector<16xf32>,
      %get3A_458 = arith.index_cast %multiple_of3A_455 : i32 to index
      %get3A_459 = tpu.vector_load %arg7[%get3A_458] {strides = array<i32>} : memref<10032xi32, #tpu.memory_space<vmem>>, vector<16xi32>,
      %add3A_460 = arith.addi %mul3A_8, %get3A_439 : vector<16xi32>
      tpu.vector_store_idx %arg9[%add3A_460], %get3A_437 {add = true} : memref<32768xf32, #tpu.memory_space<vmem>>[vector<16xi32>], vector<16xf32>,
      tpu.vector_store_idx %arg10[%add3A_460], %broadcast_in_dim3A_5 {add = true} : memref<32768xf32, #tpu.memory_space<vmem>>[vector<16xi32>], vector<16xf32>,
      %mul3A_461 = arith.constant 400 : i32
      %mul3A_462 = arith.muli %scan3A_236, %mul3A_461 : i32
      %add3A_463 = arith.constant 384 : i32
      %add3A_464 = arith.addi %mul3A_462, %add3A_463 : i32
      %multiple_of3A_465 = tpu.assume_multiple %add3A_464, 16 : i32
      %get3A_466 = arith.index_cast %multiple_of3A_465 : i32 to index
      %get3A_467 = tpu.vector_load %arg5[%get3A_466] {strides = array<i32>} : memref<10032xf32, #tpu.memory_space<vmem>>, vector<16xf32>,
      %get3A_468 = arith.index_cast %multiple_of3A_465 : i32 to index
      %get3A_469 = tpu.vector_load %arg7[%get3A_468] {strides = array<i32>} : memref<10032xi32, #tpu.memory_space<vmem>>, vector<16xi32>,
      %add3A_470 = arith.addi %mul3A_8, %get3A_449 : vector<16xi32>
      tpu.vector_store_idx %arg9[%add3A_470], %get3A_447 {add = true} : memref<32768xf32, #tpu.memory_space<vmem>>[vector<16xi32>], vector<16xf32>,
      tpu.vector_store_idx %arg10[%add3A_470], %broadcast_in_dim3A_5 {add = true} : memref<32768xf32, #tpu.memory_space<vmem>>[vector<16xi32>], vector<16xf32>,
      %mul3A_471 = arith.constant 400 : i32
      %mul3A_472 = arith.muli %scan3A_236, %mul3A_471 : i32
      %add3A_473 = arith.constant 400 : i32
      %add3A_474 = arith.addi %mul3A_472, %add3A_473 : i32
      %multiple_of3A_475 = tpu.assume_multiple %add3A_474, 16 : i32
      %get3A_476 = arith.index_cast %multiple_of3A_475 : i32 to index
      %get3A_477 = tpu.vector_load %arg5[%get3A_476] {strides = array<i32>} : memref<10032xf32, #tpu.memory_space<vmem>>, vector<16xf32>,
      %get3A_478 = arith.index_cast %multiple_of3A_475 : i32 to index
      %get3A_479 = tpu.vector_load %arg7[%get3A_478] {strides = array<i32>} : memref<10032xi32, #tpu.memory_space<vmem>>, vector<16xi32>,
      %add3A_480 = arith.addi %mul3A_8, %get3A_459 : vector<16xi32>
      tpu.vector_store_idx %arg9[%add3A_480], %get3A_457 {add = true} : memref<32768xf32, #tpu.memory_space<vmem>>[vector<16xi32>], vector<16xf32>,
      tpu.vector_store_idx %arg10[%add3A_480], %broadcast_in_dim3A_5 {add = true} : memref<32768xf32, #tpu.memory_space<vmem>>[vector<16xi32>], vector<16xf32>,
      %mul3A_481 = arith.constant 400 : i32
      %mul3A_482 = arith.muli %scan3A_236, %mul3A_481 : i32
      %add3A_483 = arith.constant 416 : i32
      %add3A_484 = arith.addi %mul3A_482, %add3A_483 : i32
      %multiple_of3A_485 = tpu.assume_multiple %add3A_484, 16 : i32
      %get3A_486 = arith.index_cast %multiple_of3A_485 : i32 to index
      %get3A_487 = tpu.vector_load %arg5[%get3A_486] {strides = array<i32>} : memref<10032xf32, #tpu.memory_space<vmem>>, vector<16xf32>,
      %get3A_488 = arith.index_cast %multiple_of3A_485 : i32 to index
      %get3A_489 = tpu.vector_load %arg7[%get3A_488] {strides = array<i32>} : memref<10032xi32, #tpu.memory_space<vmem>>, vector<16xi32>,
      %add3A_490 = arith.addi %mul3A_8, %get3A_469 : vector<16xi32>
      tpu.vector_store_idx %arg9[%add3A_490], %get3A_467 {add = true} : memref<32768xf32, #tpu.memory_space<vmem>>[vector<16xi32>], vector<16xf32>,
      tpu.vector_store_idx %arg10[%add3A_490], %broadcast_in_dim3A_5 {add = true} : memref<32768xf32, #tpu.memory_space<vmem>>[vector<16xi32>], vector<16xf32>,
      scf.yield %get3A_477, %get3A_479, %get3A_487, %get3A_489 : vector<16xf32>, vector<16xi32>, vector<16xf32>, vector<16xi32>
    }
    %scan3A_229 = arith.constant 25 : i32
    %scan3A_230 = arith.constant 0 : i32
    %scan3A_231 = arith.constant 0 : i32
    %scan3A_232 = arith.constant 128 : i32
    %scan3A_233 = arith.addi %scan3A_231, %scan3A_232 : i32
    %scan3A_234 = arith.constant 1 : i32
    scf.for %scan3A_236 = %scan3A_231 to %scan3A_233 step %scan3A_234  : i32 {
      %mul3A_237 = arith.constant 16 : i32
      %mul3A_238 = arith.muli %scan3A_236, %mul3A_237 : i32
      %multiple_of3A_239 = tpu.assume_multiple %mul3A_238, 16 : i32
      %add3A_240 = arith.constant 0 : i32
      %add3A_241 = arith.addi %add3A_240, %multiple_of3A_239 : i32
      %get3A_242 = arith.index_cast %add3A_241 : i32 to index
      %get3A_243 = tpu.vector_load %arg9[%get3A_242] {strides = array<i32>} : memref<32768xf32, #tpu.memory_space<vmem>>, vector<16xf32>,
      %add3A_244 = arith.constant 2048 : i32
      %add3A_245 = arith.addi %add3A_244, %multiple_of3A_239 : i32
      %get3A_246 = arith.index_cast %add3A_245 : i32 to index
      %get3A_247 = tpu.vector_load %arg9[%get3A_246] {strides = array<i32>} : memref<32768xf32, #tpu.memory_space<vmem>>, vector<16xf32>,
      %add3A_248 = arith.constant 4096 : i32
      %add3A_249 = arith.addi %add3A_248, %multiple_of3A_239 : i32
      %get3A_250 = arith.index_cast %add3A_249 : i32 to index
      %get3A_251 = tpu.vector_load %arg9[%get3A_250] {strides = array<i32>} : memref<32768xf32, #tpu.memory_space<vmem>>, vector<16xf32>,
      %add3A_252 = arith.constant 6144 : i32
      %add3A_253 = arith.addi %add3A_252, %multiple_of3A_239 : i32
      %get3A_254 = arith.index_cast %add3A_253 : i32 to index
      %get3A_255 = tpu.vector_load %arg9[%get3A_254] {strides = array<i32>} : memref<32768xf32, #tpu.memory_space<vmem>>, vector<16xf32>,
      %add3A_256 = arith.constant 8192 : i32
      %add3A_257 = arith.addi %add3A_256, %multiple_of3A_239 : i32
      %get3A_258 = arith.index_cast %add3A_257 : i32 to index
      %get3A_259 = tpu.vector_load %arg9[%get3A_258] {strides = array<i32>} : memref<32768xf32, #tpu.memory_space<vmem>>, vector<16xf32>,
      %add3A_260 = arith.constant 10240 : i32
      %add3A_261 = arith.addi %add3A_260, %multiple_of3A_239 : i32
      %get3A_262 = arith.index_cast %add3A_261 : i32 to index
      %get3A_263 = tpu.vector_load %arg9[%get3A_262] {strides = array<i32>} : memref<32768xf32, #tpu.memory_space<vmem>>, vector<16xf32>,
      %add3A_264 = arith.constant 12288 : i32
      %add3A_265 = arith.addi %add3A_264, %multiple_of3A_239 : i32
      %get3A_266 = arith.index_cast %add3A_265 : i32 to index
      %get3A_267 = tpu.vector_load %arg9[%get3A_266] {strides = array<i32>} : memref<32768xf32, #tpu.memory_space<vmem>>, vector<16xf32>,
      %add3A_268 = arith.constant 14336 : i32
      %add3A_269 = arith.addi %add3A_268, %multiple_of3A_239 : i32
      %get3A_270 = arith.index_cast %add3A_269 : i32 to index
      %get3A_271 = tpu.vector_load %arg9[%get3A_270] {strides = array<i32>} : memref<32768xf32, #tpu.memory_space<vmem>>, vector<16xf32>,
      %add3A_272 = arith.constant 16384 : i32
      %add3A_273 = arith.addi %add3A_272, %multiple_of3A_239 : i32
      %get3A_274 = arith.index_cast %add3A_273 : i32 to index
      %get3A_275 = tpu.vector_load %arg9[%get3A_274] {strides = array<i32>} : memref<32768xf32, #tpu.memory_space<vmem>>, vector<16xf32>,
      %add3A_276 = arith.constant 18432 : i32
      %add3A_277 = arith.addi %add3A_276, %multiple_of3A_239 : i32
      %get3A_278 = arith.index_cast %add3A_277 : i32 to index
      %get3A_279 = tpu.vector_load %arg9[%get3A_278] {strides = array<i32>} : memref<32768xf32, #tpu.memory_space<vmem>>, vector<16xf32>,
      %add3A_280 = arith.constant 20480 : i32
      %add3A_281 = arith.addi %add3A_280, %multiple_of3A_239 : i32
      %get3A_282 = arith.index_cast %add3A_281 : i32 to index
      %get3A_283 = tpu.vector_load %arg9[%get3A_282] {strides = array<i32>} : memref<32768xf32, #tpu.memory_space<vmem>>, vector<16xf32>,
      %add3A_284 = arith.constant 22528 : i32
      %add3A_285 = arith.addi %add3A_284, %multiple_of3A_239 : i32
      %get3A_286 = arith.index_cast %add3A_285 : i32 to index
      %get3A_287 = tpu.vector_load %arg9[%get3A_286] {strides = array<i32>} : memref<32768xf32, #tpu.memory_space<vmem>>, vector<16xf32>,
      %add3A_288 = arith.constant 24576 : i32
      %add3A_289 = arith.addi %add3A_288, %multiple_of3A_239 : i32
      %get3A_290 = arith.index_cast %add3A_289 : i32 to index
      %get3A_291 = tpu.vector_load %arg9[%get3A_290] {strides = array<i32>} : memref<32768xf32, #tpu.memory_space<vmem>>, vector<16xf32>,
      %add3A_292 = arith.constant 26624 : i32
      %add3A_293 = arith.addi %add3A_292, %multiple_of3A_239 : i32
      %get3A_294 = arith.index_cast %add3A_293 : i32 to index
      %get3A_295 = tpu.vector_load %arg9[%get3A_294] {strides = array<i32>} : memref<32768xf32, #tpu.memory_space<vmem>>, vector<16xf32>,
      %add3A_296 = arith.constant 28672 : i32
      %add3A_297 = arith.addi %add3A_296, %multiple_of3A_239 : i32
      %get3A_298 = arith.index_cast %add3A_297 : i32 to index
      %get3A_299 = tpu.vector_load %arg9[%get3A_298] {strides = array<i32>} : memref<32768xf32, #tpu.memory_space<vmem>>, vector<16xf32>,
      %add3A_300 = arith.constant 30720 : i32
      %add3A_301 = arith.addi %add3A_300, %multiple_of3A_239 : i32
      %get3A_302 = arith.index_cast %add3A_301 : i32 to index
      %get3A_303 = tpu.vector_load %arg9[%get3A_302] {strides = array<i32>} : memref<32768xf32, #tpu.memory_space<vmem>>, vector<16xf32>,
      %add3A_304 = arith.addf %get3A_243, %get3A_247 : vector<16xf32>
      %add3A_305 = arith.addf %get3A_251, %get3A_255 : vector<16xf32>
      %add3A_306 = arith.addf %get3A_259, %get3A_263 : vector<16xf32>
      %add3A_307 = arith.addf %get3A_267, %get3A_271 : vector<16xf32>
      %add3A_308 = arith.addf %get3A_275, %get3A_279 : vector<16xf32>
      %add3A_309 = arith.addf %get3A_283, %get3A_287 : vector<16xf32>
      %add3A_310 = arith.addf %get3A_291, %get3A_295 : vector<16xf32>
      %add3A_311 = arith.addf %get3A_299, %get3A_303 : vector<16xf32>
      %add3A_312 = arith.addf %add3A_304, %add3A_305 : vector<16xf32>
      %add3A_313 = arith.addf %add3A_306, %add3A_307 : vector<16xf32>
      %add3A_314 = arith.addf %add3A_308, %add3A_309 : vector<16xf32>
      %add3A_315 = arith.addf %add3A_310, %add3A_311 : vector<16xf32>
      %add3A_316 = arith.addf %add3A_312, %add3A_313 : vector<16xf32>
      %add3A_317 = arith.addf %add3A_314, %add3A_315 : vector<16xf32>
      %add3A_318 = arith.addf %add3A_316, %add3A_317 : vector<16xf32>
      %swap3A = arith.index_cast %multiple_of3A_239 : i32 to index
      %swap3A_319 = tpu.vector_load %arg9[%swap3A] {strides = array<i32>} : memref<32768xf32, #tpu.memory_space<vmem>>, vector<16xf32>,
      tpu.vector_store %arg9[%swap3A], %add3A_318 {strides = array<i32>} : memref<32768xf32, #tpu.memory_space<vmem>>, vector<16xf32>,
      %add3A_320 = arith.constant 0 : i32
      %add3A_321 = arith.addi %add3A_320, %multiple_of3A_239 : i32
      %get3A_322 = arith.index_cast %add3A_321 : i32 to index
      %get3A_323 = tpu.vector_load %arg10[%get3A_322] {strides = array<i32>} : memref<32768xf32, #tpu.memory_space<vmem>>, vector<16xf32>,
      %add3A_324 = arith.constant 2048 : i32
      %add3A_325 = arith.addi %add3A_324, %multiple_of3A_239 : i32
      %get3A_326 = arith.index_cast %add3A_325 : i32 to index
      %get3A_327 = tpu.vector_load %arg10[%get3A_326] {strides = array<i32>} : memref<32768xf32, #tpu.memory_space<vmem>>, vector<16xf32>,
      %add3A_328 = arith.constant 4096 : i32
      %add3A_329 = arith.addi %add3A_328, %multiple_of3A_239 : i32
      %get3A_330 = arith.index_cast %add3A_329 : i32 to index
      %get3A_331 = tpu.vector_load %arg10[%get3A_330] {strides = array<i32>} : memref<32768xf32, #tpu.memory_space<vmem>>, vector<16xf32>,
      %add3A_332 = arith.constant 6144 : i32
      %add3A_333 = arith.addi %add3A_332, %multiple_of3A_239 : i32
      %get3A_334 = arith.index_cast %add3A_333 : i32 to index
      %get3A_335 = tpu.vector_load %arg10[%get3A_334] {strides = array<i32>} : memref<32768xf32, #tpu.memory_space<vmem>>, vector<16xf32>,
      %add3A_336 = arith.constant 8192 : i32
      %add3A_337 = arith.addi %add3A_336, %multiple_of3A_239 : i32
      %get3A_338 = arith.index_cast %add3A_337 : i32 to index
      %get3A_339 = tpu.vector_load %arg10[%get3A_338] {strides = array<i32>} : memref<32768xf32, #tpu.memory_space<vmem>>, vector<16xf32>,
      %add3A_340 = arith.constant 10240 : i32
      %add3A_341 = arith.addi %add3A_340, %multiple_of3A_239 : i32
      %get3A_342 = arith.index_cast %add3A_341 : i32 to index
      %get3A_343 = tpu.vector_load %arg10[%get3A_342] {strides = array<i32>} : memref<32768xf32, #tpu.memory_space<vmem>>, vector<16xf32>,
      %add3A_344 = arith.constant 12288 : i32
      %add3A_345 = arith.addi %add3A_344, %multiple_of3A_239 : i32
      %get3A_346 = arith.index_cast %add3A_345 : i32 to index
      %get3A_347 = tpu.vector_load %arg10[%get3A_346] {strides = array<i32>} : memref<32768xf32, #tpu.memory_space<vmem>>, vector<16xf32>,
      %add3A_348 = arith.constant 14336 : i32
      %add3A_349 = arith.addi %add3A_348, %multiple_of3A_239 : i32
      %get3A_350 = arith.index_cast %add3A_349 : i32 to index
      %get3A_351 = tpu.vector_load %arg10[%get3A_350] {strides = array<i32>} : memref<32768xf32, #tpu.memory_space<vmem>>, vector<16xf32>,
      %add3A_352 = arith.constant 16384 : i32
      %add3A_353 = arith.addi %add3A_352, %multiple_of3A_239 : i32
      %get3A_354 = arith.index_cast %add3A_353 : i32 to index
      %get3A_355 = tpu.vector_load %arg10[%get3A_354] {strides = array<i32>} : memref<32768xf32, #tpu.memory_space<vmem>>, vector<16xf32>,
      %add3A_356 = arith.constant 18432 : i32
      %add3A_357 = arith.addi %add3A_356, %multiple_of3A_239 : i32
      %get3A_358 = arith.index_cast %add3A_357 : i32 to index
      %get3A_359 = tpu.vector_load %arg10[%get3A_358] {strides = array<i32>} : memref<32768xf32, #tpu.memory_space<vmem>>, vector<16xf32>,
      %add3A_360 = arith.constant 20480 : i32
      %add3A_361 = arith.addi %add3A_360, %multiple_of3A_239 : i32
      %get3A_362 = arith.index_cast %add3A_361 : i32 to index
      %get3A_363 = tpu.vector_load %arg10[%get3A_362] {strides = array<i32>} : memref<32768xf32, #tpu.memory_space<vmem>>, vector<16xf32>,
      %add3A_364 = arith.constant 22528 : i32
      %add3A_365 = arith.addi %add3A_364, %multiple_of3A_239 : i32
      %get3A_366 = arith.index_cast %add3A_365 : i32 to index
      %get3A_367 = tpu.vector_load %arg10[%get3A_366] {strides = array<i32>} : memref<32768xf32, #tpu.memory_space<vmem>>, vector<16xf32>,
      %add3A_368 = arith.constant 24576 : i32
      %add3A_369 = arith.addi %add3A_368, %multiple_of3A_239 : i32
      %get3A_370 = arith.index_cast %add3A_369 : i32 to index
      %get3A_371 = tpu.vector_load %arg10[%get3A_370] {strides = array<i32>} : memref<32768xf32, #tpu.memory_space<vmem>>, vector<16xf32>,
      %add3A_372 = arith.constant 26624 : i32
      %add3A_373 = arith.addi %add3A_372, %multiple_of3A_239 : i32
      %get3A_374 = arith.index_cast %add3A_373 : i32 to index
      %get3A_375 = tpu.vector_load %arg10[%get3A_374] {strides = array<i32>} : memref<32768xf32, #tpu.memory_space<vmem>>, vector<16xf32>,
      %add3A_376 = arith.constant 28672 : i32
      %add3A_377 = arith.addi %add3A_376, %multiple_of3A_239 : i32
      %get3A_378 = arith.index_cast %add3A_377 : i32 to index
      %get3A_379 = tpu.vector_load %arg10[%get3A_378] {strides = array<i32>} : memref<32768xf32, #tpu.memory_space<vmem>>, vector<16xf32>,
      %add3A_380 = arith.constant 30720 : i32
      %add3A_381 = arith.addi %add3A_380, %multiple_of3A_239 : i32
      %get3A_382 = arith.index_cast %add3A_381 : i32 to index
      %get3A_383 = tpu.vector_load %arg10[%get3A_382] {strides = array<i32>} : memref<32768xf32, #tpu.memory_space<vmem>>, vector<16xf32>,
      %add3A_384 = arith.addf %get3A_323, %get3A_327 : vector<16xf32>
      %add3A_385 = arith.addf %get3A_331, %get3A_335 : vector<16xf32>
      %add3A_386 = arith.addf %get3A_339, %get3A_343 : vector<16xf32>
      %add3A_387 = arith.addf %get3A_347, %get3A_351 : vector<16xf32>
      %add3A_388 = arith.addf %get3A_355, %get3A_359 : vector<16xf32>
      %add3A_389 = arith.addf %get3A_363, %get3A_367 : vector<16xf32>
      %add3A_390 = arith.addf %get3A_371, %get3A_375 : vector<16xf32>
      %add3A_391 = arith.addf %get3A_379, %get3A_383 : vector<16xf32>
      %add3A_392 = arith.addf %add3A_384, %add3A_385 : vector<16xf32>
      %add3A_393 = arith.addf %add3A_386, %add3A_387 : vector<16xf32>
      %add3A_394 = arith.addf %add3A_388, %add3A_389 : vector<16xf32>
      %add3A_395 = arith.addf %add3A_390, %add3A_391 : vector<16xf32>
      %add3A_396 = arith.addf %add3A_392, %add3A_393 : vector<16xf32>
      %add3A_397 = arith.addf %add3A_394, %add3A_395 : vector<16xf32>
      %add3A_398 = arith.addf %add3A_396, %add3A_397 : vector<16xf32>
      %swap3A_399 = arith.index_cast %multiple_of3A_239 : i32 to index
      %swap3A_400 = tpu.vector_load %arg10[%swap3A_399] {strides = array<i32>} : memref<32768xf32, #tpu.memory_space<vmem>>, vector<16xf32>,
      tpu.vector_store %arg10[%swap3A_399], %add3A_398 {strides = array<i32>} : memref<32768xf32, #tpu.memory_space<vmem>>, vector<16xf32>,
    }
    %scan3A_235 = arith.constant 128 : i32
    "tpu.region"() ({
      %run_scoped3A = tpu.sem_alloc : memref<!tpu.dma_semaphore, #tpu.memory_space<semaphore_mem>>
      %dma_start3A_236 = arith.constant 0 : i32
      %dma_start3A_237 = tpu.memref_slice %arg9[%dma_start3A_236] : memref<32768xf32, #tpu.memory_space<vmem>> -> memref<2048xf32, #tpu.memory_space<vmem>>
      %dma_start3A_238 = arith.constant 0 : i32
      %dma_start3A_239 = tpu.memref_slice %arg4[%add3A, %dma_start3A_238] : memref<32x4096xf32, #tpu.memory_space<hbm>> -> memref<1x2048xf32, #tpu.memory_space<hbm>>
      %dma_start3A_240 = tpu.memref_squeeze %dma_start3A_239 : memref<1x2048xf32, #tpu.memory_space<hbm>> -> memref<2048xf32, #tpu.memory_space<hbm>>
      %dma_start3A_241 = arith.constant 0 : i32
      %dma_start3A_242 = tpu.memref_slice %arg4[%add3A, %dma_start3A_241] : memref<32x4096xf32, #tpu.memory_space<hbm>> -> memref<1x2048xf32, #tpu.memory_space<hbm>>
      %dma_start3A_243 = tpu.memref_squeeze %dma_start3A_242 : memref<1x2048xf32, #tpu.memory_space<hbm>> -> memref<2048xf32, #tpu.memory_space<hbm>>
      %dma_start3A_244 = arith.constant 0 : i32
      %dma_start3A_245 = tpu.memref_slice %arg9[%dma_start3A_244] : memref<32768xf32, #tpu.memory_space<vmem>> -> memref<2048xf32, #tpu.memory_space<vmem>>
      tpu.enqueue_dma source(%dma_start3A_245 : memref<2048xf32, #tpu.memory_space<vmem>>) target(%dma_start3A_243 : memref<2048xf32, #tpu.memory_space<hbm>>) target_semaphore(%run_scoped3A : memref<!tpu.dma_semaphore, #tpu.memory_space<semaphore_mem>>)
      %dma_wait3A_246 = arith.constant 0 : i32
      %dma_wait3A_247 = tpu.memref_slice %arg9[%dma_wait3A_246] : memref<32768xf32, #tpu.memory_space<vmem>> -> memref<2048xf32, #tpu.memory_space<vmem>>
      %dma_wait3A_248 = arith.constant 0 : i32
      %dma_wait3A_249 = tpu.memref_slice %arg4[%add3A, %dma_wait3A_248] : memref<32x4096xf32, #tpu.memory_space<hbm>> -> memref<1x2048xf32, #tpu.memory_space<hbm>>
      %dma_wait3A_250 = tpu.memref_squeeze %dma_wait3A_249 : memref<1x2048xf32, #tpu.memory_space<hbm>> -> memref<2048xf32, #tpu.memory_space<hbm>>
      %dma_wait3A_251 = arith.constant 0 : i32
      %dma_wait3A_252 = tpu.memref_slice %arg4[%add3A, %dma_wait3A_251] : memref<32x4096xf32, #tpu.memory_space<hbm>> -> memref<1x2048xf32, #tpu.memory_space<hbm>>
      %dma_wait3A_253 = tpu.memref_squeeze %dma_wait3A_252 : memref<1x2048xf32, #tpu.memory_space<hbm>> -> memref<2048xf32, #tpu.memory_space<hbm>>
      %dma_wait3A_254 = arith.constant 0 : i32
      %dma_wait3A_255 = tpu.memref_slice %arg9[%dma_wait3A_254] : memref<32768xf32, #tpu.memory_space<vmem>> -> memref<2048xf32, #tpu.memory_space<vmem>>
      tpu.wait_dma2 semaphore(%run_scoped3A : memref<!tpu.dma_semaphore, #tpu.memory_space<semaphore_mem>>) src(%dma_wait3A_255 : memref<2048xf32, #tpu.memory_space<vmem>>) dst(%dma_wait3A_253 : memref<2048xf32, #tpu.memory_space<hbm>>)
      tpu.yield
    }) : () -> ()
    "tpu.region"() ({
      %run_scoped3A = tpu.sem_alloc : memref<!tpu.dma_semaphore, #tpu.memory_space<semaphore_mem>>
      %dma_start3A_236 = arith.constant 0 : i32
      %dma_start3A_237 = tpu.memref_slice %arg10[%dma_start3A_236] : memref<32768xf32, #tpu.memory_space<vmem>> -> memref<2048xf32, #tpu.memory_space<vmem>>
      %dma_start3A_238 = arith.constant 2048 : i32
      %dma_start3A_239 = tpu.memref_slice %arg4[%add3A, %dma_start3A_238] : memref<32x4096xf32, #tpu.memory_space<hbm>> -> memref<1x2048xf32, #tpu.memory_space<hbm>>
      %dma_start3A_240 = tpu.memref_squeeze %dma_start3A_239 : memref<1x2048xf32, #tpu.memory_space<hbm>> -> memref<2048xf32, #tpu.memory_space<hbm>>
      %dma_start3A_241 = arith.constant 2048 : i32
      %dma_start3A_242 = tpu.memref_slice %arg4[%add3A, %dma_start3A_241] : memref<32x4096xf32, #tpu.memory_space<hbm>> -> memref<1x2048xf32, #tpu.memory_space<hbm>>
      %dma_start3A_243 = tpu.memref_squeeze %dma_start3A_242 : memref<1x2048xf32, #tpu.memory_space<hbm>> -> memref<2048xf32, #tpu.memory_space<hbm>>
      %dma_start3A_244 = arith.constant 0 : i32
      %dma_start3A_245 = tpu.memref_slice %arg10[%dma_start3A_244] : memref<32768xf32, #tpu.memory_space<vmem>> -> memref<2048xf32, #tpu.memory_space<vmem>>
      tpu.enqueue_dma source(%dma_start3A_245 : memref<2048xf32, #tpu.memory_space<vmem>>) target(%dma_start3A_243 : memref<2048xf32, #tpu.memory_space<hbm>>) target_semaphore(%run_scoped3A : memref<!tpu.dma_semaphore, #tpu.memory_space<semaphore_mem>>)
      %dma_wait3A_246 = arith.constant 0 : i32
      %dma_wait3A_247 = tpu.memref_slice %arg10[%dma_wait3A_246] : memref<32768xf32, #tpu.memory_space<vmem>> -> memref<2048xf32, #tpu.memory_space<vmem>>
      %dma_wait3A_248 = arith.constant 2048 : i32
      %dma_wait3A_249 = tpu.memref_slice %arg4[%add3A, %dma_wait3A_248] : memref<32x4096xf32, #tpu.memory_space<hbm>> -> memref<1x2048xf32, #tpu.memory_space<hbm>>
      %dma_wait3A_250 = tpu.memref_squeeze %dma_wait3A_249 : memref<1x2048xf32, #tpu.memory_space<hbm>> -> memref<2048xf32, #tpu.memory_space<hbm>>
      %dma_wait3A_251 = arith.constant 2048 : i32
      %dma_wait3A_252 = tpu.memref_slice %arg4[%add3A, %dma_wait3A_251] : memref<32x4096xf32, #tpu.memory_space<hbm>> -> memref<1x2048xf32, #tpu.memory_space<hbm>>
      %dma_wait3A_253 = tpu.memref_squeeze %dma_wait3A_252 : memref<1x2048xf32, #tpu.memory_space<hbm>> -> memref<2048xf32, #tpu.memory_space<hbm>>
      %dma_wait3A_254 = arith.constant 0 : i32
      %dma_wait3A_255 = tpu.memref_slice %arg10[%dma_wait3A_254] : memref<32768xf32, #tpu.memory_space<vmem>> -> memref<2048xf32, #tpu.memory_space<vmem>>
      tpu.wait_dma2 semaphore(%run_scoped3A : memref<!tpu.dma_semaphore, #tpu.memory_space<semaphore_mem>>) src(%dma_wait3A_255 : memref<2048xf32, #tpu.memory_space<vmem>>) dst(%dma_wait3A_253 : memref<2048xf32, #tpu.memory_space<hbm>>)
      tpu.yield
    }) : () -> ()
    return
  }
}

module attributes {stable_mosaic.version = 14 : i64} {
  func.func @_epilogue(%arg0: memref<32x4096xf32, #tpu.memory_space<vmem>>, %arg1: memref<1x1xf32, #tpu.memory_space<vmem>>) attributes {dimension_semantics = [], scalar_prefetch = 0 : i64, scratch_operands = 0 : i64, tpu.core_type = #tpu.core_type<tc>} {
    %get3A = arith.constant 0 : index
    %get3A_0 = arith.constant 0 : index
    %get3A_1 = vector.load %arg0[%get3A, %get3A_0] : memref<32x4096xf32, #tpu.memory_space<vmem>>, vector<32x4096xf32>
    %slice3A = vector.extract_strided_slice %get3A_1 {offsets = [0, 0], sizes = [32, 2048], strides = [1, 1]} : vector<32x4096xf32> to vector<32x2048xf32>
    %reduce_sum3A = arith.constant dense<0.000000e+00> : vector<2048xf32>
    %reduce_sum3A_2 = vector.multi_reduction <add>, %slice3A, %reduce_sum3A [0] : vector<32x2048xf32> to vector<2048xf32>
    %broadcast_in_dim3A = vector.shape_cast %reduce_sum3A_2 : vector<2048xf32> to vector<1x2048xf32>
    %slice3A_3 = vector.extract_strided_slice %get3A_1 {offsets = [0, 2048], sizes = [32, 2048], strides = [1, 1]} : vector<32x4096xf32> to vector<32x2048xf32>
    %reduce_sum3A_4 = arith.constant dense<0.000000e+00> : vector<2048xf32>
    %reduce_sum3A_5 = vector.multi_reduction <add>, %slice3A_3, %reduce_sum3A_4 [0] : vector<32x2048xf32> to vector<2048xf32>
    %broadcast_in_dim3A_6 = vector.shape_cast %reduce_sum3A_5 : vector<2048xf32> to vector<1x2048xf32>
    %gt3A = arith.constant 0.000000e+00 : f32
    %gt3A_7 = vector.broadcast %gt3A : f32 to vector<1x2048xf32>
    %gt3A_8 = arith.cmpf ogt, %broadcast_in_dim3A_6, %gt3A_7 : vector<1x2048xf32>
    %max3A = arith.constant 1.000000e+00 : f32
    %max3A_9 = vector.broadcast %max3A : f32 to vector<1x2048xf32>
    %max3A_10 = arith.maximumf %broadcast_in_dim3A_6, %max3A_9 : vector<1x2048xf32>
    %div3A = arith.divf %broadcast_in_dim3A, %max3A_10 : vector<1x2048xf32>
    %jit3A = arith.constant 0.000000e+00 : f32
    %broadcast_in_dim3A_11 = vector.broadcast %jit3A : f32 to vector<1x2048xf32>
    %select_n3A = arith.select %gt3A_8, %div3A, %broadcast_in_dim3A_11 : vector<1x2048xi1>, vector<1x2048xf32>
    %iota3A = tpu.iota {dimensions = array<i32: 0>} : vector<2048x32xi32>
    %jit3A_12 = arith.constant 64 : i32
    %div3A_13 = vector.broadcast %jit3A_12 : i32 to vector<2048x32xi32>
    %div3A_14 = arith.divsi %iota3A, %div3A_13 : vector<2048x32xi32>
    %sign3A = arith.constant 0 : i32
    %sign3A_15 = vector.broadcast %sign3A : i32 to vector<2048x32xi32>
    %sign3A_16 = arith.cmpi sgt, %iota3A, %sign3A_15 : vector<2048x32xi32>
    %sign3A_17 = arith.extui %sign3A_16 : vector<2048x32xi1> to vector<2048x32xi32>
    %sign3A_18 = arith.constant 0 : i32
    %sign3A_19 = vector.broadcast %sign3A_18 : i32 to vector<2048x32xi32>
    %sign3A_20 = arith.cmpi slt, %iota3A, %sign3A_19 : vector<2048x32xi32>
    %sign3A_21 = arith.extui %sign3A_20 : vector<2048x32xi1> to vector<2048x32xi32>
    %sign3A_22 = arith.subi %sign3A_17, %sign3A_21 : vector<2048x32xi32>
    %sign3A_23 = arith.constant 0 : i32
    %sign3A_24 = arith.cmpi sgt, %jit3A_12, %sign3A_23 : i32
    %sign3A_25 = arith.extui %sign3A_24 : i1 to i32
    %sign3A_26 = arith.constant 0 : i32
    %sign3A_27 = arith.cmpi slt, %jit3A_12, %sign3A_26 : i32
    %sign3A_28 = arith.extui %sign3A_27 : i1 to i32
    %sign3A_29 = arith.subi %sign3A_25, %sign3A_28 : i32
    %ne3A = vector.broadcast %sign3A_29 : i32 to vector<2048x32xi32>
    %ne3A_30 = arith.cmpi ne, %sign3A_22, %ne3A : vector<2048x32xi32>
    %rem3A = vector.broadcast %jit3A_12 : i32 to vector<2048x32xi32>
    %rem3A_31 = arith.remsi %iota3A, %rem3A : vector<2048x32xi32>
    %ne3A_32 = arith.constant 0 : i32
    %ne3A_33 = vector.broadcast %ne3A_32 : i32 to vector<2048x32xi32>
    %ne3A_34 = arith.cmpi ne, %rem3A_31, %ne3A_33 : vector<2048x32xi32>
    %and3A = arith.andi %ne3A_30, %ne3A_34 : vector<2048x32xi1>
    %sub3A = arith.constant 1 : i32
    %sub3A_35 = vector.broadcast %sub3A : i32 to vector<2048x32xi32>
    %sub3A_36 = arith.subi %div3A_14, %sub3A_35 : vector<2048x32xi32>
    %select_n3A_37 = arith.select %and3A, %sub3A_36, %div3A_14 : vector<2048x32xi1>, vector<2048x32xi32>
    %iota3A_38 = tpu.iota {dimensions = array<i32: 1>} : vector<2048x32xi32>
    %eq3A = arith.cmpi eq, %select_n3A_37, %iota3A_38 : vector<2048x32xi32>
    %convert_element_type3A = arith.extui %eq3A : vector<2048x32xi1> to vector<2048x32xi32>
    %convert_element_type3A_39 = arith.sitofp %convert_element_type3A : vector<2048x32xi32> to vector<2048x32xf32>
    %dot_general3A = arith.constant dense<0.000000e+00> : vector<1x32xf32>
    %dot_general3A_40 = tpu.matmul %select_n3A, %convert_element_type3A_39, %dot_general3A {dimension_numbers = #tpu.dot_dimension_numbers<[1], [0], [0], [1], [0, 0, 1, 1], [], []>, precision = #tpu.contract_precision<fp32>, transpose_lhs_hint = false} : vector<1x2048xf32>, vector<2048x32xf32>, vector<1x32xf32> -> vector<1x32xf32>
    %convert_element_type3A_41 = arith.extui %gt3A_8 : vector<1x2048xi1> to vector<1x2048xi32>
    %convert_element_type3A_42 = arith.sitofp %convert_element_type3A_41 : vector<1x2048xi32> to vector<1x2048xf32>
    %dot_general3A_43 = arith.constant dense<0.000000e+00> : vector<1x32xf32>
    %dot_general3A_44 = tpu.matmul %convert_element_type3A_42, %convert_element_type3A_39, %dot_general3A_43 {dimension_numbers = #tpu.dot_dimension_numbers<[1], [0], [0], [1], [0, 0, 1, 1], [], []>, precision = #tpu.contract_precision<fp32>, transpose_lhs_hint = false} : vector<1x2048xf32>, vector<2048x32xf32>, vector<1x32xf32> -> vector<1x32xf32>
    %max3A_45 = arith.constant 1.000000e+00 : f32
    %max3A_46 = vector.broadcast %max3A_45 : f32 to vector<1x32xf32>
    %max3A_47 = arith.maximumf %dot_general3A_44, %max3A_46 : vector<1x32xf32>
    %div3A_48 = arith.divf %dot_general3A_40, %max3A_47 : vector<1x32xf32>
    %gt3A_49 = arith.constant 0.000000e+00 : f32
    %gt3A_50 = vector.broadcast %gt3A_49 : f32 to vector<1x32xf32>
    %gt3A_51 = arith.cmpf ogt, %dot_general3A_44, %gt3A_50 : vector<1x32xf32>
    %jit3A_52 = arith.constant 0.000000e+00 : f32
    %broadcast_in_dim3A_53 = vector.broadcast %jit3A_52 : f32 to vector<1x32xf32>
    %select_n3A_54 = arith.select %gt3A_51, %div3A_48, %broadcast_in_dim3A_53 : vector<1x32xi1>, vector<1x32xf32>
    %reduce_sum3A_55 = vector.shape_cast %select_n3A_54 : vector<1x32xf32> to vector<1x1x32xf32>
    %reduce_sum3A_56 = arith.constant dense<0.000000e+00> : vector<1xf32>
    %reduce_sum3A_57 = vector.multi_reduction <add>, %reduce_sum3A_55, %reduce_sum3A_56 [1, 2] : vector<1x1x32xf32> to vector<1xf32>
    %reduce_sum3A_58 = vector.shape_cast %reduce_sum3A_57 : vector<1xf32> to vector<1x1x1xf32>
    %reduce_sum3A_59 = vector.extract %reduce_sum3A_58[0, 0, 0] : f32 from vector<1x1x1xf32>
    %convert_element_type3A_60 = arith.extui %gt3A_51 : vector<1x32xi1> to vector<1x32xi32>
    %convert_element_type3A_61 = arith.sitofp %convert_element_type3A_60 : vector<1x32xi32> to vector<1x32xf32>
    %reduce_sum3A_62 = vector.shape_cast %convert_element_type3A_61 : vector<1x32xf32> to vector<1x1x32xf32>
    %reduce_sum3A_63 = arith.constant dense<0.000000e+00> : vector<1xf32>
    %reduce_sum3A_64 = vector.multi_reduction <add>, %reduce_sum3A_62, %reduce_sum3A_63 [1, 2] : vector<1x1x32xf32> to vector<1xf32>
    %reduce_sum3A_65 = vector.shape_cast %reduce_sum3A_64 : vector<1xf32> to vector<1x1x1xf32>
    %reduce_sum3A_66 = vector.extract %reduce_sum3A_65[0, 0, 0] : f32 from vector<1x1x1xf32>
    %max3A_67 = arith.constant 1.000000e+00 : f32
    %max3A_68 = arith.maximumf %reduce_sum3A_66, %max3A_67 : f32
    %div3A_69 = arith.divf %reduce_sum3A_59, %max3A_68 : f32
    %broadcast_in_dim3A_70 = vector.broadcast %div3A_69 : f32 to vector<1x1xf32>
    %swap3A = arith.constant 0 : index
    %swap3A_71 = arith.constant 0 : index
    %swap3A_72 = vector.load %arg1[%swap3A, %swap3A_71] : memref<1x1xf32, #tpu.memory_space<vmem>>, vector<1x1xf32>
    tpu.vector_store %arg1[%swap3A, %swap3A_71], %broadcast_in_dim3A_70 {strides = array<i32>} : memref<1x1xf32, #tpu.memory_space<vmem>>, vector<1x1xf32>,
    return
  }
}

module attributes {stable_mosaic.version = 14 : i64} {
  func.func @_prepass(%arg0: i32, %arg1: memref<1x131072xf32, #tpu.memory_space<vmem>>, %arg2: memref<5x131072xf32, #tpu.memory_space<vmem>>, %arg3: memref<6x131072xi32, #tpu.memory_space<vmem>>, %arg4: memref<131072xf32, #tpu.memory_space<vmem>>, %arg5: memref<131072xi32, #tpu.memory_space<vmem>>) attributes {dimension_semantics = [#tpu.dimension_semantics<arbitrary>], iteration_bounds = array<i64: 13>, scalar_prefetch = 0 : i64, scratch_operands = 0 : i64, tpu.core_type = #tpu.core_type<tc>, window_params = [{transform_indices = @transform_0, window_bounds = array<i64: 1, 131072>}, {transform_indices = @transform_1, window_bounds = array<i64: 5, 131072>}, {transform_indices = @transform_2, window_bounds = array<i64: 6, 131072>}, {transform_indices = @transform_3, window_bounds = array<i64: 131072>}, {transform_indices = @transform_4, window_bounds = array<i64: 131072>}]} {
    %get3A = arith.constant 0 : index
    %get3A_0 = arith.constant 0 : index
    %get3A_1 = vector.load %arg1[%get3A, %get3A_0] : memref<1x131072xf32, #tpu.memory_space<vmem>>, vector<1x131072xf32>
    %get3A_2 = arith.constant 4 : index
    %get3A_3 = arith.constant 0 : index
    %get3A_4 = vector.load %arg2[%get3A_2, %get3A_3] : memref<5x131072xf32, #tpu.memory_space<vmem>>, vector<1x131072xf32>
    %sub3A = arith.subf %get3A_1, %get3A_4 : vector<1x131072xf32>
    %get3A_5 = arith.constant 3 : index
    %get3A_6 = arith.constant 0 : index
    %get3A_7 = vector.load %arg3[%get3A_5, %get3A_6] : memref<6x131072xi32, #tpu.memory_space<vmem>>, vector<1x131072xi32>
    %mul3A = arith.constant 64 : i32
    %mul3A_8 = vector.broadcast %mul3A : i32 to vector<1x131072xi32>
    %mul3A_9 = arith.muli %get3A_7, %mul3A_8 : vector<1x131072xi32>
    %get3A_10 = arith.constant 4 : index
    %get3A_11 = arith.constant 0 : index
    %get3A_12 = vector.load %arg3[%get3A_10, %get3A_11] : memref<6x131072xi32, #tpu.memory_space<vmem>>, vector<1x131072xi32>
    %add3A = arith.addi %mul3A_9, %get3A_12 : vector<1x131072xi32>
    %mul3A_13 = arith.mulf %sub3A, %sub3A : vector<1x131072xf32>
    %reshape3A = vector.shape_cast %mul3A_13 : vector<1x131072xf32> to vector<131072xf32>
    %swap3A = arith.constant 0 : index
    %swap3A_14 = vector.load %arg4[%swap3A] : memref<131072xf32, #tpu.memory_space<vmem>>, vector<131072xf32>
    tpu.vector_store %arg4[%swap3A], %reshape3A {strides = array<i32>} : memref<131072xf32, #tpu.memory_space<vmem>>, vector<131072xf32>,
    %reshape3A_15 = vector.shape_cast %add3A : vector<1x131072xi32> to vector<131072xi32>
    %swap3A_16 = arith.constant 0 : index
    %swap3A_17 = vector.load %arg5[%swap3A_16] : memref<131072xi32, #tpu.memory_space<vmem>>, vector<131072xi32>
    tpu.vector_store %arg5[%swap3A_16], %reshape3A_15 {strides = array<i32>} : memref<131072xi32, #tpu.memory_space<vmem>>, vector<131072xi32>,
    return
  }
  func.func @transform_0(%arg0: i32) -> (i32, i32) {
    %c0_i32 = arith.constant 0 : i32
    %c0_i32_0 = arith.constant 0 : i32
    return %c0_i32, %arg0 : i32, i32
  }
  func.func @transform_1(%arg0: i32) -> (i32, i32) {
    %c0_i32 = arith.constant 0 : i32
    %c0_i32_0 = arith.constant 0 : i32
    return %c0_i32, %arg0 : i32, i32
  }
  func.func @transform_2(%arg0: i32) -> (i32, i32) {
    %c0_i32 = arith.constant 0 : i32
    %c0_i32_0 = arith.constant 0 : i32
    return %c0_i32, %arg0 : i32, i32
  }
  func.func @transform_3(%arg0: i32) -> i32 {
    %c0_i32 = arith.constant 0 : i32
    return %arg0 : i32
  }
  func.func @transform_4(%arg0: i32) -> i32 {
    %c0_i32 = arith.constant 0 : i32
    return %arg0 : i32
  }
}

</mosaic_0001>

<sc_bundles>
// kernel: kernel.5.cloned.1.call-start
scs
__scs_entry_jumppad:
0x0: {  	(pc) =	sbr.rel $0x88, $3  }
0x1: {  	(tag) =	ssettag $0x0;
	lr =	simm.s32 $0x1  }
0x2: {  	[smem:$0x3F9E] =	sst lr;
	_ =	strace $0xD0000000  }
0x3: {  	_ = 	snop  }
0x4: {  	_ = 	snop  }
0x5: {  	_ = 	snop  }
0x6: {  	_ = 	snop  }
0x7: {  	_ = 	snop  }
__scs_overlays_trampoline_lowered:
0x8: {  	[smem:$0x3FAD] =	sst s0  }
0x9: {  	[smem:$0x3FAE] =	sst s1  }
0xa: {  	[smem:$0x3FAF] =	sst s2  }
0xb: {  	[smem:$0x3FB0] =	sst s3  }
0xc: {  	[smem:$0x3FB1] =	sst s4  }
0xd: {  	[smem:$0x3FB2] =	sst s5  }
0xe: {  	[smem:$0x3FB3] =	sst s6  }
0xf: {  	[smem:$0x3FB4] =	sst s7  }
0x10: {  	[smem:$0x3FB5] =	sst s8  }
0x11: {  	[smem:$0x3FB6] =	sst s9;
	s0 =	simm.s32 @!p0 $0x0  }
0x12: {  	s1 =	sld [smem:$0x3F9C];
	s0 =	simm.s32 @p0 $0x1  }
0x13: {  	[smem:$0x3FB7] =	sst s0;
	s0 =	simm.s32 @!p1 $0x0  }
0x14: {  	s2 =	sld [smem:$0x3F9B];
	s0 =	simm.s32 @p1 $0x1  }
0x15: {  	[smem:$0x3FB8] =	sst s0;
	s0 =	simm.s32 @!p2 $0x0  }
0x16: {  	s3 =	sld [smem:$0x3FDB];
	s0 =	simm.s32 @p2 $0x1  }
0x17: {  	s4 =	simm.s32 $0x1BF5;
	[smem:$0x3FBA] =	sst s0  }
0x18: {  	s0 =	sld [smem:$0x3F9D];
	_ =	swait.ge [sflag:s4], $0x0  }
0x19: {  	s7 =	sld [smem:$0x3F9E]  }
0x1a: {  	s8 =	sadd.s32 $0xFFFFE003, lr  }
0x1b: {  	s9 =	sadd.s32 $0xFFFFFEF7, lr;
	s5 =	simm.s32 $0xFFFFFFFF;
	p2 =	slt.u32 s8, $0xFFFFF086  }
0x1c: {  	p1 =	slt.u32 s9, $0xF7A;
	s5 =	simm.s32 @!p2 $0x0  }
0x1d: {  	s5 =	simm.s32 @p1 $0x1;
	p0 =	seq.s32 s7, s2  }
0x1e: {  	s7 =	smul.u32 @!p0 $0xF7A, s2;
	p2 =	seq.s32 @!p0 s5, $0x0  }
0x1f: {  	s9 =	smul.u32 $0xF7A, s1;
	s8 =	simm.s32 @!p0 $0x1BF5;
	p2 =	por !p2, p0  }
0x20: {  	[sflag:s8] =	ssyncset.s32 @!p0 $0xFFFFF086;
	s6 =	sadd.s32 @!p0 s3, s7;
	s7 =	simm.s32 @!p0 $0x108  }
0x21: {  	s3 =	sadd.s32 s3, s9;
	s6 =	sadd.s32 @!p0 $0x88, s6;
	s7 =	simm.s32 @p2 $0x1082  }
0x22: {  	[simem:s7], [sflag:s8] =	dma.local @!p0 [hbm:s6], $0xF7A  }
0x23: {  	s9 =	sor.u32 $0xD0000000, s2;
	s6 =	simm.s32 $0x108;
	_ =	swait.ge @!p0 [sflag:s8], $0x0  }
0x24: {  	s3 =	sadd.s32 $0x88, s3;
	s6 =	simm.s32 @!p1 $0x1082;
	[sflag:s4] =	ssyncset.s32 $0xFFFFF086  }
0x25: {  	[simem:s6], [sflag:s4] =	dma.local [hbm:s3], $0xF7A  }
0x26: {  	[smem:$0x3F9E] =	sst s1;
	(tag) =	ssettag s2;
	_ =	strace s9  }
0x27: {  	s1 =	sld [smem:$0x3FAE]  }
0x28: {  	s2 =	sld [smem:$0x3FAF]  }
0x29: {  	s4 =	sld [smem:$0x3FB1]  }
0x2a: {  	p0 =	seq.s32 s5, $0x0;
	s5 =	sld [smem:$0x3FB2]  }
0x2b: {  	s6 =	sld [smem:$0x3FB3]  }
0x2c: {  	s7 =	sld [smem:$0x3FB4]  }
0x2d: {  	s3 =	simm.s32 $0x108;
	s8 =	sld [smem:$0x3FB5]  }
0x2e: {  	s3 =	simm.s32 @!p0 $0x1082;
	s9 =	sld [smem:$0x3FB6]  }
0x2f: {  	lr =	sadd.s32 s0, s3;
	s0 =	sld [smem:$0x3FAD]  }
0x30: {  	s3 =	sld [smem:$0x3FB0]  }
0x31: {  	[smem:$0x3FB9] =	sst s10  }
0x32: {  	s10 =	sld [smem:$0x3FB7];
	_ =	sdelay $0x3  }
0x33: {  	p0 =	seq.s32 s10, $0x1;
	s10 =	sld [smem:$0x3FB9];
	_ =	sdelay $0x3  }
0x34: {  	[smem:$0x3FB9] =	sst s10  }
0x35: {  	s10 =	sld [smem:$0x3FB8];
	_ =	sdelay $0x3  }
0x36: {  	p1 =	seq.s32 s10, $0x1;
	s10 =	sld [smem:$0x3FB9];
	_ =	sdelay $0x3  }
0x37: {  	[smem:$0x3FB9] =	sst s10  }
0x38: {  	s10 =	sld [smem:$0x3FBA]  }
0x39: {  	_ = 	snop;
	(pc) =	sbr.ind lr, $3  }
0x3a: {  	_ = 	snop  }
0x3b: {  	_ = 	snop  }
0x3c: {  	p2 =	seq.s32 s10, $0x1;
	s10 =	sld [smem:$0x3FB9]  }
0x3d: {  	_ =	shalt  }
0x3e: {  	_ =	shalt  }
0x3f: {  	_ =	shalt  }
0x40: {  	_ =	shalt  }
0x41: {  	_ =	shalt  }
0x42: {  	_ =	shalt  }
0x43: {  	_ =	shalt  }
0x44: {  	_ =	shalt  }
0x45: {  	_ =	shalt  }
0x46: {  	_ =	shalt  }
0x47: {  	_ =	shalt  }
0x48: {  	_ =	shalt  }
0x49: {  	_ =	shalt  }
0x4a: {  	_ =	shalt  }
0x4b: {  	_ =	shalt  }
0x4c: {  	_ =	shalt  }
0x4d: {  	_ =	shalt  }
0x4e: {  	_ =	shalt  }
0x4f: {  	_ =	shalt  }
0x50: {  	_ =	shalt  }
0x51: {  	_ =	shalt  }
0x52: {  	_ =	shalt  }
0x53: {  	_ =	shalt  }
0x54: {  	_ =	shalt  }
0x55: {  	_ =	shalt  }
0x56: {  	_ =	shalt  }
0x57: {  	_ =	shalt  }
0x58: {  	_ =	shalt  }
0x59: {  	_ =	shalt  }
0x5a: {  	_ =	shalt  }
0x5b: {  	_ =	shalt  }
0x5c: {  	_ =	shalt  }
0x5d: {  	_ =	shalt  }
0x5e: {  	_ =	shalt  }
0x5f: {  	_ =	shalt  }
0x60: {  	_ =	shalt  }
0x61: {  	_ =	shalt  }
0x62: {  	_ =	shalt  }
0x63: {  	_ =	shalt  }
0x64: {  	_ =	shalt  }
0x65: {  	_ =	shalt  }
0x66: {  	_ =	shalt  }
0x67: {  	_ =	shalt  }
0x68: {  	_ =	shalt  }
0x69: {  	_ =	shalt  }
0x6a: {  	_ =	shalt  }
0x6b: {  	_ =	shalt  }
0x6c: {  	_ =	shalt  }
0x6d: {  	_ =	shalt  }
0x6e: {  	_ =	shalt  }
0x6f: {  	_ =	shalt  }
0x70: {  	_ =	shalt  }
0x71: {  	_ =	shalt  }
0x72: {  	_ =	shalt  }
0x73: {  	_ =	shalt  }
0x74: {  	_ =	shalt  }
0x75: {  	_ =	shalt  }
0x76: {  	_ =	shalt  }
0x77: {  	_ =	shalt  }
0x78: {  	_ =	shalt  }
0x79: {  	_ =	shalt  }
0x7a: {  	_ =	shalt  }
0x7b: {  	_ =	shalt  }
0x7c: {  	_ =	shalt  }
0x7d: {  	_ =	shalt  }
0x7e: {  	_ =	shalt  }
0x7f: {  	_ =	shalt  }
0x80: {  	_ =	shalt  }
0x81: {  	_ =	shalt  }
0x82: {  	_ =	shalt  }
0x83: {  	_ =	shalt  }
0x84: {  	_ =	shalt  }
0x85: {  	_ =	shalt  }
0x86: {  	_ =	shalt  }
0x87: {  	_ =	shalt  }
.Lfunc_end0:
.L_simem_size_0:
called_computation_lowered:
.L_overlay_start_0:
0x88: {  	s2 =	sld [smem:$0x3FD9]  }
0x89: {  	s3 =	sld [smem:$0x3FFE];
	_ =	sdelay $0x1  }
0x8a: {  	s1 =	srdreg.scid  }
0x8b: {  	s0 =	sand.u32 $0x1, s1  }
0x8c: {  	s16 =	sshll.u32 s0, $0xA;
	s2 =	sadd.s32 s3, s2  }
0x8d: {  	s2 =	sadd.s32 s2, s16  }
0x8e: {  	[smem:$0x3FC5] =	sst s2  }
0x8f: {  	_ = 	snop  }
0x90: {  	(tm) =	ssettm $0x1  }
0x91: {  	s17 =	sld [smem:$0x3FFB];
	_ =	sdelay $0x3  }
0x92: {  	_ =	strace s17  }
0x93: {  	s2 =	sld [smem:$0x3FFC];
	_ =	sdelay $0x3  }
0x94: {  	_ =	strace s2  }
0x95: {  	s2 =	sld [smem:$0x3FFD];
	_ =	sdelay $0x3  }
0x96: {  	_ =	strace s2  }
0x97: {  	_ =	strace $0x8FFFFFFF  }
0x98: {  	s18 =	sld [smem:$0x3FDB];
	_ =	sdelay $0x1  }
0x99: {  	s19 =	simm.s32 $_scs_section_size  }
0x9a: {  	s4 =	simm.s32 $_size__tile_overlayer_lowered;
	s5 =	simm.s32 $_tile_overlayer_lowered  }
0x9b: {  	s22 =	simm.s32 $0x1BFF;
	s21 =	sshll.u32 s5, $0x1;
	s2 =	sadd.s32 s19, s18  }
0x9c: {  	s6 =	simm.s32 $0x0;
	s20 =	sshll.u32 s4, $0x1;
	s4 =	sadd.s32 s21, s2  }
0x9d: {  	[timem:s6], [sflag:s22] =	dma.local [hbm:s4], s20  }
0x9e: {  	_ =	swait.ge [sflag:s22], s20  }
0x9f: {  	s3 =	ssub.s32 $0x0, s20;
	[sflag:s22] =	ssyncset.done $0x0  }
0xa0: {  	[sflag:s22] =	ssyncadd.s32 s3;
	_ =	sdelay $0x1  }
0xa1: {  	s23 =	simm.s32 $0x1B8B  }
0xa2: {  	_ =	swait.ge [sflag:s23], $0x1  }
0xa3: {  	[sflag:s23] =	ssyncset.done $0x0  }
0xa4: {  	s25 =	simm.s32 $0x1B8E;
	s24 =	sld [smem:$0x3FFE];
	[sflag:s23] =	ssyncadd.s32 $0xFFFFFFFF  }
0xa5: {  	s26 =	simm.s32 $execute0_lowered;
	[smem:$0x3FD2] =	sst s25  }
0xa6: {  	s4 =	sshll.u32 s26, $0x1;
	_ =	strace $0x80000046;
	[dreg:$0x1] =	wrdreg $0xFFFFFFFF  }
0xa7: {  	s28 =	simm.s32 $_size_execute0_lowered;
	s2 =	sadd.s32 s2, s4;
	[dreg:$0x0] =	wrdreg $0x0  }
0xa8: {  	s4 =	sshll.u32 s28, $0x1;
	[dreg:$0x2] =	wrdreg s2  }
0xa9: {  	[dreg:$0x3] =	wrdreg s4  }
0xaa: {  	[dreg:$0x4] =	wrdreg $0xC0  }
0xab: {  	_ =	task [dreg:s6], $0x5FFFF  }
0xac: {  	[dreg:$0x1] =	wrdreg $0xFFFFFFFF  }
0xad: {  	[dreg:$0x0] =	wrdreg $0x60  }
0xae: {  	[dreg:$0x2] =	wrdreg s24  }
0xaf: {  	[dreg:$0x3] =	wrdreg $0x9  }
0xb0: {  	_ =	task.clear_ibuf [dreg:s6], $0x4FFFF;
	_ =	strace $0x90000046  }
0xb1: {  	s29 =	simm.s32 $0x9;
	_ =	strace $0x80000048  }
0xb2: {  	_ =	swait.ge [sflag:s29], $0x1  }
0xb3: {  	[sflag:s29] =	ssyncadd.s32 $0xFFFFFFFF  }
0xb4: {  	_ =	strace $0x90000048  }
0xb5: {  	_ =	sfence  }
0xb6: {  	s30 =	sld [smem:$0x0];
	_ =	sdelay $0x2  }
0xb7: {  	s31 =	sshll.u32 s1, $0xD;
	s1 =	sshrl.u32 s1, $0x2  }
0xb8: {  	s3 =	sand.u32 $0x4000, s31;
	s1 =	sadd.s32 s1, s30  }
0xb9: {  	s0 =	sor.u32 s3, s0;
	s1 =	sshll.u32 s1, $0x11  }
0xba: {  	s0 =	sor.u32 s1, s0  }
0xbb: {  	s0 =	sadd.s32 $0x8F2B, s0  }
0xbc: {  	[sflag:s0] =	ssyncadd.remote.s32 $0x1  }
0xbd: {  	_ =	sfence.sel $0xFFFF  }
0xbe: {  	[dreg:$0x0] =	wrdreg $0xFFFFFFFF;
	(pc) =	sbr.abs _section_cstart, $3  }
0xbf: {  	[dreg:$0x1] =	wrdreg $0xFFFFFFFF  }
0xc0: {  	_ =	task.clear_ibuf [dreg:s6], $0x2FFFF;
	_ =	strace $0x9FFFFFFF  }
0xc1: {  	(tm) =	ssettm $0x7FFFFFFF  }
tec
execute0_lowered:
.L_overlay_start_1:
0x0: {  	(tag) =	ssettag $0x1  }
0x1: {  	s3 =	rddreg [dreg:$0x0];
	s1 =	srdreg.scid  }
0x2: {  	s0 =	rddreg [dreg:$0x1];
	s2 =	simm.s32 $0x0;
	s16 =	simm.s32 $0x4F00  }
0x3: {  	s17 =	simm.s32 $0x1;
	s18 =	simm.s32 $0x2780;
	s19 =	simm.s32 $0x7680  }
0x4: {  	s20 =	simm.s32 $0x9E00;
	s21 =	simm.s32 $0x11E00;
	s22 =	simm.s32 $0x2  }
0x5: {  	s23 =	simm.s32 $0x80;
	s24 =	simm.s32 $0x400;
	s25 =	simm.s32 $0x3  }
0x6: {  	s26 =	simm.s32 $0x0;
	s4 =	sand.u32 $0x1, s1;
	[smem:$0x7FF] =	sst s2  }
0x7: {  	s1 =	stileid.u32;
	s11 =	sadd.s32 $0xE00, s3;
	s5 =	sshll.u32 s4, $0x4  }
0x8: {  	s12 =	sadd.s32 $0x31C00, s3;
	s7 =	sshll.u32 s1, $0x4;
	s5 =	sor.u32 s1, s5  }
0x9: {  	s4 =	ssub.s32 $0x2, s4;
	s6 =	sshll.u32 s5, $0x9;
	s5 =	smul.u32 $0xC350, s5  }
0xa: {  	_ =	strace $0x80000047;
	s30 =	sshrl.u32 s4, $0x1;
	s6 =	sor.u32 s7, s6  }
0xb: {  	s15 =	ssub.s32 s4, s30;
	s6 =	sand.u32 $0x3070, s6;
	s9 =	sshrl.u32 s5, $0x3  }
0xc: {  	s15 =	smax.u32 s15, $0x1;
	s14 =	sadd.s32 s6, s3;
	s3 =	sadd.s32 s11, s9  }
0xd: {  	s4 =	sadd.s32 s12, s9;
	s31 =	sadd.s32 $0x4E2, s9;
	s8 =	sadd.s32 $0x9C4, s9  }
0xe: {  	s10 =	sadd.s32 $0xEA6, s9;
	s13 =	sadd.s32 $0x1388, s9;
	s5 =	sadd.s32 s11, s31  }
0xf: {  	v1 =	vlaneseq.u32;
	s6 =	sadd.s32 s12, s31;
	s7 =	sadd.s32 s11, s8;
	s8 =	sadd.s32 s12, s8  }
0x10: {  	v1 =	vmul.u32 $0x800, v1;
	s9 =	sadd.s32 s11, s10;
	s10 =	sadd.s32 s12, s10;
	s11 =	sadd.s32 s11, s13  }
0x11: {  	v0 =	vimm.f32 $0.0e+00;
	v2 =	vimm.f32 $1.000000000e+00;
	s12 =	sadd.s32 s12, s13;
	s13 =	sadd.s32 $0x62A00, s14;
	s14 =	sadd.s32 $0x63200, s14  }
.LBB2_1:
0x12: {  	[tilespmem:s2], [sflag:$0x1] =	stream.linear.gather [hbm4b:s3+s2], $0x2710, $0x38;
	[tilespmem:$0x19E00] =	vst v63  }
0x13: {  	s28 =	simm.s32 $0x40;
	s29 =	simm.s32 $0x0  }
0x14: {  	[tilespmem:s16], [sflag:$0x1] =	stream.linear.gather [hbm4b:s4+s2], $0x2710, $0x38;
	[tilespmem:$0x19E00] =	vst v63  }
.LBB2_2:
0x15: {  	p0 =	sne.s32 s28, $0x1FFC0;
	[tilespmem:s29+$0x9E00] =	vst v0;
	s30 =	smov.u32 s28;
	s28 =	sadd.s32 $0x40, s28  }
.Ltmp0:
0x16: {  	[tilespmem:s29+$0x11E00] =	vst v0;
	(pc) =	sbr.rel @p0 .LBB2_2-.Ltmp0, $2  }
0x17: {  	_ =	sdelay $0x2  }
0x18: {  	s29 =	sshra.s32 s30, $0x2  }
0x19: {  	[tilespmem:s29+$0x9E00] =	vst v0  }
0x1a: {  	[tilespmem:s29+$0x11E00] =	vst v0  }
0x1b: {  	_ =	swait.ge [sflag:s17], $0x2710  }
0x1c: {  	[sflag:s17] =	ssyncset.done $0x0  }
0x1d: {  	[sflag:s17] =	ssyncadd.s32 $0xFFFFD8F0  }
0x1e: {  	_ =	swait.ge [sflag:s17], $0x2710  }
0x1f: {  	[sflag:s17] =	ssyncset.done $0x0  }
0x20: {  	s30 =	simm.s32 $0x0;
	[sflag:s17] =	ssyncadd.s32 $0xFFFFD8F0  }
0x21: {  	[tilespmem:s18], [sflag:$0x2] =	stream.linear.gather [hbm4b:s5+s30], $0x2710, $0x38;
	[tilespmem:$0x19E00] =	vst v63  }
0x22: {  	_ = 	snop  }
0x23: {  	[tilespmem:s19], [sflag:$0x2] =	stream.linear.gather [hbm4b:s6+s30], $0x2710, $0x38;
	[tilespmem:$0x19E00] =	vst v63  }
0x24: {  	v3 =	vld [tilespmem:$0x4F00];
	_ =	sdelay $0x3  }
0x25: {  	v4 =	vld [tilespmem:$0x4F10]  }
0x26: {  	v5 =	vld [tilespmem:$0x0];
	v3 =	vadd.s32 v1, v3;
	_ =	sdelay $0x1  }
0x27: {  	s28 =	simm.s32 $0x4FD0;
	v6 =	vld [tilespmem:$0x10]  }
0x28: {  	s29 =	simm.s32 $0xD0;
	v7 =	vld [tilespmem:s28+$0xFFFFFF50]  }
0x29: {  	v8 =	vld [tilespmem:s29+$0xFFFFFF50];
	v4 =	vadd.s32 v1, v4  }
0x2a: {  	[tilespmem:v3+s20+$0x0] =	vst.idx.add.f32.msk $0xffff, v5  }
0x2b: {  	[tilespmem:v3+s21+$0x0] =	vst.idx.add.f32.msk $0xffff, v2  }
0x2c: {  	v3 =	vld [tilespmem:s28+$0xFFFFFF60]  }
0x2d: {  	v7 =	vadd.s32 v1, v7;
	v5 =	vld [tilespmem:s29+$0xFFFFFF60]  }
0x2e: {  	[tilespmem:v4+s20+$0x0] =	vst.idx.add.f32.msk $0xffff, v6  }
0x2f: {  	[tilespmem:v4+s21+$0x0] =	vst.idx.add.f32.msk $0xffff, v2  }
0x30: {  	v4 =	vld [tilespmem:s28+$0xFFFFFF70]  }
0x31: {  	v6 =	vld [tilespmem:s29+$0xFFFFFF70];
	v3 =	vadd.s32 v1, v3  }
0x32: {  	[tilespmem:v7+s20+$0x0] =	vst.idx.add.f32.msk $0xffff, v8  }
0x33: {  	[tilespmem:v7+s21+$0x0] =	vst.idx.add.f32.msk $0xffff, v2  }
0x34: {  	v7 =	vld [tilespmem:s28+$0xFFFFFF80]  }
0x35: {  	v8 =	vld [tilespmem:s29+$0xFFFFFF80];
	v4 =	vadd.s32 v1, v4  }
0x36: {  	[tilespmem:v3+s20+$0x0] =	vst.idx.add.f32.msk $0xffff, v5  }
0x37: {  	[tilespmem:v3+s21+$0x0] =	vst.idx.add.f32.msk $0xffff, v2  }
0x38: {  	v3 =	vld [tilespmem:s28+$0xFFFFFF90]  }
0x39: {  	v7 =	vadd.s32 v1, v7;
	v5 =	vld [tilespmem:s29+$0xFFFFFF90]  }
0x3a: {  	[tilespmem:v4+s20+$0x0] =	vst.idx.add.f32.msk $0xffff, v6  }
0x3b: {  	[tilespmem:v4+s21+$0x0] =	vst.idx.add.f32.msk $0xffff, v2  }
0x3c: {  	v4 =	vld [tilespmem:s28+$0xFFFFFFA0]  }
0x3d: {  	v6 =	vld [tilespmem:s29+$0xFFFFFFA0];
	v3 =	vadd.s32 v1, v3  }
0x3e: {  	[tilespmem:v7+s20+$0x0] =	vst.idx.add.f32.msk $0xffff, v8  }
0x3f: {  	s30 =	sand.u32 $0x3FF0, s30;
	[tilespmem:v7+s21+$0x0] =	vst.idx.add.f32.msk $0xffff, v2  }
0x40: {  	v7 =	vld [tilespmem:s30+$0x4F80]  }
0x41: {  	v8 =	vld [tilespmem:s30+$0x80];
	v4 =	vadd.s32 v1, v4  }
0x42: {  	[tilespmem:v3+s20+$0x0] =	vst.idx.add.f32.msk $0xffff, v5  }
0x43: {  	[tilespmem:v3+s21+$0x0] =	vst.idx.add.f32.msk $0xffff, v2  }
0x44: {  	v3 =	vld [tilespmem:s28+$0xFFFFFFC0]  }
0x45: {  	v7 =	vadd.s32 v1, v7;
	v5 =	vld [tilespmem:s29+$0xFFFFFFC0]  }
0x46: {  	[tilespmem:v4+s20+$0x0] =	vst.idx.add.f32.msk $0xffff, v6  }
0x47: {  	[tilespmem:v4+s21+$0x0] =	vst.idx.add.f32.msk $0xffff, v2  }
0x48: {  	v4 =	vld [tilespmem:s28+$0xFFFFFFD0]  }
0x49: {  	v6 =	vld [tilespmem:s29+$0xFFFFFFD0];
	v3 =	vadd.s32 v1, v3  }
0x4a: {  	[tilespmem:v7+s20+$0x0] =	vst.idx.add.f32.msk $0xffff, v8  }
0x4b: {  	[tilespmem:v7+s21+$0x0] =	vst.idx.add.f32.msk $0xffff, v2  }
0x4c: {  	v7 =	vld [tilespmem:s28+$0xFFFFFFE0]  }
0x4d: {  	v8 =	vld [tilespmem:s29+$0xFFFFFFE0];
	v4 =	vadd.s32 v1, v4  }
0x4e: {  	[tilespmem:v3+s20+$0x0] =	vst.idx.add.f32.msk $0xffff, v5  }
0x4f: {  	[tilespmem:v3+s21+$0x0] =	vst.idx.add.f32.msk $0xffff, v2  }
0x50: {  	v3 =	vld [tilespmem:s28+$0xFFFFFFF0]  }
0x51: {  	v7 =	vadd.s32 v1, v7;
	v5 =	vld [tilespmem:s29+$0xFFFFFFF0]  }
0x52: {  	[tilespmem:v4+s20+$0x0] =	vst.idx.add.f32.msk $0xffff, v6  }
0x53: {  	[tilespmem:v4+s21+$0x0] =	vst.idx.add.f32.msk $0xffff, v2  }
0x54: {  	v4 =	vld [tilespmem:s28+$0x0]  }
0x55: {  	v6 =	vld [tilespmem:s29+$0x0];
	v3 =	vadd.s32 v1, v3  }
0x56: {  	[tilespmem:v7+s20+$0x0] =	vst.idx.add.f32.msk $0xffff, v8  }
0x57: {  	[tilespmem:v7+s21+$0x0] =	vst.idx.add.f32.msk $0xffff, v2  }
0x58: {  	v7 =	vld [tilespmem:s28+$0x10]  }
0x59: {  	v8 =	vld [tilespmem:s29+$0x10];
	v4 =	vadd.s32 v1, v4  }
0x5a: {  	[tilespmem:v3+s20+$0x0] =	vst.idx.add.f32.msk $0xffff, v5  }
0x5b: {  	[tilespmem:v3+s21+$0x0] =	vst.idx.add.f32.msk $0xffff, v2  }
0x5c: {  	v3 =	vld [tilespmem:s28+$0x20]  }
0x5d: {  	v7 =	vadd.s32 v1, v7;
	v5 =	vld [tilespmem:s29+$0x20]  }
0x5e: {  	[tilespmem:v4+s20+$0x0] =	vst.idx.add.f32.msk $0xffff, v6  }
0x5f: {  	[tilespmem:v4+s21+$0x0] =	vst.idx.add.f32.msk $0xffff, v2  }
0x60: {  	v4 =	vld [tilespmem:s30+$0x5000]  }
0x61: {  	v6 =	vld [tilespmem:s30+$0x100];
	v3 =	vadd.s32 v1, v3  }
0x62: {  	[tilespmem:v7+s20+$0x0] =	vst.idx.add.f32.msk $0xffff, v8  }
0x63: {  	[tilespmem:v7+s21+$0x0] =	vst.idx.add.f32.msk $0xffff, v2  }
0x64: {  	v7 =	vld [tilespmem:s28+$0x40]  }
0x65: {  	v8 =	vld [tilespmem:s29+$0x40];
	v4 =	vadd.s32 v1, v4  }
0x66: {  	[tilespmem:v3+s20+$0x0] =	vst.idx.add.f32.msk $0xffff, v5  }
0x67: {  	[tilespmem:v3+s21+$0x0] =	vst.idx.add.f32.msk $0xffff, v2  }
0x68: {  	v3 =	vld [tilespmem:s28+$0x50]  }
0x69: {  	v7 =	vadd.s32 v1, v7;
	v5 =	vld [tilespmem:s29+$0x50]  }
0x6a: {  	[tilespmem:v4+s20+$0x0] =	vst.idx.add.f32.msk $0xffff, v6  }
0x6b: {  	[tilespmem:v4+s21+$0x0] =	vst.idx.add.f32.msk $0xffff, v2  }
0x6c: {  	v4 =	vld [tilespmem:s28+$0x60]  }
0x6d: {  	v6 =	vld [tilespmem:s29+$0x60];
	v3 =	vadd.s32 v1, v3  }
0x6e: {  	[tilespmem:v7+s20+$0x0] =	vst.idx.add.f32.msk $0xffff, v8  }
0x6f: {  	[tilespmem:v7+s21+$0x0] =	vst.idx.add.f32.msk $0xffff, v2  }
0x70: {  	v7 =	vld [tilespmem:s28+$0x70]  }
0x71: {  	v8 =	vld [tilespmem:s29+$0x70];
	v4 =	vadd.s32 v1, v4  }
0x72: {  	[tilespmem:v3+s20+$0x0] =	vst.idx.add.f32.msk $0xffff, v5  }
0x73: {  	[tilespmem:v3+s21+$0x0] =	vst.idx.add.f32.msk $0xffff, v2  }
0x74: {  	v3 =	vld [tilespmem:s28+$0x80]  }
0x75: {  	v7 =	vadd.s32 v1, v7;
	v5 =	vld [tilespmem:s29+$0x80]  }
0x76: {  	[tilespmem:v4+s20+$0x0] =	vst.idx.add.f32.msk $0xffff, v6  }
0x77: {  	[tilespmem:v4+s21+$0x0] =	vst.idx.add.f32.msk $0xffff, v2  }
0x78: {  	v4 =	vld [tilespmem:s28+$0x90]  }
0x79: {  	v6 =	vld [tilespmem:s29+$0x90];
	v3 =	vadd.s32 v1, v3  }
0x7a: {  	[tilespmem:v7+s20+$0x0] =	vst.idx.add.f32.msk $0xffff, v8  }
0x7b: {  	[tilespmem:v7+s21+$0x0] =	vst.idx.add.f32.msk $0xffff, v2  }
0x7c: {  	v7 =	vld [tilespmem:s28+$0xA0]  }
0x7d: {  	v8 =	vld [tilespmem:s29+$0xA0];
	v4 =	vadd.s32 v1, v4  }
0x7e: {  	[tilespmem:v3+s20+$0x0] =	vst.idx.add.f32.msk $0xffff, v5  }
0x7f: {  	[tilespmem:v3+s21+$0x0] =	vst.idx.add.f32.msk $0xffff, v2  }
0x80: {  	v5 =	vld [tilespmem:s30+$0x5080]  }
0x81: {  	v7 =	vadd.s32 v1, v7;
	v3 =	vld [tilespmem:s30+$0x180]  }
0x82: {  	[tilespmem:v4+s20+$0x0] =	vst.idx.add.f32.msk $0xffff, v6  }
0x83: {  	[tilespmem:v4+s21+$0x0] =	vst.idx.add.f32.msk $0xffff, v2  }
0x84: {  	v6 =	vld [tilespmem:s28+$0xC0]  }
0x85: {  	v4 =	vld [tilespmem:s29+$0xC0];
	v5 =	vadd.s32 v1, v5  }
0x86: {  	[tilespmem:v7+s20+$0x0] =	vst.idx.add.f32.msk $0xffff, v8  }
0x87: {  	[tilespmem:v7+s21+$0x0] =	vst.idx.add.f32.msk $0xffff, v2  }
0x88: {  	s30 =	simm.s32 $0x190;
	v7 =	vld [tilespmem:s28+$0xD0]  }
.LBB2_4:
0x89: {  	v6 =	vadd.s32 v1, v6;
	p0 =	sne.s32 s30, $0x2580;
	v8 =	vld [tilespmem:s29+$0xD0];
	s31 =	smov.u32 s30;
	s30 =	sadd.s32 $0x190, s30  }
0x8a: {  	[tilespmem:v5+s20+$0x0] =	vst.idx.add.f32.msk $0xffff, v3  }
0x8b: {  	s28 =	sadd.s32 $0x190, s28;
	[tilespmem:v5+s21+$0x0] =	vst.idx.add.f32.msk $0xffff, v2  }
0x8c: {  	s29 =	sadd.s32 $0x190, s29;
	v3 =	vld [tilespmem:s28+$0xFFFFFF50]  }
0x8d: {  	v5 =	vld [tilespmem:s29+$0xFFFFFF50];
	v7 =	vadd.s32 v1, v7  }
0x8e: {  	[tilespmem:v6+s20+$0x0] =	vst.idx.add.f32.msk $0xffff, v4  }
0x8f: {  	[tilespmem:v6+s21+$0x0] =	vst.idx.add.f32.msk $0xffff, v2  }
0x90: {  	v4 =	vld [tilespmem:s28+$0xFFFFFF60]  }
0x91: {  	v6 =	vld [tilespmem:s29+$0xFFFFFF60];
	v3 =	vadd.s32 v1, v3  }
0x92: {  	[tilespmem:v7+s20+$0x0] =	vst.idx.add.f32.msk $0xffff, v8  }
0x93: {  	[tilespmem:v7+s21+$0x0] =	vst.idx.add.f32.msk $0xffff, v2  }
0x94: {  	v7 =	vld [tilespmem:s28+$0xFFFFFF70]  }
0x95: {  	v8 =	vld [tilespmem:s29+$0xFFFFFF70];
	v4 =	vadd.s32 v1, v4  }
0x96: {  	[tilespmem:v3+s20+$0x0] =	vst.idx.add.f32.msk $0xffff, v5  }
0x97: {  	[tilespmem:v3+s21+$0x0] =	vst.idx.add.f32.msk $0xffff, v2  }
0x98: {  	v3 =	vld [tilespmem:s28+$0xFFFFFF80]  }
0x99: {  	v5 =	vld [tilespmem:s29+$0xFFFFFF80];
	v7 =	vadd.s32 v1, v7  }
0x9a: {  	[tilespmem:v4+s20+$0x0] =	vst.idx.add.f32.msk $0xffff, v6  }
0x9b: {  	[tilespmem:v4+s21+$0x0] =	vst.idx.add.f32.msk $0xffff, v2  }
0x9c: {  	v4 =	vld [tilespmem:s28+$0xFFFFFF90]  }
0x9d: {  	v6 =	vld [tilespmem:s29+$0xFFFFFF90];
	v3 =	vadd.s32 v1, v3  }
0x9e: {  	[tilespmem:v7+s20+$0x0] =	vst.idx.add.f32.msk $0xffff, v8  }
0x9f: {  	[tilespmem:v7+s21+$0x0] =	vst.idx.add.f32.msk $0xffff, v2  }
0xa0: {  	v7 =	vld [tilespmem:s28+$0xFFFFFFA0]  }
0xa1: {  	v8 =	vld [tilespmem:s29+$0xFFFFFFA0];
	v4 =	vadd.s32 v1, v4  }
0xa2: {  	[tilespmem:v3+s20+$0x0] =	vst.idx.add.f32.msk $0xffff, v5  }
0xa3: {  	s31 =	sand.u32 $0x3FF0, s31;
	[tilespmem:v3+s21+$0x0] =	vst.idx.add.f32.msk $0xffff, v2  }
0xa4: {  	v3 =	vld [tilespmem:s31+$0x4F80]  }
0xa5: {  	v5 =	vld [tilespmem:s31+$0x80];
	v7 =	vadd.s32 v1, v7  }
0xa6: {  	[tilespmem:v4+s20+$0x0] =	vst.idx.add.f32.msk $0xffff, v6  }
0xa7: {  	[tilespmem:v4+s21+$0x0] =	vst.idx.add.f32.msk $0xffff, v2  }
0xa8: {  	v4 =	vld [tilespmem:s28+$0xFFFFFFC0]  }
0xa9: {  	v6 =	vld [tilespmem:s29+$0xFFFFFFC0];
	v3 =	vadd.s32 v1, v3  }
0xaa: {  	[tilespmem:v7+s20+$0x0] =	vst.idx.add.f32.msk $0xffff, v8  }
0xab: {  	[tilespmem:v7+s21+$0x0] =	vst.idx.add.f32.msk $0xffff, v2  }
0xac: {  	v7 =	vld [tilespmem:s28+$0xFFFFFFD0]  }
0xad: {  	v8 =	vld [tilespmem:s29+$0xFFFFFFD0];
	v4 =	vadd.s32 v1, v4  }
0xae: {  	[tilespmem:v3+s20+$0x0] =	vst.idx.add.f32.msk $0xffff, v5  }
0xaf: {  	[tilespmem:v3+s21+$0x0] =	vst.idx.add.f32.msk $0xffff, v2  }
0xb0: {  	v3 =	vld [tilespmem:s28+$0xFFFFFFE0]  }
0xb1: {  	v5 =	vld [tilespmem:s29+$0xFFFFFFE0];
	v7 =	vadd.s32 v1, v7  }
0xb2: {  	[tilespmem:v4+s20+$0x0] =	vst.idx.add.f32.msk $0xffff, v6  }
0xb3: {  	[tilespmem:v4+s21+$0x0] =	vst.idx.add.f32.msk $0xffff, v2  }
0xb4: {  	v4 =	vld [tilespmem:s28+$0xFFFFFFF0]  }
0xb5: {  	v6 =	vld [tilespmem:s29+$0xFFFFFFF0];
	v3 =	vadd.s32 v1, v3  }
0xb6: {  	[tilespmem:v7+s20+$0x0] =	vst.idx.add.f32.msk $0xffff, v8  }
0xb7: {  	[tilespmem:v7+s21+$0x0] =	vst.idx.add.f32.msk $0xffff, v2  }
0xb8: {  	v7 =	vld [tilespmem:s28+$0x0]  }
0xb9: {  	v8 =	vld [tilespmem:s29+$0x0];
	v4 =	vadd.s32 v1, v4  }
0xba: {  	[tilespmem:v3+s20+$0x0] =	vst.idx.add.f32.msk $0xffff, v5  }
0xbb: {  	[tilespmem:v3+s21+$0x0] =	vst.idx.add.f32.msk $0xffff, v2  }
0xbc: {  	v3 =	vld [tilespmem:s28+$0x10]  }
0xbd: {  	v5 =	vld [tilespmem:s29+$0x10];
	v7 =	vadd.s32 v1, v7  }
0xbe: {  	[tilespmem:v4+s20+$0x0] =	vst.idx.add.f32.msk $0xffff, v6  }
0xbf: {  	[tilespmem:v4+s21+$0x0] =	vst.idx.add.f32.msk $0xffff, v2  }
0xc0: {  	v4 =	vld [tilespmem:s28+$0x20]  }
0xc1: {  	v6 =	vld [tilespmem:s29+$0x20];
	v3 =	vadd.s32 v1, v3  }
0xc2: {  	[tilespmem:v7+s20+$0x0] =	vst.idx.add.f32.msk $0xffff, v8  }
0xc3: {  	[tilespmem:v7+s21+$0x0] =	vst.idx.add.f32.msk $0xffff, v2  }
0xc4: {  	v7 =	vld [tilespmem:s31+$0x5000]  }
0xc5: {  	v8 =	vld [tilespmem:s31+$0x100];
	v4 =	vadd.s32 v1, v4  }
0xc6: {  	[tilespmem:v3+s20+$0x0] =	vst.idx.add.f32.msk $0xffff, v5  }
0xc7: {  	[tilespmem:v3+s21+$0x0] =	vst.idx.add.f32.msk $0xffff, v2  }
0xc8: {  	v3 =	vld [tilespmem:s28+$0x40]  }
0xc9: {  	v5 =	vld [tilespmem:s29+$0x40];
	v7 =	vadd.s32 v1, v7  }
0xca: {  	[tilespmem:v4+s20+$0x0] =	vst.idx.add.f32.msk $0xffff, v6  }
0xcb: {  	[tilespmem:v4+s21+$0x0] =	vst.idx.add.f32.msk $0xffff, v2  }
0xcc: {  	v4 =	vld [tilespmem:s28+$0x50]  }
0xcd: {  	v6 =	vld [tilespmem:s29+$0x50];
	v3 =	vadd.s32 v1, v3  }
0xce: {  	[tilespmem:v7+s20+$0x0] =	vst.idx.add.f32.msk $0xffff, v8  }
0xcf: {  	[tilespmem:v7+s21+$0x0] =	vst.idx.add.f32.msk $0xffff, v2  }
0xd0: {  	v7 =	vld [tilespmem:s28+$0x60]  }
0xd1: {  	v8 =	vld [tilespmem:s29+$0x60];
	v4 =	vadd.s32 v1, v4  }
0xd2: {  	[tilespmem:v3+s20+$0x0] =	vst.idx.add.f32.msk $0xffff, v5  }
0xd3: {  	[tilespmem:v3+s21+$0x0] =	vst.idx.add.f32.msk $0xffff, v2  }
0xd4: {  	v3 =	vld [tilespmem:s28+$0x70]  }
0xd5: {  	v5 =	vld [tilespmem:s29+$0x70];
	v7 =	vadd.s32 v1, v7  }
0xd6: {  	[tilespmem:v4+s20+$0x0] =	vst.idx.add.f32.msk $0xffff, v6  }
0xd7: {  	[tilespmem:v4+s21+$0x0] =	vst.idx.add.f32.msk $0xffff, v2  }
0xd8: {  	v4 =	vld [tilespmem:s28+$0x80]  }
0xd9: {  	v6 =	vld [tilespmem:s29+$0x80];
	v3 =	vadd.s32 v1, v3  }
0xda: {  	[tilespmem:v7+s20+$0x0] =	vst.idx.add.f32.msk $0xffff, v8  }
0xdb: {  	[tilespmem:v7+s21+$0x0] =	vst.idx.add.f32.msk $0xffff, v2  }
0xdc: {  	v7 =	vld [tilespmem:s28+$0x90]  }
0xdd: {  	v8 =	vld [tilespmem:s29+$0x90];
	v4 =	vadd.s32 v1, v4  }
0xde: {  	[tilespmem:v3+s20+$0x0] =	vst.idx.add.f32.msk $0xffff, v5  }
0xdf: {  	[tilespmem:v3+s21+$0x0] =	vst.idx.add.f32.msk $0xffff, v2  }
0xe0: {  	v5 =	vld [tilespmem:s28+$0xA0]  }
0xe1: {  	v9 =	vld [tilespmem:s29+$0xA0];
	v7 =	vadd.s32 v1, v7  }
0xe2: {  	[tilespmem:v4+s20+$0x0] =	vst.idx.add.f32.msk $0xffff, v6  }
0xe3: {  	[tilespmem:v4+s21+$0x0] =	vst.idx.add.f32.msk $0xffff, v2  }
0xe4: {  	v10 =	vld [tilespmem:s31+$0x5080]  }
0xe5: {  	v3 =	vld [tilespmem:s31+$0x180];
	v11 =	vadd.s32 v1, v5  }
0xe6: {  	[tilespmem:v7+s20+$0x0] =	vst.idx.add.f32.msk $0xffff, v8  }
0xe7: {  	[tilespmem:v7+s21+$0x0] =	vst.idx.add.f32.msk $0xffff, v2  }
.Ltmp1:
0xe8: {  	v6 =	vld [tilespmem:s28+$0xC0];
	(pc) =	sbr.rel @p0 .LBB2_4-.Ltmp1, $4  }
0xe9: {  	v4 =	vld [tilespmem:s29+$0xC0];
	v5 =	vadd.s32 v1, v10  }
0xea: {  	[tilespmem:v11+s20+$0x0] =	vst.idx.add.f32.msk $0xffff, v9  }
0xeb: {  	[tilespmem:v11+s21+$0x0] =	vst.idx.add.f32.msk $0xffff, v2  }
0xec: {  	v7 =	vld [tilespmem:s28+$0xD0]  }
0xed: {  	_ =	sdelay $0x3  }
0xee: {  	[tilespmem:v5+s20+$0x0] =	vst.idx.add.f32.msk $0xffff, v3  }
0xef: {  	[tilespmem:v5+s21+$0x0] =	vst.idx.add.f32.msk $0xffff, v2  }
0xf0: {  	_ =	swait.ge [sflag:s22], $0x2710  }
0xf1: {  	[sflag:s22] =	ssyncset.done $0x0  }
0xf2: {  	[sflag:s22] =	ssyncadd.s32 $0xFFFFD8F0  }
0xf3: {  	_ =	swait.ge [sflag:s22], $0x2710  }
0xf4: {  	[sflag:s22] =	ssyncset.done $0x0  }
0xf5: {  	s30 =	simm.s32 $0x0;
	[sflag:s22] =	ssyncadd.s32 $0xFFFFD8F0  }
0xf6: {  	[tilespmem:s30], [sflag:$0x1] =	stream.linear.gather [hbm4b:s7+s30], $0x2710, $0x38;
	[tilespmem:$0x19E00] =	vst v63  }
0xf7: {  	_ = 	snop  }
0xf8: {  	[tilespmem:s16], [sflag:$0x1] =	stream.linear.gather [hbm4b:s8+s30], $0x2710, $0x38;
	[tilespmem:$0x19E00] =	vst v63  }
0xf9: {  	v3 =	vld [tilespmem:$0x7680];
	_ =	sdelay $0x3  }
0xfa: {  	v4 =	vld [tilespmem:$0x7690]  }
0xfb: {  	v5 =	vld [tilespmem:$0x2780];
	v3 =	vadd.s32 v1, v3;
	_ =	sdelay $0x1  }
0xfc: {  	s28 =	simm.s32 $0x7750;
	v6 =	vld [tilespmem:$0x2790]  }
0xfd: {  	s29 =	simm.s32 $0x2850;
	v7 =	vld [tilespmem:s28+$0xFFFFFF50]  }
0xfe: {  	v8 =	vld [tilespmem:s29+$0xFFFFFF50];
	v4 =	vadd.s32 v1, v4  }
0xff: {  	[tilespmem:v3+s20+$0x0] =	vst.idx.add.f32.msk $0xffff, v5  }
0x100: {  	[tilespmem:v3+s21+$0x0] =	vst.idx.add.f32.msk $0xffff, v2  }
0x101: {  	v3 =	vld [tilespmem:s28+$0xFFFFFF60]  }
0x102: {  	v7 =	vadd.s32 v1, v7;
	v5 =	vld [tilespmem:s29+$0xFFFFFF60]  }
0x103: {  	[tilespmem:v4+s20+$0x0] =	vst.idx.add.f32.msk $0xffff, v6  }
0x104: {  	[tilespmem:v4+s21+$0x0] =	vst.idx.add.f32.msk $0xffff, v2  }
0x105: {  	v4 =	vld [tilespmem:s28+$0xFFFFFF70]  }
0x106: {  	v6 =	vld [tilespmem:s29+$0xFFFFFF70];
	v3 =	vadd.s32 v1, v3  }
0x107: {  	[tilespmem:v7+s20+$0x0] =	vst.idx.add.f32.msk $0xffff, v8  }
0x108: {  	[tilespmem:v7+s21+$0x0] =	vst.idx.add.f32.msk $0xffff, v2  }
0x109: {  	v7 =	vld [tilespmem:s28+$0xFFFFFF80]  }
0x10a: {  	v8 =	vld [tilespmem:s29+$0xFFFFFF80];
	v4 =	vadd.s32 v1, v4  }
0x10b: {  	[tilespmem:v3+s20+$0x0] =	vst.idx.add.f32.msk $0xffff, v5  }
0x10c: {  	[tilespmem:v3+s21+$0x0] =	vst.idx.add.f32.msk $0xffff, v2  }
0x10d: {  	v3 =	vld [tilespmem:s28+$0xFFFFFF90]  }
0x10e: {  	v7 =	vadd.s32 v1, v7;
	v5 =	vld [tilespmem:s29+$0xFFFFFF90]  }
0x10f: {  	[tilespmem:v4+s20+$0x0] =	vst.idx.add.f32.msk $0xffff, v6  }
0x110: {  	[tilespmem:v4+s21+$0x0] =	vst.idx.add.f32.msk $0xffff, v2  }
0x111: {  	v4 =	vld [tilespmem:s28+$0xFFFFFFA0]  }
0x112: {  	v6 =	vld [tilespmem:s29+$0xFFFFFFA0];
	v3 =	vadd.s32 v1, v3  }
0x113: {  	[tilespmem:v7+s20+$0x0] =	vst.idx.add.f32.msk $0xffff, v8  }
0x114: {  	s30 =	sand.u32 $0x3FF0, s30;
	[tilespmem:v7+s21+$0x0] =	vst.idx.add.f32.msk $0xffff, v2  }
0x115: {  	v7 =	vld [tilespmem:s30+$0x7700]  }
0x116: {  	v8 =	vld [tilespmem:s30+$0x2800];
	v4 =	vadd.s32 v1, v4  }
0x117: {  	[tilespmem:v3+s20+$0x0] =	vst.idx.add.f32.msk $0xffff, v5  }
0x118: {  	[tilespmem:v3+s21+$0x0] =	vst.idx.add.f32.msk $0xffff, v2  }
0x119: {  	v3 =	vld [tilespmem:s28+$0xFFFFFFC0]  }
0x11a: {  	v7 =	vadd.s32 v1, v7;
	v5 =	vld [tilespmem:s29+$0xFFFFFFC0]  }
0x11b: {  	[tilespmem:v4+s20+$0x0] =	vst.idx.add.f32.msk $0xffff, v6  }
0x11c: {  	[tilespmem:v4+s21+$0x0] =	vst.idx.add.f32.msk $0xffff, v2  }
0x11d: {  	v4 =	vld [tilespmem:s28+$0xFFFFFFD0]  }
0x11e: {  	v6 =	vld [tilespmem:s29+$0xFFFFFFD0];
	v3 =	vadd.s32 v1, v3  }
0x11f: {  	[tilespmem:v7+s20+$0x0] =	vst.idx.add.f32.msk $0xffff, v8  }
0x120: {  	[tilespmem:v7+s21+$0x0] =	vst.idx.add.f32.msk $0xffff, v2  }
0x121: {  	v7 =	vld [tilespmem:s28+$0xFFFFFFE0]  }
0x122: {  	v8 =	vld [tilespmem:s29+$0xFFFFFFE0];
	v4 =	vadd.s32 v1, v4  }
0x123: {  	[tilespmem:v3+s20+$0x0] =	vst.idx.add.f32.msk $0xffff, v5  }
0x124: {  	[tilespmem:v3+s21+$0x0] =	vst.idx.add.f32.msk $0xffff, v2  }
0x125: {  	v3 =	vld [tilespmem:s28+$0xFFFFFFF0]  }
0x126: {  	v7 =	vadd.s32 v1, v7;
	v5 =	vld [tilespmem:s29+$0xFFFFFFF0]  }
0x127: {  	[tilespmem:v4+s20+$0x0] =	vst.idx.add.f32.msk $0xffff, v6  }
0x128: {  	[tilespmem:v4+s21+$0x0] =	vst.idx.add.f32.msk $0xffff, v2  }
0x129: {  	v4 =	vld [tilespmem:s28+$0x0]  }
0x12a: {  	v6 =	vld [tilespmem:s29+$0x0];
	v3 =	vadd.s32 v1, v3  }
0x12b: {  	[tilespmem:v7+s20+$0x0] =	vst.idx.add.f32.msk $0xffff, v8  }
0x12c: {  	[tilespmem:v7+s21+$0x0] =	vst.idx.add.f32.msk $0xffff, v2  }
0x12d: {  	v7 =	vld [tilespmem:s28+$0x10]  }
0x12e: {  	v8 =	vld [tilespmem:s29+$0x10];
	v4 =	vadd.s32 v1, v4  }
0x12f: {  	[tilespmem:v3+s20+$0x0] =	vst.idx.add.f32.msk $0xffff, v5  }
0x130: {  	[tilespmem:v3+s21+$0x0] =	vst.idx.add.f32.msk $0xffff, v2  }
0x131: {  	v3 =	vld [tilespmem:s28+$0x20]  }
0x132: {  	v7 =	vadd.s32 v1, v7;
	v5 =	vld [tilespmem:s29+$0x20]  }
0x133: {  	[tilespmem:v4+s20+$0x0] =	vst.idx.add.f32.msk $0xffff, v6  }
0x134: {  	[tilespmem:v4+s21+$0x0] =	vst.idx.add.f32.msk $0xffff, v2  }
0x135: {  	v4 =	vld [tilespmem:s30+$0x7780]  }
0x136: {  	v6 =	vld [tilespmem:s30+$0x2880];
	v3 =	vadd.s32 v1, v3  }
0x137: {  	[tilespmem:v7+s20+$0x0] =	vst.idx.add.f32.msk $0xffff, v8  }
0x138: {  	[tilespmem:v7+s21+$0x0] =	vst.idx.add.f32.msk $0xffff, v2  }
0x139: {  	v7 =	vld [tilespmem:s28+$0x40]  }
0x13a: {  	v8 =	vld [tilespmem:s29+$0x40];
	v4 =	vadd.s32 v1, v4  }
0x13b: {  	[tilespmem:v3+s20+$0x0] =	vst.idx.add.f32.msk $0xffff, v5  }
0x13c: {  	[tilespmem:v3+s21+$0x0] =	vst.idx.add.f32.msk $0xffff, v2  }
0x13d: {  	v3 =	vld [tilespmem:s28+$0x50]  }
0x13e: {  	v7 =	vadd.s32 v1, v7;
	v5 =	vld [tilespmem:s29+$0x50]  }
0x13f: {  	[tilespmem:v4+s20+$0x0] =	vst.idx.add.f32.msk $0xffff, v6  }
0x140: {  	[tilespmem:v4+s21+$0x0] =	vst.idx.add.f32.msk $0xffff, v2  }
0x141: {  	v4 =	vld [tilespmem:s28+$0x60]  }
0x142: {  	v6 =	vld [tilespmem:s29+$0x60];
	v3 =	vadd.s32 v1, v3  }
0x143: {  	[tilespmem:v7+s20+$0x0] =	vst.idx.add.f32.msk $0xffff, v8  }
0x144: {  	[tilespmem:v7+s21+$0x0] =	vst.idx.add.f32.msk $0xffff, v2  }
0x145: {  	v7 =	vld [tilespmem:s28+$0x70]  }
0x146: {  	v8 =	vld [tilespmem:s29+$0x70];
	v4 =	vadd.s32 v1, v4  }
0x147: {  	[tilespmem:v3+s20+$0x0] =	vst.idx.add.f32.msk $0xffff, v5  }
0x148: {  	[tilespmem:v3+s21+$0x0] =	vst.idx.add.f32.msk $0xffff, v2  }
0x149: {  	v3 =	vld [tilespmem:s28+$0x80]  }
0x14a: {  	v7 =	vadd.s32 v1, v7;
	v5 =	vld [tilespmem:s29+$0x80]  }
0x14b: {  	[tilespmem:v4+s20+$0x0] =	vst.idx.add.f32.msk $0xffff, v6  }
0x14c: {  	[tilespmem:v4+s21+$0x0] =	vst.idx.add.f32.msk $0xffff, v2  }
0x14d: {  	v4 =	vld [tilespmem:s28+$0x90]  }
0x14e: {  	v6 =	vld [tilespmem:s29+$0x90];
	v3 =	vadd.s32 v1, v3  }
0x14f: {  	[tilespmem:v7+s20+$0x0] =	vst.idx.add.f32.msk $0xffff, v8  }
0x150: {  	[tilespmem:v7+s21+$0x0] =	vst.idx.add.f32.msk $0xffff, v2  }
0x151: {  	v7 =	vld [tilespmem:s28+$0xA0]  }
0x152: {  	v8 =	vld [tilespmem:s29+$0xA0];
	v4 =	vadd.s32 v1, v4  }
0x153: {  	[tilespmem:v3+s20+$0x0] =	vst.idx.add.f32.msk $0xffff, v5  }
0x154: {  	[tilespmem:v3+s21+$0x0] =	vst.idx.add.f32.msk $0xffff, v2  }
0x155: {  	v5 =	vld [tilespmem:s30+$0x7800]  }
0x156: {  	v7 =	vadd.s32 v1, v7;
	v3 =	vld [tilespmem:s30+$0x2900]  }
0x157: {  	[tilespmem:v4+s20+$0x0] =	vst.idx.add.f32.msk $0xffff, v6  }
0x158: {  	[tilespmem:v4+s21+$0x0] =	vst.idx.add.f32.msk $0xffff, v2  }
0x159: {  	v6 =	vld [tilespmem:s28+$0xC0]  }
0x15a: {  	v4 =	vld [tilespmem:s29+$0xC0];
	v5 =	vadd.s32 v1, v5  }
0x15b: {  	[tilespmem:v7+s20+$0x0] =	vst.idx.add.f32.msk $0xffff, v8  }
0x15c: {  	[tilespmem:v7+s21+$0x0] =	vst.idx.add.f32.msk $0xffff, v2  }
0x15d: {  	s30 =	simm.s32 $0x190;
	v7 =	vld [tilespmem:s28+$0xD0]  }
.LBB2_6:
0x15e: {  	v6 =	vadd.s32 v1, v6;
	p0 =	sne.s32 s30, $0x2580;
	v8 =	vld [tilespmem:s29+$0xD0];
	s31 =	smov.u32 s30;
	s30 =	sadd.s32 $0x190, s30  }
0x15f: {  	[tilespmem:v5+s20+$0x0] =	vst.idx.add.f32.msk $0xffff, v3  }
0x160: {  	s28 =	sadd.s32 $0x190, s28;
	[tilespmem:v5+s21+$0x0] =	vst.idx.add.f32.msk $0xffff, v2  }
0x161: {  	s29 =	sadd.s32 $0x190, s29;
	v3 =	vld [tilespmem:s28+$0xFFFFFF50]  }
0x162: {  	v5 =	vld [tilespmem:s29+$0xFFFFFF50];
	v7 =	vadd.s32 v1, v7  }
0x163: {  	[tilespmem:v6+s20+$0x0] =	vst.idx.add.f32.msk $0xffff, v4  }
0x164: {  	[tilespmem:v6+s21+$0x0] =	vst.idx.add.f32.msk $0xffff, v2  }
0x165: {  	v4 =	vld [tilespmem:s28+$0xFFFFFF60]  }
0x166: {  	v6 =	vld [tilespmem:s29+$0xFFFFFF60];
	v3 =	vadd.s32 v1, v3  }
0x167: {  	[tilespmem:v7+s20+$0x0] =	vst.idx.add.f32.msk $0xffff, v8  }
0x168: {  	[tilespmem:v7+s21+$0x0] =	vst.idx.add.f32.msk $0xffff, v2  }
0x169: {  	v7 =	vld [tilespmem:s28+$0xFFFFFF70]  }
0x16a: {  	v8 =	vld [tilespmem:s29+$0xFFFFFF70];
	v4 =	vadd.s32 v1, v4  }
0x16b: {  	[tilespmem:v3+s20+$0x0] =	vst.idx.add.f32.msk $0xffff, v5  }
0x16c: {  	[tilespmem:v3+s21+$0x0] =	vst.idx.add.f32.msk $0xffff, v2  }
0x16d: {  	v3 =	vld [tilespmem:s28+$0xFFFFFF80]  }
0x16e: {  	v5 =	vld [tilespmem:s29+$0xFFFFFF80];
	v7 =	vadd.s32 v1, v7  }
0x16f: {  	[tilespmem:v4+s20+$0x0] =	vst.idx.add.f32.msk $0xffff, v6  }
0x170: {  	[tilespmem:v4+s21+$0x0] =	vst.idx.add.f32.msk $0xffff, v2  }
0x171: {  	v4 =	vld [tilespmem:s28+$0xFFFFFF90]  }
0x172: {  	v6 =	vld [tilespmem:s29+$0xFFFFFF90];
	v3 =	vadd.s32 v1, v3  }
0x173: {  	[tilespmem:v7+s20+$0x0] =	vst.idx.add.f32.msk $0xffff, v8  }
0x174: {  	[tilespmem:v7+s21+$0x0] =	vst.idx.add.f32.msk $0xffff, v2  }
0x175: {  	v7 =	vld [tilespmem:s28+$0xFFFFFFA0]  }
0x176: {  	v8 =	vld [tilespmem:s29+$0xFFFFFFA0];
	v4 =	vadd.s32 v1, v4  }
0x177: {  	[tilespmem:v3+s20+$0x0] =	vst.idx.add.f32.msk $0xffff, v5  }
0x178: {  	s31 =	sand.u32 $0x3FF0, s31;
	[tilespmem:v3+s21+$0x0] =	vst.idx.add.f32.msk $0xffff, v2  }
0x179: {  	v3 =	vld [tilespmem:s31+$0x7700]  }
0x17a: {  	v5 =	vld [tilespmem:s31+$0x2800];
	v7 =	vadd.s32 v1, v7  }
0x17b: {  	[tilespmem:v4+s20+$0x0] =	vst.idx.add.f32.msk $0xffff, v6  }
0x17c: {  	[tilespmem:v4+s21+$0x0] =	vst.idx.add.f32.msk $0xffff, v2  }
0x17d: {  	v4 =	vld [tilespmem:s28+$0xFFFFFFC0]  }
0x17e: {  	v6 =	vld [tilespmem:s29+$0xFFFFFFC0];
	v3 =	vadd.s32 v1, v3  }
0x17f: {  	[tilespmem:v7+s20+$0x0] =	vst.idx.add.f32.msk $0xffff, v8  }
0x180: {  	[tilespmem:v7+s21+$0x0] =	vst.idx.add.f32.msk $0xffff, v2  }
0x181: {  	v7 =	vld [tilespmem:s28+$0xFFFFFFD0]  }
0x182: {  	v8 =	vld [tilespmem:s29+$0xFFFFFFD0];
	v4 =	vadd.s32 v1, v4  }
0x183: {  	[tilespmem:v3+s20+$0x0] =	vst.idx.add.f32.msk $0xffff, v5  }
0x184: {  	[tilespmem:v3+s21+$0x0] =	vst.idx.add.f32.msk $0xffff, v2  }
0x185: {  	v3 =	vld [tilespmem:s28+$0xFFFFFFE0]  }
0x186: {  	v5 =	vld [tilespmem:s29+$0xFFFFFFE0];
	v7 =	vadd.s32 v1, v7  }
0x187: {  	[tilespmem:v4+s20+$0x0] =	vst.idx.add.f32.msk $0xffff, v6  }
0x188: {  	[tilespmem:v4+s21+$0x0] =	vst.idx.add.f32.msk $0xffff, v2  }
0x189: {  	v4 =	vld [tilespmem:s28+$0xFFFFFFF0]  }
0x18a: {  	v6 =	vld [tilespmem:s29+$0xFFFFFFF0];
	v3 =	vadd.s32 v1, v3  }
0x18b: {  	[tilespmem:v7+s20+$0x0] =	vst.idx.add.f32.msk $0xffff, v8  }
0x18c: {  	[tilespmem:v7+s21+$0x0] =	vst.idx.add.f32.msk $0xffff, v2  }
0x18d: {  	v7 =	vld [tilespmem:s28+$0x0]  }
0x18e: {  	v8 =	vld [tilespmem:s29+$0x0];
	v4 =	vadd.s32 v1, v4  }
0x18f: {  	[tilespmem:v3+s20+$0x0] =	vst.idx.add.f32.msk $0xffff, v5  }
0x190: {  	[tilespmem:v3+s21+$0x0] =	vst.idx.add.f32.msk $0xffff, v2  }
0x191: {  	v3 =	vld [tilespmem:s28+$0x10]  }
0x192: {  	v5 =	vld [tilespmem:s29+$0x10];
	v7 =	vadd.s32 v1, v7  }
0x193: {  	[tilespmem:v4+s20+$0x0] =	vst.idx.add.f32.msk $0xffff, v6  }
0x194: {  	[tilespmem:v4+s21+$0x0] =	vst.idx.add.f32.msk $0xffff, v2  }
0x195: {  	v4 =	vld [tilespmem:s28+$0x20]  }
0x196: {  	v6 =	vld [tilespmem:s29+$0x20];
	v3 =	vadd.s32 v1, v3  }
0x197: {  	[tilespmem:v7+s20+$0x0] =	vst.idx.add.f32.msk $0xffff, v8  }
0x198: {  	[tilespmem:v7+s21+$0x0] =	vst.idx.add.f32.msk $0xffff, v2  }
0x199: {  	v7 =	vld [tilespmem:s31+$0x7780]  }
0x19a: {  	v8 =	vld [tilespmem:s31+$0x2880];
	v4 =	vadd.s32 v1, v4  }
0x19b: {  	[tilespmem:v3+s20+$0x0] =	vst.idx.add.f32.msk $0xffff, v5  }
0x19c: {  	[tilespmem:v3+s21+$0x0] =	vst.idx.add.f32.msk $0xffff, v2  }
0x19d: {  	v3 =	vld [tilespmem:s28+$0x40]  }
0x19e: {  	v5 =	vld [tilespmem:s29+$0x40];
	v7 =	vadd.s32 v1, v7  }
0x19f: {  	[tilespmem:v4+s20+$0x0] =	vst.idx.add.f32.msk $0xffff, v6  }
0x1a0: {  	[tilespmem:v4+s21+$0x0] =	vst.idx.add.f32.msk $0xffff, v2  }
0x1a1: {  	v4 =	vld [tilespmem:s28+$0x50]  }
0x1a2: {  	v6 =	vld [tilespmem:s29+$0x50];
	v3 =	vadd.s32 v1, v3  }
0x1a3: {  	[tilespmem:v7+s20+$0x0] =	vst.idx.add.f32.msk $0xffff, v8  }
0x1a4: {  	[tilespmem:v7+s21+$0x0] =	vst.idx.add.f32.msk $0xffff, v2  }
0x1a5: {  	v7 =	vld [tilespmem:s28+$0x60]  }
0x1a6: {  	v8 =	vld [tilespmem:s29+$0x60];
	v4 =	vadd.s32 v1, v4  }
0x1a7: {  	[tilespmem:v3+s20+$0x0] =	vst.idx.add.f32.msk $0xffff, v5  }
0x1a8: {  	[tilespmem:v3+s21+$0x0] =	vst.idx.add.f32.msk $0xffff, v2  }
0x1a9: {  	v3 =	vld [tilespmem:s28+$0x70]  }
0x1aa: {  	v5 =	vld [tilespmem:s29+$0x70];
	v7 =	vadd.s32 v1, v7  }
0x1ab: {  	[tilespmem:v4+s20+$0x0] =	vst.idx.add.f32.msk $0xffff, v6  }
0x1ac: {  	[tilespmem:v4+s21+$0x0] =	vst.idx.add.f32.msk $0xffff, v2  }
0x1ad: {  	v4 =	vld [tilespmem:s28+$0x80]  }
0x1ae: {  	v6 =	vld [tilespmem:s29+$0x80];
	v3 =	vadd.s32 v1, v3  }
0x1af: {  	[tilespmem:v7+s20+$0x0] =	vst.idx.add.f32.msk $0xffff, v8  }
0x1b0: {  	[tilespmem:v7+s21+$0x0] =	vst.idx.add.f32.msk $0xffff, v2  }
0x1b1: {  	v7 =	vld [tilespmem:s28+$0x90]  }
0x1b2: {  	v8 =	vld [tilespmem:s29+$0x90];
	v4 =	vadd.s32 v1, v4  }
0x1b3: {  	[tilespmem:v3+s20+$0x0] =	vst.idx.add.f32.msk $0xffff, v5  }
0x1b4: {  	[tilespmem:v3+s21+$0x0] =	vst.idx.add.f32.msk $0xffff, v2  }
0x1b5: {  	v5 =	vld [tilespmem:s28+$0xA0]  }
0x1b6: {  	v9 =	vld [tilespmem:s29+$0xA0];
	v7 =	vadd.s32 v1, v7  }
0x1b7: {  	[tilespmem:v4+s20+$0x0] =	vst.idx.add.f32.msk $0xffff, v6  }
0x1b8: {  	[tilespmem:v4+s21+$0x0] =	vst.idx.add.f32.msk $0xffff, v2  }
0x1b9: {  	v10 =	vld [tilespmem:s31+$0x7800]  }
0x1ba: {  	v3 =	vld [tilespmem:s31+$0x2900];
	v11 =	vadd.s32 v1, v5  }
0x1bb: {  	[tilespmem:v7+s20+$0x0] =	vst.idx.add.f32.msk $0xffff, v8  }
0x1bc: {  	[tilespmem:v7+s21+$0x0] =	vst.idx.add.f32.msk $0xffff, v2  }
.Ltmp2:
0x1bd: {  	v6 =	vld [tilespmem:s28+$0xC0];
	(pc) =	sbr.rel @p0 .LBB2_6-.Ltmp2, $4  }
0x1be: {  	v4 =	vld [tilespmem:s29+$0xC0];
	v5 =	vadd.s32 v1, v10  }
0x1bf: {  	[tilespmem:v11+s20+$0x0] =	vst.idx.add.f32.msk $0xffff, v9  }
0x1c0: {  	[tilespmem:v11+s21+$0x0] =	vst.idx.add.f32.msk $0xffff, v2  }
0x1c1: {  	v7 =	vld [tilespmem:s28+$0xD0]  }
0x1c2: {  	_ =	sdelay $0x3  }
0x1c3: {  	[tilespmem:v5+s20+$0x0] =	vst.idx.add.f32.msk $0xffff, v3  }
0x1c4: {  	[tilespmem:v5+s21+$0x0] =	vst.idx.add.f32.msk $0xffff, v2  }
0x1c5: {  	_ =	swait.ge [sflag:s17], $0x2710  }
0x1c6: {  	[sflag:s17] =	ssyncset.done $0x0  }
0x1c7: {  	[sflag:s17] =	ssyncadd.s32 $0xFFFFD8F0  }
0x1c8: {  	_ =	swait.ge [sflag:s17], $0x2710  }
0x1c9: {  	[sflag:s17] =	ssyncset.done $0x0  }
0x1ca: {  	s30 =	simm.s32 $0x0;
	[sflag:s17] =	ssyncadd.s32 $0xFFFFD8F0  }
0x1cb: {  	[tilespmem:s18], [sflag:$0x2] =	stream.linear.gather [hbm4b:s9+s30], $0x2710, $0x38;
	[tilespmem:$0x19E00] =	vst v63  }
0x1cc: {  	_ = 	snop  }
0x1cd: {  	[tilespmem:s19], [sflag:$0x2] =	stream.linear.gather [hbm4b:s10+s30], $0x2710, $0x38;
	[tilespmem:$0x19E00] =	vst v63  }
0x1ce: {  	v3 =	vld [tilespmem:$0x4F00];
	_ =	sdelay $0x3  }
0x1cf: {  	v4 =	vld [tilespmem:$0x4F10]  }
0x1d0: {  	v5 =	vld [tilespmem:$0x0];
	v3 =	vadd.s32 v1, v3;
	_ =	sdelay $0x1  }
0x1d1: {  	s28 =	simm.s32 $0x4FD0;
	v6 =	vld [tilespmem:$0x10]  }
0x1d2: {  	s29 =	simm.s32 $0xD0;
	v7 =	vld [tilespmem:s28+$0xFFFFFF50]  }
0x1d3: {  	v8 =	vld [tilespmem:s29+$0xFFFFFF50];
	v4 =	vadd.s32 v1, v4  }
0x1d4: {  	[tilespmem:v3+s20+$0x0] =	vst.idx.add.f32.msk $0xffff, v5  }
0x1d5: {  	[tilespmem:v3+s21+$0x0] =	vst.idx.add.f32.msk $0xffff, v2  }
0x1d6: {  	v3 =	vld [tilespmem:s28+$0xFFFFFF60]  }
0x1d7: {  	v7 =	vadd.s32 v1, v7;
	v5 =	vld [tilespmem:s29+$0xFFFFFF60]  }
0x1d8: {  	[tilespmem:v4+s20+$0x0] =	vst.idx.add.f32.msk $0xffff, v6  }
0x1d9: {  	[tilespmem:v4+s21+$0x0] =	vst.idx.add.f32.msk $0xffff, v2  }
0x1da: {  	v4 =	vld [tilespmem:s28+$0xFFFFFF70]  }
0x1db: {  	v6 =	vld [tilespmem:s29+$0xFFFFFF70];
	v3 =	vadd.s32 v1, v3  }
0x1dc: {  	[tilespmem:v7+s20+$0x0] =	vst.idx.add.f32.msk $0xffff, v8  }
0x1dd: {  	[tilespmem:v7+s21+$0x0] =	vst.idx.add.f32.msk $0xffff, v2  }
0x1de: {  	v7 =	vld [tilespmem:s28+$0xFFFFFF80]  }
0x1df: {  	v8 =	vld [tilespmem:s29+$0xFFFFFF80];
	v4 =	vadd.s32 v1, v4  }
0x1e0: {  	[tilespmem:v3+s20+$0x0] =	vst.idx.add.f32.msk $0xffff, v5  }
0x1e1: {  	[tilespmem:v3+s21+$0x0] =	vst.idx.add.f32.msk $0xffff, v2  }
0x1e2: {  	v3 =	vld [tilespmem:s28+$0xFFFFFF90]  }
0x1e3: {  	v7 =	vadd.s32 v1, v7;
	v5 =	vld [tilespmem:s29+$0xFFFFFF90]  }
0x1e4: {  	[tilespmem:v4+s20+$0x0] =	vst.idx.add.f32.msk $0xffff, v6  }
0x1e5: {  	[tilespmem:v4+s21+$0x0] =	vst.idx.add.f32.msk $0xffff, v2  }
0x1e6: {  	v4 =	vld [tilespmem:s28+$0xFFFFFFA0]  }
0x1e7: {  	v6 =	vld [tilespmem:s29+$0xFFFFFFA0];
	v3 =	vadd.s32 v1, v3  }
0x1e8: {  	[tilespmem:v7+s20+$0x0] =	vst.idx.add.f32.msk $0xffff, v8  }
0x1e9: {  	s30 =	sand.u32 $0x3FF0, s30;
	[tilespmem:v7+s21+$0x0] =	vst.idx.add.f32.msk $0xffff, v2  }
0x1ea: {  	v7 =	vld [tilespmem:s30+$0x4F80]  }
0x1eb: {  	v8 =	vld [tilespmem:s30+$0x80];
	v4 =	vadd.s32 v1, v4  }
0x1ec: {  	[tilespmem:v3+s20+$0x0] =	vst.idx.add.f32.msk $0xffff, v5  }
0x1ed: {  	[tilespmem:v3+s21+$0x0] =	vst.idx.add.f32.msk $0xffff, v2  }
0x1ee: {  	v3 =	vld [tilespmem:s28+$0xFFFFFFC0]  }
0x1ef: {  	v7 =	vadd.s32 v1, v7;
	v5 =	vld [tilespmem:s29+$0xFFFFFFC0]  }
0x1f0: {  	[tilespmem:v4+s20+$0x0] =	vst.idx.add.f32.msk $0xffff, v6  }
0x1f1: {  	[tilespmem:v4+s21+$0x0] =	vst.idx.add.f32.msk $0xffff, v2  }
0x1f2: {  	v4 =	vld [tilespmem:s28+$0xFFFFFFD0]  }
0x1f3: {  	v6 =	vld [tilespmem:s29+$0xFFFFFFD0];
	v3 =	vadd.s32 v1, v3  }
0x1f4: {  	[tilespmem:v7+s20+$0x0] =	vst.idx.add.f32.msk $0xffff, v8  }
0x1f5: {  	[tilespmem:v7+s21+$0x0] =	vst.idx.add.f32.msk $0xffff, v2  }
0x1f6: {  	v7 =	vld [tilespmem:s28+$0xFFFFFFE0]  }
0x1f7: {  	v8 =	vld [tilespmem:s29+$0xFFFFFFE0];
	v4 =	vadd.s32 v1, v4  }
0x1f8: {  	[tilespmem:v3+s20+$0x0] =	vst.idx.add.f32.msk $0xffff, v5  }
0x1f9: {  	[tilespmem:v3+s21+$0x0] =	vst.idx.add.f32.msk $0xffff, v2  }
0x1fa: {  	v3 =	vld [tilespmem:s28+$0xFFFFFFF0]  }
0x1fb: {  	v7 =	vadd.s32 v1, v7;
	v5 =	vld [tilespmem:s29+$0xFFFFFFF0]  }
0x1fc: {  	[tilespmem:v4+s20+$0x0] =	vst.idx.add.f32.msk $0xffff, v6  }
0x1fd: {  	[tilespmem:v4+s21+$0x0] =	vst.idx.add.f32.msk $0xffff, v2  }
0x1fe: {  	v4 =	vld [tilespmem:s28+$0x0]  }
0x1ff: {  	v6 =	vld [tilespmem:s29+$0x0];
	v3 =	vadd.s32 v1, v3  }
0x200: {  	[tilespmem:v7+s20+$0x0] =	vst.idx.add.f32.msk $0xffff, v8  }
0x201: {  	[tilespmem:v7+s21+$0x0] =	vst.idx.add.f32.msk $0xffff, v2  }
0x202: {  	v7 =	vld [tilespmem:s28+$0x10]  }
0x203: {  	v8 =	vld [tilespmem:s29+$0x10];
	v4 =	vadd.s32 v1, v4  }
0x204: {  	[tilespmem:v3+s20+$0x0] =	vst.idx.add.f32.msk $0xffff, v5  }
0x205: {  	[tilespmem:v3+s21+$0x0] =	vst.idx.add.f32.msk $0xffff, v2  }
0x206: {  	v3 =	vld [tilespmem:s28+$0x20]  }
0x207: {  	v7 =	vadd.s32 v1, v7;
	v5 =	vld [tilespmem:s29+$0x20]  }
0x208: {  	[tilespmem:v4+s20+$0x0] =	vst.idx.add.f32.msk $0xffff, v6  }
0x209: {  	[tilespmem:v4+s21+$0x0] =	vst.idx.add.f32.msk $0xffff, v2  }
0x20a: {  	v4 =	vld [tilespmem:s30+$0x5000]  }
0x20b: {  	v6 =	vld [tilespmem:s30+$0x100];
	v3 =	vadd.s32 v1, v3  }
0x20c: {  	[tilespmem:v7+s20+$0x0] =	vst.idx.add.f32.msk $0xffff, v8  }
0x20d: {  	[tilespmem:v7+s21+$0x0] =	vst.idx.add.f32.msk $0xffff, v2  }
0x20e: {  	v7 =	vld [tilespmem:s28+$0x40]  }
0x20f: {  	v8 =	vld [tilespmem:s29+$0x40];
	v4 =	vadd.s32 v1, v4  }
0x210: {  	[tilespmem:v3+s20+$0x0] =	vst.idx.add.f32.msk $0xffff, v5  }
0x211: {  	[tilespmem:v3+s21+$0x0] =	vst.idx.add.f32.msk $0xffff, v2  }
0x212: {  	v3 =	vld [tilespmem:s28+$0x50]  }
0x213: {  	v7 =	vadd.s32 v1, v7;
	v5 =	vld [tilespmem:s29+$0x50]  }
0x214: {  	[tilespmem:v4+s20+$0x0] =	vst.idx.add.f32.msk $0xffff, v6  }
0x215: {  	[tilespmem:v4+s21+$0x0] =	vst.idx.add.f32.msk $0xffff, v2  }
0x216: {  	v4 =	vld [tilespmem:s28+$0x60]  }
0x217: {  	v6 =	vld [tilespmem:s29+$0x60];
	v3 =	vadd.s32 v1, v3  }
0x218: {  	[tilespmem:v7+s20+$0x0] =	vst.idx.add.f32.msk $0xffff, v8  }
0x219: {  	[tilespmem:v7+s21+$0x0] =	vst.idx.add.f32.msk $0xffff, v2  }
0x21a: {  	v7 =	vld [tilespmem:s28+$0x70]  }
0x21b: {  	v8 =	vld [tilespmem:s29+$0x70];
	v4 =	vadd.s32 v1, v4  }
0x21c: {  	[tilespmem:v3+s20+$0x0] =	vst.idx.add.f32.msk $0xffff, v5  }
0x21d: {  	[tilespmem:v3+s21+$0x0] =	vst.idx.add.f32.msk $0xffff, v2  }
0x21e: {  	v3 =	vld [tilespmem:s28+$0x80]  }
0x21f: {  	v7 =	vadd.s32 v1, v7;
	v5 =	vld [tilespmem:s29+$0x80]  }
0x220: {  	[tilespmem:v4+s20+$0x0] =	vst.idx.add.f32.msk $0xffff, v6  }
0x221: {  	[tilespmem:v4+s21+$0x0] =	vst.idx.add.f32.msk $0xffff, v2  }
0x222: {  	v4 =	vld [tilespmem:s28+$0x90]  }
0x223: {  	v6 =	vld [tilespmem:s29+$0x90];
	v3 =	vadd.s32 v1, v3  }
0x224: {  	[tilespmem:v7+s20+$0x0] =	vst.idx.add.f32.msk $0xffff, v8  }
0x225: {  	[tilespmem:v7+s21+$0x0] =	vst.idx.add.f32.msk $0xffff, v2  }
0x226: {  	v7 =	vld [tilespmem:s28+$0xA0]  }
0x227: {  	v8 =	vld [tilespmem:s29+$0xA0];
	v4 =	vadd.s32 v1, v4  }
0x228: {  	[tilespmem:v3+s20+$0x0] =	vst.idx.add.f32.msk $0xffff, v5  }
0x229: {  	[tilespmem:v3+s21+$0x0] =	vst.idx.add.f32.msk $0xffff, v2  }
0x22a: {  	v5 =	vld [tilespmem:s30+$0x5080]  }
0x22b: {  	v7 =	vadd.s32 v1, v7;
	v3 =	vld [tilespmem:s30+$0x180]  }
0x22c: {  	[tilespmem:v4+s20+$0x0] =	vst.idx.add.f32.msk $0xffff, v6  }
0x22d: {  	[tilespmem:v4+s21+$0x0] =	vst.idx.add.f32.msk $0xffff, v2  }
0x22e: {  	v6 =	vld [tilespmem:s28+$0xC0]  }
0x22f: {  	v4 =	vld [tilespmem:s29+$0xC0];
	v5 =	vadd.s32 v1, v5  }
0x230: {  	[tilespmem:v7+s20+$0x0] =	vst.idx.add.f32.msk $0xffff, v8  }
0x231: {  	[tilespmem:v7+s21+$0x0] =	vst.idx.add.f32.msk $0xffff, v2  }
0x232: {  	s30 =	simm.s32 $0x190;
	v7 =	vld [tilespmem:s28+$0xD0]  }
.LBB2_8:
0x233: {  	v6 =	vadd.s32 v1, v6;
	p0 =	sne.s32 s30, $0x2580;
	v8 =	vld [tilespmem:s29+$0xD0];
	s31 =	smov.u32 s30;
	s30 =	sadd.s32 $0x190, s30  }
0x234: {  	[tilespmem:v5+s20+$0x0] =	vst.idx.add.f32.msk $0xffff, v3  }
0x235: {  	s28 =	sadd.s32 $0x190, s28;
	[tilespmem:v5+s21+$0x0] =	vst.idx.add.f32.msk $0xffff, v2  }
0x236: {  	s29 =	sadd.s32 $0x190, s29;
	v3 =	vld [tilespmem:s28+$0xFFFFFF50]  }
0x237: {  	v5 =	vld [tilespmem:s29+$0xFFFFFF50];
	v7 =	vadd.s32 v1, v7  }
0x238: {  	[tilespmem:v6+s20+$0x0] =	vst.idx.add.f32.msk $0xffff, v4  }
0x239: {  	[tilespmem:v6+s21+$0x0] =	vst.idx.add.f32.msk $0xffff, v2  }
0x23a: {  	v4 =	vld [tilespmem:s28+$0xFFFFFF60]  }
0x23b: {  	v6 =	vld [tilespmem:s29+$0xFFFFFF60];
	v3 =	vadd.s32 v1, v3  }
0x23c: {  	[tilespmem:v7+s20+$0x0] =	vst.idx.add.f32.msk $0xffff, v8  }
0x23d: {  	[tilespmem:v7+s21+$0x0] =	vst.idx.add.f32.msk $0xffff, v2  }
0x23e: {  	v7 =	vld [tilespmem:s28+$0xFFFFFF70]  }
0x23f: {  	v8 =	vld [tilespmem:s29+$0xFFFFFF70];
	v4 =	vadd.s32 v1, v4  }
0x240: {  	[tilespmem:v3+s20+$0x0] =	vst.idx.add.f32.msk $0xffff, v5  }
0x241: {  	[tilespmem:v3+s21+$0x0] =	vst.idx.add.f32.msk $0xffff, v2  }
0x242: {  	v3 =	vld [tilespmem:s28+$0xFFFFFF80]  }
0x243: {  	v5 =	vld [tilespmem:s29+$0xFFFFFF80];
	v7 =	vadd.s32 v1, v7  }
0x244: {  	[tilespmem:v4+s20+$0x0] =	vst.idx.add.f32.msk $0xffff, v6  }
0x245: {  	[tilespmem:v4+s21+$0x0] =	vst.idx.add.f32.msk $0xffff, v2  }
0x246: {  	v4 =	vld [tilespmem:s28+$0xFFFFFF90]  }
0x247: {  	v6 =	vld [tilespmem:s29+$0xFFFFFF90];
	v3 =	vadd.s32 v1, v3  }
0x248: {  	[tilespmem:v7+s20+$0x0] =	vst.idx.add.f32.msk $0xffff, v8  }
0x249: {  	[tilespmem:v7+s21+$0x0] =	vst.idx.add.f32.msk $0xffff, v2  }
0x24a: {  	v7 =	vld [tilespmem:s28+$0xFFFFFFA0]  }
0x24b: {  	v8 =	vld [tilespmem:s29+$0xFFFFFFA0];
	v4 =	vadd.s32 v1, v4  }
0x24c: {  	[tilespmem:v3+s20+$0x0] =	vst.idx.add.f32.msk $0xffff, v5  }
0x24d: {  	s31 =	sand.u32 $0x3FF0, s31;
	[tilespmem:v3+s21+$0x0] =	vst.idx.add.f32.msk $0xffff, v2  }
0x24e: {  	v3 =	vld [tilespmem:s31+$0x4F80]  }
0x24f: {  	v5 =	vld [tilespmem:s31+$0x80];
	v7 =	vadd.s32 v1, v7  }
0x250: {  	[tilespmem:v4+s20+$0x0] =	vst.idx.add.f32.msk $0xffff, v6  }
0x251: {  	[tilespmem:v4+s21+$0x0] =	vst.idx.add.f32.msk $0xffff, v2  }
0x252: {  	v4 =	vld [tilespmem:s28+$0xFFFFFFC0]  }
0x253: {  	v6 =	vld [tilespmem:s29+$0xFFFFFFC0];
	v3 =	vadd.s32 v1, v3  }
0x254: {  	[tilespmem:v7+s20+$0x0] =	vst.idx.add.f32.msk $0xffff, v8  }
0x255: {  	[tilespmem:v7+s21+$0x0] =	vst.idx.add.f32.msk $0xffff, v2  }
0x256: {  	v7 =	vld [tilespmem:s28+$0xFFFFFFD0]  }
0x257: {  	v8 =	vld [tilespmem:s29+$0xFFFFFFD0];
	v4 =	vadd.s32 v1, v4  }
0x258: {  	[tilespmem:v3+s20+$0x0] =	vst.idx.add.f32.msk $0xffff, v5  }
0x259: {  	[tilespmem:v3+s21+$0x0] =	vst.idx.add.f32.msk $0xffff, v2  }
0x25a: {  	v3 =	vld [tilespmem:s28+$0xFFFFFFE0]  }
0x25b: {  	v5 =	vld [tilespmem:s29+$0xFFFFFFE0];
	v7 =	vadd.s32 v1, v7  }
0x25c: {  	[tilespmem:v4+s20+$0x0] =	vst.idx.add.f32.msk $0xffff, v6  }
0x25d: {  	[tilespmem:v4+s21+$0x0] =	vst.idx.add.f32.msk $0xffff, v2  }
0x25e: {  	v4 =	vld [tilespmem:s28+$0xFFFFFFF0]  }
0x25f: {  	v6 =	vld [tilespmem:s29+$0xFFFFFFF0];
	v3 =	vadd.s32 v1, v3  }
0x260: {  	[tilespmem:v7+s20+$0x0] =	vst.idx.add.f32.msk $0xffff, v8  }
0x261: {  	[tilespmem:v7+s21+$0x0] =	vst.idx.add.f32.msk $0xffff, v2  }
0x262: {  	v7 =	vld [tilespmem:s28+$0x0]  }
0x263: {  	v8 =	vld [tilespmem:s29+$0x0];
	v4 =	vadd.s32 v1, v4  }
0x264: {  	[tilespmem:v3+s20+$0x0] =	vst.idx.add.f32.msk $0xffff, v5  }
0x265: {  	[tilespmem:v3+s21+$0x0] =	vst.idx.add.f32.msk $0xffff, v2  }
0x266: {  	v3 =	vld [tilespmem:s28+$0x10]  }
0x267: {  	v5 =	vld [tilespmem:s29+$0x10];
	v7 =	vadd.s32 v1, v7  }
0x268: {  	[tilespmem:v4+s20+$0x0] =	vst.idx.add.f32.msk $0xffff, v6  }
0x269: {  	[tilespmem:v4+s21+$0x0] =	vst.idx.add.f32.msk $0xffff, v2  }
0x26a: {  	v4 =	vld [tilespmem:s28+$0x20]  }
0x26b: {  	v6 =	vld [tilespmem:s29+$0x20];
	v3 =	vadd.s32 v1, v3  }
0x26c: {  	[tilespmem:v7+s20+$0x0] =	vst.idx.add.f32.msk $0xffff, v8  }
0x26d: {  	[tilespmem:v7+s21+$0x0] =	vst.idx.add.f32.msk $0xffff, v2  }
0x26e: {  	v7 =	vld [tilespmem:s31+$0x5000]  }
0x26f: {  	v8 =	vld [tilespmem:s31+$0x100];
	v4 =	vadd.s32 v1, v4  }
0x270: {  	[tilespmem:v3+s20+$0x0] =	vst.idx.add.f32.msk $0xffff, v5  }
0x271: {  	[tilespmem:v3+s21+$0x0] =	vst.idx.add.f32.msk $0xffff, v2  }
0x272: {  	v3 =	vld [tilespmem:s28+$0x40]  }
0x273: {  	v5 =	vld [tilespmem:s29+$0x40];
	v7 =	vadd.s32 v1, v7  }
0x274: {  	[tilespmem:v4+s20+$0x0] =	vst.idx.add.f32.msk $0xffff, v6  }
0x275: {  	[tilespmem:v4+s21+$0x0] =	vst.idx.add.f32.msk $0xffff, v2  }
0x276: {  	v4 =	vld [tilespmem:s28+$0x50]  }
0x277: {  	v6 =	vld [tilespmem:s29+$0x50];
	v3 =	vadd.s32 v1, v3  }
0x278: {  	[tilespmem:v7+s20+$0x0] =	vst.idx.add.f32.msk $0xffff, v8  }
0x279: {  	[tilespmem:v7+s21+$0x0] =	vst.idx.add.f32.msk $0xffff, v2  }
0x27a: {  	v7 =	vld [tilespmem:s28+$0x60]  }
0x27b: {  	v8 =	vld [tilespmem:s29+$0x60];
	v4 =	vadd.s32 v1, v4  }
0x27c: {  	[tilespmem:v3+s20+$0x0] =	vst.idx.add.f32.msk $0xffff, v5  }
0x27d: {  	[tilespmem:v3+s21+$0x0] =	vst.idx.add.f32.msk $0xffff, v2  }
0x27e: {  	v3 =	vld [tilespmem:s28+$0x70]  }
0x27f: {  	v5 =	vld [tilespmem:s29+$0x70];
	v7 =	vadd.s32 v1, v7  }
0x280: {  	[tilespmem:v4+s20+$0x0] =	vst.idx.add.f32.msk $0xffff, v6  }
0x281: {  	[tilespmem:v4+s21+$0x0] =	vst.idx.add.f32.msk $0xffff, v2  }
0x282: {  	v4 =	vld [tilespmem:s28+$0x80]  }
0x283: {  	v6 =	vld [tilespmem:s29+$0x80];
	v3 =	vadd.s32 v1, v3  }
0x284: {  	[tilespmem:v7+s20+$0x0] =	vst.idx.add.f32.msk $0xffff, v8  }
0x285: {  	[tilespmem:v7+s21+$0x0] =	vst.idx.add.f32.msk $0xffff, v2  }
0x286: {  	v7 =	vld [tilespmem:s28+$0x90]  }
0x287: {  	v8 =	vld [tilespmem:s29+$0x90];
	v4 =	vadd.s32 v1, v4  }
0x288: {  	[tilespmem:v3+s20+$0x0] =	vst.idx.add.f32.msk $0xffff, v5  }
0x289: {  	[tilespmem:v3+s21+$0x0] =	vst.idx.add.f32.msk $0xffff, v2  }
0x28a: {  	v5 =	vld [tilespmem:s28+$0xA0]  }
0x28b: {  	v9 =	vld [tilespmem:s29+$0xA0];
	v7 =	vadd.s32 v1, v7  }
0x28c: {  	[tilespmem:v4+s20+$0x0] =	vst.idx.add.f32.msk $0xffff, v6  }
0x28d: {  	[tilespmem:v4+s21+$0x0] =	vst.idx.add.f32.msk $0xffff, v2  }
0x28e: {  	v10 =	vld [tilespmem:s31+$0x5080]  }
0x28f: {  	v3 =	vld [tilespmem:s31+$0x180];
	v11 =	vadd.s32 v1, v5  }
0x290: {  	[tilespmem:v7+s20+$0x0] =	vst.idx.add.f32.msk $0xffff, v8  }
0x291: {  	[tilespmem:v7+s21+$0x0] =	vst.idx.add.f32.msk $0xffff, v2  }
.Ltmp3:
0x292: {  	v6 =	vld [tilespmem:s28+$0xC0];
	(pc) =	sbr.rel @p0 .LBB2_8-.Ltmp3, $4  }
0x293: {  	v4 =	vld [tilespmem:s29+$0xC0];
	v5 =	vadd.s32 v1, v10  }
0x294: {  	[tilespmem:v11+s20+$0x0] =	vst.idx.add.f32.msk $0xffff, v9  }
0x295: {  	[tilespmem:v11+s21+$0x0] =	vst.idx.add.f32.msk $0xffff, v2  }
0x296: {  	v7 =	vld [tilespmem:s28+$0xD0]  }
0x297: {  	_ =	sdelay $0x3  }
0x298: {  	[tilespmem:v5+s20+$0x0] =	vst.idx.add.f32.msk $0xffff, v3  }
0x299: {  	[tilespmem:v5+s21+$0x0] =	vst.idx.add.f32.msk $0xffff, v2  }
0x29a: {  	_ =	swait.ge [sflag:s22], $0x2710  }
0x29b: {  	[sflag:s22] =	ssyncset.done $0x0  }
0x29c: {  	[sflag:s22] =	ssyncadd.s32 $0xFFFFD8F0  }
0x29d: {  	_ =	swait.ge [sflag:s22], $0x2710  }
0x29e: {  	[sflag:s22] =	ssyncset.done $0x0  }
0x29f: {  	s30 =	simm.s32 $0x0;
	[sflag:s22] =	ssyncadd.s32 $0xFFFFD8F0  }
0x2a0: {  	[tilespmem:s30], [sflag:$0x1] =	stream.linear.gather [hbm4b:s11+s30], $0x2710, $0x38;
	[tilespmem:$0x19E00] =	vst v63  }
0x2a1: {  	_ = 	snop  }
0x2a2: {  	[tilespmem:s16], [sflag:$0x1] =	stream.linear.gather [hbm4b:s12+s30], $0x2710, $0x38;
	[tilespmem:$0x19E00] =	vst v63  }
0x2a3: {  	v3 =	vld [tilespmem:$0x7680];
	_ =	sdelay $0x3  }
0x2a4: {  	v4 =	vld [tilespmem:$0x7690]  }
0x2a5: {  	v5 =	vld [tilespmem:$0x2780];
	v3 =	vadd.s32 v1, v3;
	_ =	sdelay $0x1  }
0x2a6: {  	s28 =	simm.s32 $0x7750;
	v6 =	vld [tilespmem:$0x2790]  }
0x2a7: {  	s29 =	simm.s32 $0x2850;
	v7 =	vld [tilespmem:s28+$0xFFFFFF50]  }
0x2a8: {  	v8 =	vld [tilespmem:s29+$0xFFFFFF50];
	v4 =	vadd.s32 v1, v4  }
0x2a9: {  	[tilespmem:v3+s20+$0x0] =	vst.idx.add.f32.msk $0xffff, v5  }
0x2aa: {  	[tilespmem:v3+s21+$0x0] =	vst.idx.add.f32.msk $0xffff, v2  }
0x2ab: {  	v3 =	vld [tilespmem:s28+$0xFFFFFF60]  }
0x2ac: {  	v7 =	vadd.s32 v1, v7;
	v5 =	vld [tilespmem:s29+$0xFFFFFF60]  }
0x2ad: {  	[tilespmem:v4+s20+$0x0] =	vst.idx.add.f32.msk $0xffff, v6  }
0x2ae: {  	[tilespmem:v4+s21+$0x0] =	vst.idx.add.f32.msk $0xffff, v2  }
0x2af: {  	v4 =	vld [tilespmem:s28+$0xFFFFFF70]  }
0x2b0: {  	v6 =	vld [tilespmem:s29+$0xFFFFFF70];
	v3 =	vadd.s32 v1, v3  }
0x2b1: {  	[tilespmem:v7+s20+$0x0] =	vst.idx.add.f32.msk $0xffff, v8  }
0x2b2: {  	[tilespmem:v7+s21+$0x0] =	vst.idx.add.f32.msk $0xffff, v2  }
0x2b3: {  	v7 =	vld [tilespmem:s28+$0xFFFFFF80]  }
0x2b4: {  	v8 =	vld [tilespmem:s29+$0xFFFFFF80];
	v4 =	vadd.s32 v1, v4  }
0x2b5: {  	[tilespmem:v3+s20+$0x0] =	vst.idx.add.f32.msk $0xffff, v5  }
0x2b6: {  	[tilespmem:v3+s21+$0x0] =	vst.idx.add.f32.msk $0xffff, v2  }
0x2b7: {  	v3 =	vld [tilespmem:s28+$0xFFFFFF90]  }
0x2b8: {  	v7 =	vadd.s32 v1, v7;
	v5 =	vld [tilespmem:s29+$0xFFFFFF90]  }
0x2b9: {  	[tilespmem:v4+s20+$0x0] =	vst.idx.add.f32.msk $0xffff, v6  }
0x2ba: {  	[tilespmem:v4+s21+$0x0] =	vst.idx.add.f32.msk $0xffff, v2  }
0x2bb: {  	v4 =	vld [tilespmem:s28+$0xFFFFFFA0]  }
0x2bc: {  	v6 =	vld [tilespmem:s29+$0xFFFFFFA0];
	v3 =	vadd.s32 v1, v3  }
0x2bd: {  	[tilespmem:v7+s20+$0x0] =	vst.idx.add.f32.msk $0xffff, v8  }
0x2be: {  	s30 =	sand.u32 $0x3FF0, s30;
	[tilespmem:v7+s21+$0x0] =	vst.idx.add.f32.msk $0xffff, v2  }
0x2bf: {  	v7 =	vld [tilespmem:s30+$0x7700]  }
0x2c0: {  	v8 =	vld [tilespmem:s30+$0x2800];
	v4 =	vadd.s32 v1, v4  }
0x2c1: {  	[tilespmem:v3+s20+$0x0] =	vst.idx.add.f32.msk $0xffff, v5  }
0x2c2: {  	[tilespmem:v3+s21+$0x0] =	vst.idx.add.f32.msk $0xffff, v2  }
0x2c3: {  	v3 =	vld [tilespmem:s28+$0xFFFFFFC0]  }
0x2c4: {  	v7 =	vadd.s32 v1, v7;
	v5 =	vld [tilespmem:s29+$0xFFFFFFC0]  }
0x2c5: {  	[tilespmem:v4+s20+$0x0] =	vst.idx.add.f32.msk $0xffff, v6  }
0x2c6: {  	[tilespmem:v4+s21+$0x0] =	vst.idx.add.f32.msk $0xffff, v2  }
0x2c7: {  	v4 =	vld [tilespmem:s28+$0xFFFFFFD0]  }
0x2c8: {  	v6 =	vld [tilespmem:s29+$0xFFFFFFD0];
	v3 =	vadd.s32 v1, v3  }
0x2c9: {  	[tilespmem:v7+s20+$0x0] =	vst.idx.add.f32.msk $0xffff, v8  }
0x2ca: {  	[tilespmem:v7+s21+$0x0] =	vst.idx.add.f32.msk $0xffff, v2  }
0x2cb: {  	v7 =	vld [tilespmem:s28+$0xFFFFFFE0]  }
0x2cc: {  	v8 =	vld [tilespmem:s29+$0xFFFFFFE0];
	v4 =	vadd.s32 v1, v4  }
0x2cd: {  	[tilespmem:v3+s20+$0x0] =	vst.idx.add.f32.msk $0xffff, v5  }
0x2ce: {  	[tilespmem:v3+s21+$0x0] =	vst.idx.add.f32.msk $0xffff, v2  }
0x2cf: {  	v3 =	vld [tilespmem:s28+$0xFFFFFFF0]  }
0x2d0: {  	v7 =	vadd.s32 v1, v7;
	v5 =	vld [tilespmem:s29+$0xFFFFFFF0]  }
0x2d1: {  	[tilespmem:v4+s20+$0x0] =	vst.idx.add.f32.msk $0xffff, v6  }
0x2d2: {  	[tilespmem:v4+s21+$0x0] =	vst.idx.add.f32.msk $0xffff, v2  }
0x2d3: {  	v4 =	vld [tilespmem:s28+$0x0]  }
0x2d4: {  	v6 =	vld [tilespmem:s29+$0x0];
	v3 =	vadd.s32 v1, v3  }
0x2d5: {  	[tilespmem:v7+s20+$0x0] =	vst.idx.add.f32.msk $0xffff, v8  }
0x2d6: {  	[tilespmem:v7+s21+$0x0] =	vst.idx.add.f32.msk $0xffff, v2  }
0x2d7: {  	v7 =	vld [tilespmem:s28+$0x10]  }
0x2d8: {  	v8 =	vld [tilespmem:s29+$0x10];
	v4 =	vadd.s32 v1, v4  }
0x2d9: {  	[tilespmem:v3+s20+$0x0] =	vst.idx.add.f32.msk $0xffff, v5  }
0x2da: {  	[tilespmem:v3+s21+$0x0] =	vst.idx.add.f32.msk $0xffff, v2  }
0x2db: {  	v3 =	vld [tilespmem:s28+$0x20]  }
0x2dc: {  	v7 =	vadd.s32 v1, v7;
	v5 =	vld [tilespmem:s29+$0x20]  }
0x2dd: {  	[tilespmem:v4+s20+$0x0] =	vst.idx.add.f32.msk $0xffff, v6  }
0x2de: {  	[tilespmem:v4+s21+$0x0] =	vst.idx.add.f32.msk $0xffff, v2  }
0x2df: {  	v4 =	vld [tilespmem:s30+$0x7780]  }
0x2e0: {  	v6 =	vld [tilespmem:s30+$0x2880];
	v3 =	vadd.s32 v1, v3  }
0x2e1: {  	[tilespmem:v7+s20+$0x0] =	vst.idx.add.f32.msk $0xffff, v8  }
0x2e2: {  	[tilespmem:v7+s21+$0x0] =	vst.idx.add.f32.msk $0xffff, v2  }
0x2e3: {  	v7 =	vld [tilespmem:s28+$0x40]  }
0x2e4: {  	v8 =	vld [tilespmem:s29+$0x40];
	v4 =	vadd.s32 v1, v4  }
0x2e5: {  	[tilespmem:v3+s20+$0x0] =	vst.idx.add.f32.msk $0xffff, v5  }
0x2e6: {  	[tilespmem:v3+s21+$0x0] =	vst.idx.add.f32.msk $0xffff, v2  }
0x2e7: {  	v3 =	vld [tilespmem:s28+$0x50]  }
0x2e8: {  	v7 =	vadd.s32 v1, v7;
	v5 =	vld [tilespmem:s29+$0x50]  }
0x2e9: {  	[tilespmem:v4+s20+$0x0] =	vst.idx.add.f32.msk $0xffff, v6  }
0x2ea: {  	[tilespmem:v4+s21+$0x0] =	vst.idx.add.f32.msk $0xffff, v2  }
0x2eb: {  	v4 =	vld [tilespmem:s28+$0x60]  }
0x2ec: {  	v6 =	vld [tilespmem:s29+$0x60];
	v3 =	vadd.s32 v1, v3  }
0x2ed: {  	[tilespmem:v7+s20+$0x0] =	vst.idx.add.f32.msk $0xffff, v8  }
0x2ee: {  	[tilespmem:v7+s21+$0x0] =	vst.idx.add.f32.msk $0xffff, v2  }
0x2ef: {  	v7 =	vld [tilespmem:s28+$0x70]  }
0x2f0: {  	v8 =	vld [tilespmem:s29+$0x70];
	v4 =	vadd.s32 v1, v4  }
0x2f1: {  	[tilespmem:v3+s20+$0x0] =	vst.idx.add.f32.msk $0xffff, v5  }
0x2f2: {  	[tilespmem:v3+s21+$0x0] =	vst.idx.add.f32.msk $0xffff, v2  }
0x2f3: {  	v3 =	vld [tilespmem:s28+$0x80]  }
0x2f4: {  	v7 =	vadd.s32 v1, v7;
	v5 =	vld [tilespmem:s29+$0x80]  }
0x2f5: {  	[tilespmem:v4+s20+$0x0] =	vst.idx.add.f32.msk $0xffff, v6  }
0x2f6: {  	[tilespmem:v4+s21+$0x0] =	vst.idx.add.f32.msk $0xffff, v2  }
0x2f7: {  	v4 =	vld [tilespmem:s28+$0x90]  }
0x2f8: {  	v6 =	vld [tilespmem:s29+$0x90];
	v3 =	vadd.s32 v1, v3  }
0x2f9: {  	[tilespmem:v7+s20+$0x0] =	vst.idx.add.f32.msk $0xffff, v8  }
0x2fa: {  	[tilespmem:v7+s21+$0x0] =	vst.idx.add.f32.msk $0xffff, v2  }
0x2fb: {  	v7 =	vld [tilespmem:s28+$0xA0]  }
0x2fc: {  	v8 =	vld [tilespmem:s29+$0xA0];
	v4 =	vadd.s32 v1, v4  }
0x2fd: {  	[tilespmem:v3+s20+$0x0] =	vst.idx.add.f32.msk $0xffff, v5  }
0x2fe: {  	[tilespmem:v3+s21+$0x0] =	vst.idx.add.f32.msk $0xffff, v2  }
0x2ff: {  	v5 =	vld [tilespmem:s30+$0x7800]  }
0x300: {  	v7 =	vadd.s32 v1, v7;
	v3 =	vld [tilespmem:s30+$0x2900]  }
0x301: {  	[tilespmem:v4+s20+$0x0] =	vst.idx.add.f32.msk $0xffff, v6  }
0x302: {  	[tilespmem:v4+s21+$0x0] =	vst.idx.add.f32.msk $0xffff, v2  }
0x303: {  	v6 =	vld [tilespmem:s28+$0xC0]  }
0x304: {  	v4 =	vld [tilespmem:s29+$0xC0];
	v5 =	vadd.s32 v1, v5  }
0x305: {  	[tilespmem:v7+s20+$0x0] =	vst.idx.add.f32.msk $0xffff, v8  }
0x306: {  	[tilespmem:v7+s21+$0x0] =	vst.idx.add.f32.msk $0xffff, v2  }
0x307: {  	s30 =	simm.s32 $0x190;
	v7 =	vld [tilespmem:s28+$0xD0]  }
.LBB2_10:
0x308: {  	v6 =	vadd.s32 v1, v6;
	p0 =	sne.s32 s30, $0x2580;
	v8 =	vld [tilespmem:s29+$0xD0];
	s31 =	smov.u32 s30;
	s30 =	sadd.s32 $0x190, s30  }
0x309: {  	[tilespmem:v5+s20+$0x0] =	vst.idx.add.f32.msk $0xffff, v3  }
0x30a: {  	s28 =	sadd.s32 $0x190, s28;
	[tilespmem:v5+s21+$0x0] =	vst.idx.add.f32.msk $0xffff, v2  }
0x30b: {  	s29 =	sadd.s32 $0x190, s29;
	v3 =	vld [tilespmem:s28+$0xFFFFFF50]  }
0x30c: {  	v5 =	vld [tilespmem:s29+$0xFFFFFF50];
	v7 =	vadd.s32 v1, v7  }
0x30d: {  	[tilespmem:v6+s20+$0x0] =	vst.idx.add.f32.msk $0xffff, v4  }
0x30e: {  	[tilespmem:v6+s21+$0x0] =	vst.idx.add.f32.msk $0xffff, v2  }
0x30f: {  	v4 =	vld [tilespmem:s28+$0xFFFFFF60]  }
0x310: {  	v6 =	vld [tilespmem:s29+$0xFFFFFF60];
	v3 =	vadd.s32 v1, v3  }
0x311: {  	[tilespmem:v7+s20+$0x0] =	vst.idx.add.f32.msk $0xffff, v8  }
0x312: {  	[tilespmem:v7+s21+$0x0] =	vst.idx.add.f32.msk $0xffff, v2  }
0x313: {  	v7 =	vld [tilespmem:s28+$0xFFFFFF70]  }
0x314: {  	v8 =	vld [tilespmem:s29+$0xFFFFFF70];
	v4 =	vadd.s32 v1, v4  }
0x315: {  	[tilespmem:v3+s20+$0x0] =	vst.idx.add.f32.msk $0xffff, v5  }
0x316: {  	[tilespmem:v3+s21+$0x0] =	vst.idx.add.f32.msk $0xffff, v2  }
0x317: {  	v3 =	vld [tilespmem:s28+$0xFFFFFF80]  }
0x318: {  	v5 =	vld [tilespmem:s29+$0xFFFFFF80];
	v7 =	vadd.s32 v1, v7  }
0x319: {  	[tilespmem:v4+s20+$0x0] =	vst.idx.add.f32.msk $0xffff, v6  }
0x31a: {  	[tilespmem:v4+s21+$0x0] =	vst.idx.add.f32.msk $0xffff, v2  }
0x31b: {  	v4 =	vld [tilespmem:s28+$0xFFFFFF90]  }
0x31c: {  	v6 =	vld [tilespmem:s29+$0xFFFFFF90];
	v3 =	vadd.s32 v1, v3  }
0x31d: {  	[tilespmem:v7+s20+$0x0] =	vst.idx.add.f32.msk $0xffff, v8  }
0x31e: {  	[tilespmem:v7+s21+$0x0] =	vst.idx.add.f32.msk $0xffff, v2  }
0x31f: {  	v7 =	vld [tilespmem:s28+$0xFFFFFFA0]  }
0x320: {  	v8 =	vld [tilespmem:s29+$0xFFFFFFA0];
	v4 =	vadd.s32 v1, v4  }
0x321: {  	[tilespmem:v3+s20+$0x0] =	vst.idx.add.f32.msk $0xffff, v5  }
0x322: {  	s31 =	sand.u32 $0x3FF0, s31;
	[tilespmem:v3+s21+$0x0] =	vst.idx.add.f32.msk $0xffff, v2  }
0x323: {  	v3 =	vld [tilespmem:s31+$0x7700]  }
0x324: {  	v5 =	vld [tilespmem:s31+$0x2800];
	v7 =	vadd.s32 v1, v7  }
0x325: {  	[tilespmem:v4+s20+$0x0] =	vst.idx.add.f32.msk $0xffff, v6  }
0x326: {  	[tilespmem:v4+s21+$0x0] =	vst.idx.add.f32.msk $0xffff, v2  }
0x327: {  	v4 =	vld [tilespmem:s28+$0xFFFFFFC0]  }
0x328: {  	v6 =	vld [tilespmem:s29+$0xFFFFFFC0];
	v3 =	vadd.s32 v1, v3  }
0x329: {  	[tilespmem:v7+s20+$0x0] =	vst.idx.add.f32.msk $0xffff, v8  }
0x32a: {  	[tilespmem:v7+s21+$0x0] =	vst.idx.add.f32.msk $0xffff, v2  }
0x32b: {  	v7 =	vld [tilespmem:s28+$0xFFFFFFD0]  }
0x32c: {  	v8 =	vld [tilespmem:s29+$0xFFFFFFD0];
	v4 =	vadd.s32 v1, v4  }
0x32d: {  	[tilespmem:v3+s20+$0x0] =	vst.idx.add.f32.msk $0xffff, v5  }
0x32e: {  	[tilespmem:v3+s21+$0x0] =	vst.idx.add.f32.msk $0xffff, v2  }
0x32f: {  	v3 =	vld [tilespmem:s28+$0xFFFFFFE0]  }
0x330: {  	v5 =	vld [tilespmem:s29+$0xFFFFFFE0];
	v7 =	vadd.s32 v1, v7  }
0x331: {  	[tilespmem:v4+s20+$0x0] =	vst.idx.add.f32.msk $0xffff, v6  }
0x332: {  	[tilespmem:v4+s21+$0x0] =	vst.idx.add.f32.msk $0xffff, v2  }
0x333: {  	v4 =	vld [tilespmem:s28+$0xFFFFFFF0]  }
0x334: {  	v6 =	vld [tilespmem:s29+$0xFFFFFFF0];
	v3 =	vadd.s32 v1, v3  }
0x335: {  	[tilespmem:v7+s20+$0x0] =	vst.idx.add.f32.msk $0xffff, v8  }
0x336: {  	[tilespmem:v7+s21+$0x0] =	vst.idx.add.f32.msk $0xffff, v2  }
0x337: {  	v7 =	vld [tilespmem:s28+$0x0]  }
0x338: {  	v8 =	vld [tilespmem:s29+$0x0];
	v4 =	vadd.s32 v1, v4  }
0x339: {  	[tilespmem:v3+s20+$0x0] =	vst.idx.add.f32.msk $0xffff, v5  }
0x33a: {  	[tilespmem:v3+s21+$0x0] =	vst.idx.add.f32.msk $0xffff, v2  }
0x33b: {  	v3 =	vld [tilespmem:s28+$0x10]  }
0x33c: {  	v5 =	vld [tilespmem:s29+$0x10];
	v7 =	vadd.s32 v1, v7  }
0x33d: {  	[tilespmem:v4+s20+$0x0] =	vst.idx.add.f32.msk $0xffff, v6  }
0x33e: {  	[tilespmem:v4+s21+$0x0] =	vst.idx.add.f32.msk $0xffff, v2  }
0x33f: {  	v4 =	vld [tilespmem:s28+$0x20]  }
0x340: {  	v6 =	vld [tilespmem:s29+$0x20];
	v3 =	vadd.s32 v1, v3  }
0x341: {  	[tilespmem:v7+s20+$0x0] =	vst.idx.add.f32.msk $0xffff, v8  }
0x342: {  	[tilespmem:v7+s21+$0x0] =	vst.idx.add.f32.msk $0xffff, v2  }
0x343: {  	v7 =	vld [tilespmem:s31+$0x7780]  }
0x344: {  	v8 =	vld [tilespmem:s31+$0x2880];
	v4 =	vadd.s32 v1, v4  }
0x345: {  	[tilespmem:v3+s20+$0x0] =	vst.idx.add.f32.msk $0xffff, v5  }
0x346: {  	[tilespmem:v3+s21+$0x0] =	vst.idx.add.f32.msk $0xffff, v2  }
0x347: {  	v3 =	vld [tilespmem:s28+$0x40]  }
0x348: {  	v5 =	vld [tilespmem:s29+$0x40];
	v7 =	vadd.s32 v1, v7  }
0x349: {  	[tilespmem:v4+s20+$0x0] =	vst.idx.add.f32.msk $0xffff, v6  }
0x34a: {  	[tilespmem:v4+s21+$0x0] =	vst.idx.add.f32.msk $0xffff, v2  }
0x34b: {  	v4 =	vld [tilespmem:s28+$0x50]  }
0x34c: {  	v6 =	vld [tilespmem:s29+$0x50];
	v3 =	vadd.s32 v1, v3  }
0x34d: {  	[tilespmem:v7+s20+$0x0] =	vst.idx.add.f32.msk $0xffff, v8  }
0x34e: {  	[tilespmem:v7+s21+$0x0] =	vst.idx.add.f32.msk $0xffff, v2  }
0x34f: {  	v7 =	vld [tilespmem:s28+$0x60]  }
0x350: {  	v8 =	vld [tilespmem:s29+$0x60];
	v4 =	vadd.s32 v1, v4  }
0x351: {  	[tilespmem:v3+s20+$0x0] =	vst.idx.add.f32.msk $0xffff, v5  }
0x352: {  	[tilespmem:v3+s21+$0x0] =	vst.idx.add.f32.msk $0xffff, v2  }
0x353: {  	v3 =	vld [tilespmem:s28+$0x70]  }
0x354: {  	v5 =	vld [tilespmem:s29+$0x70];
	v7 =	vadd.s32 v1, v7  }
0x355: {  	[tilespmem:v4+s20+$0x0] =	vst.idx.add.f32.msk $0xffff, v6  }
0x356: {  	[tilespmem:v4+s21+$0x0] =	vst.idx.add.f32.msk $0xffff, v2  }
0x357: {  	v4 =	vld [tilespmem:s28+$0x80]  }
0x358: {  	v6 =	vld [tilespmem:s29+$0x80];
	v3 =	vadd.s32 v1, v3  }
0x359: {  	[tilespmem:v7+s20+$0x0] =	vst.idx.add.f32.msk $0xffff, v8  }
0x35a: {  	[tilespmem:v7+s21+$0x0] =	vst.idx.add.f32.msk $0xffff, v2  }
0x35b: {  	v7 =	vld [tilespmem:s28+$0x90]  }
0x35c: {  	v8 =	vld [tilespmem:s29+$0x90];
	v4 =	vadd.s32 v1, v4  }
0x35d: {  	[tilespmem:v3+s20+$0x0] =	vst.idx.add.f32.msk $0xffff, v5  }
0x35e: {  	[tilespmem:v3+s21+$0x0] =	vst.idx.add.f32.msk $0xffff, v2  }
0x35f: {  	v5 =	vld [tilespmem:s28+$0xA0]  }
0x360: {  	v9 =	vld [tilespmem:s29+$0xA0];
	v7 =	vadd.s32 v1, v7  }
0x361: {  	[tilespmem:v4+s20+$0x0] =	vst.idx.add.f32.msk $0xffff, v6  }
0x362: {  	[tilespmem:v4+s21+$0x0] =	vst.idx.add.f32.msk $0xffff, v2  }
0x363: {  	v10 =	vld [tilespmem:s31+$0x7800]  }
0x364: {  	v3 =	vld [tilespmem:s31+$0x2900];
	v11 =	vadd.s32 v1, v5  }
0x365: {  	[tilespmem:v7+s20+$0x0] =	vst.idx.add.f32.msk $0xffff, v8  }
0x366: {  	[tilespmem:v7+s21+$0x0] =	vst.idx.add.f32.msk $0xffff, v2  }
.Ltmp4:
0x367: {  	v6 =	vld [tilespmem:s28+$0xC0];
	(pc) =	sbr.rel @p0 .LBB2_10-.Ltmp4, $4  }
0x368: {  	v4 =	vld [tilespmem:s29+$0xC0];
	v5 =	vadd.s32 v1, v10  }
0x369: {  	[tilespmem:v11+s20+$0x0] =	vst.idx.add.f32.msk $0xffff, v9  }
0x36a: {  	[tilespmem:v11+s21+$0x0] =	vst.idx.add.f32.msk $0xffff, v2  }
0x36b: {  	v7 =	vld [tilespmem:s28+$0xD0]  }
0x36c: {  	_ =	sdelay $0x3  }
0x36d: {  	[tilespmem:v5+s20+$0x0] =	vst.idx.add.f32.msk $0xffff, v3  }
0x36e: {  	[tilespmem:v5+s21+$0x0] =	vst.idx.add.f32.msk $0xffff, v2  }
0x36f: {  	_ =	swait.ge [sflag:s17], $0x2710  }
0x370: {  	[sflag:s17] =	ssyncset.done $0x0  }
0x371: {  	[sflag:s17] =	ssyncadd.s32 $0xFFFFD8F0  }
0x372: {  	_ =	swait.ge [sflag:s17], $0x2710  }
0x373: {  	[sflag:s17] =	ssyncset.done $0x0  }
0x374: {  	[sflag:s17] =	ssyncadd.s32 $0xFFFFD8F0  }
0x375: {  	v3 =	vld [tilespmem:$0x4F00];
	_ =	sdelay $0x3  }
0x376: {  	v4 =	vld [tilespmem:$0x4F10]  }
0x377: {  	v5 =	vld [tilespmem:$0x0];
	v3 =	vadd.s32 v1, v3;
	_ =	sdelay $0x1  }
0x378: {  	s28 =	simm.s32 $0x4FD0;
	v6 =	vld [tilespmem:$0x10]  }
0x379: {  	s29 =	simm.s32 $0xD0;
	v7 =	vld [tilespmem:s28+$0xFFFFFF50]  }
0x37a: {  	v8 =	vld [tilespmem:s29+$0xFFFFFF50];
	v4 =	vadd.s32 v1, v4  }
0x37b: {  	[tilespmem:v3+s20+$0x0] =	vst.idx.add.f32.msk $0xffff, v5  }
0x37c: {  	[tilespmem:v3+s21+$0x0] =	vst.idx.add.f32.msk $0xffff, v2  }
0x37d: {  	v3 =	vld [tilespmem:s28+$0xFFFFFF60]  }
0x37e: {  	v7 =	vadd.s32 v1, v7;
	v5 =	vld [tilespmem:s29+$0xFFFFFF60]  }
0x37f: {  	[tilespmem:v4+s20+$0x0] =	vst.idx.add.f32.msk $0xffff, v6  }
0x380: {  	[tilespmem:v4+s21+$0x0] =	vst.idx.add.f32.msk $0xffff, v2  }
0x381: {  	v4 =	vld [tilespmem:s28+$0xFFFFFF70]  }
0x382: {  	v6 =	vld [tilespmem:s29+$0xFFFFFF70];
	v3 =	vadd.s32 v1, v3  }
0x383: {  	[tilespmem:v7+s20+$0x0] =	vst.idx.add.f32.msk $0xffff, v8  }
0x384: {  	[tilespmem:v7+s21+$0x0] =	vst.idx.add.f32.msk $0xffff, v2  }
0x385: {  	v7 =	vld [tilespmem:s28+$0xFFFFFF80]  }
0x386: {  	v8 =	vld [tilespmem:s29+$0xFFFFFF80];
	v4 =	vadd.s32 v1, v4  }
0x387: {  	[tilespmem:v3+s20+$0x0] =	vst.idx.add.f32.msk $0xffff, v5  }
0x388: {  	[tilespmem:v3+s21+$0x0] =	vst.idx.add.f32.msk $0xffff, v2  }
0x389: {  	v3 =	vld [tilespmem:s28+$0xFFFFFF90]  }
0x38a: {  	v7 =	vadd.s32 v1, v7;
	v5 =	vld [tilespmem:s29+$0xFFFFFF90]  }
0x38b: {  	[tilespmem:v4+s20+$0x0] =	vst.idx.add.f32.msk $0xffff, v6  }
0x38c: {  	[tilespmem:v4+s21+$0x0] =	vst.idx.add.f32.msk $0xffff, v2  }
0x38d: {  	v4 =	vld [tilespmem:s28+$0xFFFFFFA0]  }
0x38e: {  	v6 =	vld [tilespmem:s29+$0xFFFFFFA0];
	v3 =	vadd.s32 v1, v3  }
0x38f: {  	s30 =	simm.s32 $0x0;
	[tilespmem:v7+s20+$0x0] =	vst.idx.add.f32.msk $0xffff, v8  }
0x390: {  	s30 =	sand.u32 $0x3FF0, s30;
	[tilespmem:v7+s21+$0x0] =	vst.idx.add.f32.msk $0xffff, v2  }
0x391: {  	v7 =	vld [tilespmem:s30+$0x4F80]  }
0x392: {  	v8 =	vld [tilespmem:s30+$0x80];
	v4 =	vadd.s32 v1, v4  }
0x393: {  	[tilespmem:v3+s20+$0x0] =	vst.idx.add.f32.msk $0xffff, v5  }
0x394: {  	[tilespmem:v3+s21+$0x0] =	vst.idx.add.f32.msk $0xffff, v2  }
0x395: {  	v3 =	vld [tilespmem:s28+$0xFFFFFFC0]  }
0x396: {  	v7 =	vadd.s32 v1, v7;
	v5 =	vld [tilespmem:s29+$0xFFFFFFC0]  }
0x397: {  	[tilespmem:v4+s20+$0x0] =	vst.idx.add.f32.msk $0xffff, v6  }
0x398: {  	[tilespmem:v4+s21+$0x0] =	vst.idx.add.f32.msk $0xffff, v2  }
0x399: {  	v4 =	vld [tilespmem:s28+$0xFFFFFFD0]  }
0x39a: {  	v6 =	vld [tilespmem:s29+$0xFFFFFFD0];
	v3 =	vadd.s32 v1, v3  }
0x39b: {  	[tilespmem:v7+s20+$0x0] =	vst.idx.add.f32.msk $0xffff, v8  }
0x39c: {  	[tilespmem:v7+s21+$0x0] =	vst.idx.add.f32.msk $0xffff, v2  }
0x39d: {  	v7 =	vld [tilespmem:s28+$0xFFFFFFE0]  }
0x39e: {  	v8 =	vld [tilespmem:s29+$0xFFFFFFE0];
	v4 =	vadd.s32 v1, v4  }
0x39f: {  	[tilespmem:v3+s20+$0x0] =	vst.idx.add.f32.msk $0xffff, v5  }
0x3a0: {  	[tilespmem:v3+s21+$0x0] =	vst.idx.add.f32.msk $0xffff, v2  }
0x3a1: {  	v3 =	vld [tilespmem:s28+$0xFFFFFFF0]  }
0x3a2: {  	v7 =	vadd.s32 v1, v7;
	v5 =	vld [tilespmem:s29+$0xFFFFFFF0]  }
0x3a3: {  	[tilespmem:v4+s20+$0x0] =	vst.idx.add.f32.msk $0xffff, v6  }
0x3a4: {  	[tilespmem:v4+s21+$0x0] =	vst.idx.add.f32.msk $0xffff, v2  }
0x3a5: {  	v4 =	vld [tilespmem:s28+$0x0]  }
0x3a6: {  	v6 =	vld [tilespmem:s29+$0x0];
	v3 =	vadd.s32 v1, v3  }
0x3a7: {  	[tilespmem:v7+s20+$0x0] =	vst.idx.add.f32.msk $0xffff, v8  }
0x3a8: {  	[tilespmem:v7+s21+$0x0] =	vst.idx.add.f32.msk $0xffff, v2  }
0x3a9: {  	v7 =	vld [tilespmem:s28+$0x10]  }
0x3aa: {  	v8 =	vld [tilespmem:s29+$0x10];
	v4 =	vadd.s32 v1, v4  }
0x3ab: {  	[tilespmem:v3+s20+$0x0] =	vst.idx.add.f32.msk $0xffff, v5  }
0x3ac: {  	[tilespmem:v3+s21+$0x0] =	vst.idx.add.f32.msk $0xffff, v2  }
0x3ad: {  	v3 =	vld [tilespmem:s28+$0x20]  }
0x3ae: {  	v7 =	vadd.s32 v1, v7;
	v5 =	vld [tilespmem:s29+$0x20]  }
0x3af: {  	[tilespmem:v4+s20+$0x0] =	vst.idx.add.f32.msk $0xffff, v6  }
0x3b0: {  	[tilespmem:v4+s21+$0x0] =	vst.idx.add.f32.msk $0xffff, v2  }
0x3b1: {  	v4 =	vld [tilespmem:s30+$0x5000]  }
0x3b2: {  	v6 =	vld [tilespmem:s30+$0x100];
	v3 =	vadd.s32 v1, v3  }
0x3b3: {  	[tilespmem:v7+s20+$0x0] =	vst.idx.add.f32.msk $0xffff, v8  }
0x3b4: {  	[tilespmem:v7+s21+$0x0] =	vst.idx.add.f32.msk $0xffff, v2  }
0x3b5: {  	v7 =	vld [tilespmem:s28+$0x40]  }
0x3b6: {  	v8 =	vld [tilespmem:s29+$0x40];
	v4 =	vadd.s32 v1, v4  }
0x3b7: {  	[tilespmem:v3+s20+$0x0] =	vst.idx.add.f32.msk $0xffff, v5  }
0x3b8: {  	[tilespmem:v3+s21+$0x0] =	vst.idx.add.f32.msk $0xffff, v2  }
0x3b9: {  	v3 =	vld [tilespmem:s28+$0x50]  }
0x3ba: {  	v7 =	vadd.s32 v1, v7;
	v5 =	vld [tilespmem:s29+$0x50]  }
0x3bb: {  	[tilespmem:v4+s20+$0x0] =	vst.idx.add.f32.msk $0xffff, v6  }
0x3bc: {  	[tilespmem:v4+s21+$0x0] =	vst.idx.add.f32.msk $0xffff, v2  }
0x3bd: {  	v4 =	vld [tilespmem:s28+$0x60]  }
0x3be: {  	v6 =	vld [tilespmem:s29+$0x60];
	v3 =	vadd.s32 v1, v3  }
0x3bf: {  	[tilespmem:v7+s20+$0x0] =	vst.idx.add.f32.msk $0xffff, v8  }
0x3c0: {  	[tilespmem:v7+s21+$0x0] =	vst.idx.add.f32.msk $0xffff, v2  }
0x3c1: {  	v7 =	vld [tilespmem:s28+$0x70]  }
0x3c2: {  	v8 =	vld [tilespmem:s29+$0x70];
	v4 =	vadd.s32 v1, v4  }
0x3c3: {  	[tilespmem:v3+s20+$0x0] =	vst.idx.add.f32.msk $0xffff, v5  }
0x3c4: {  	[tilespmem:v3+s21+$0x0] =	vst.idx.add.f32.msk $0xffff, v2  }
0x3c5: {  	v3 =	vld [tilespmem:s28+$0x80]  }
0x3c6: {  	v7 =	vadd.s32 v1, v7;
	v5 =	vld [tilespmem:s29+$0x80]  }
0x3c7: {  	[tilespmem:v4+s20+$0x0] =	vst.idx.add.f32.msk $0xffff, v6  }
0x3c8: {  	[tilespmem:v4+s21+$0x0] =	vst.idx.add.f32.msk $0xffff, v2  }
0x3c9: {  	v4 =	vld [tilespmem:s28+$0x90]  }
0x3ca: {  	v6 =	vld [tilespmem:s29+$0x90];
	v3 =	vadd.s32 v1, v3  }
0x3cb: {  	[tilespmem:v7+s20+$0x0] =	vst.idx.add.f32.msk $0xffff, v8  }
0x3cc: {  	[tilespmem:v7+s21+$0x0] =	vst.idx.add.f32.msk $0xffff, v2  }
0x3cd: {  	v7 =	vld [tilespmem:s28+$0xA0]  }
0x3ce: {  	v8 =	vld [tilespmem:s29+$0xA0];
	v4 =	vadd.s32 v1, v4  }
0x3cf: {  	[tilespmem:v3+s20+$0x0] =	vst.idx.add.f32.msk $0xffff, v5  }
0x3d0: {  	[tilespmem:v3+s21+$0x0] =	vst.idx.add.f32.msk $0xffff, v2  }
0x3d1: {  	v5 =	vld [tilespmem:s30+$0x5080]  }
0x3d2: {  	v7 =	vadd.s32 v1, v7;
	v3 =	vld [tilespmem:s30+$0x180]  }
0x3d3: {  	[tilespmem:v4+s20+$0x0] =	vst.idx.add.f32.msk $0xffff, v6  }
0x3d4: {  	[tilespmem:v4+s21+$0x0] =	vst.idx.add.f32.msk $0xffff, v2  }
0x3d5: {  	v6 =	vld [tilespmem:s28+$0xC0]  }
0x3d6: {  	v4 =	vld [tilespmem:s29+$0xC0];
	v5 =	vadd.s32 v1, v5  }
0x3d7: {  	[tilespmem:v7+s20+$0x0] =	vst.idx.add.f32.msk $0xffff, v8  }
0x3d8: {  	[tilespmem:v7+s21+$0x0] =	vst.idx.add.f32.msk $0xffff, v2  }
0x3d9: {  	s30 =	simm.s32 $0x190;
	v7 =	vld [tilespmem:s28+$0xD0]  }
.LBB2_12:
0x3da: {  	v6 =	vadd.s32 v1, v6;
	p0 =	sne.s32 s30, $0x2580;
	v8 =	vld [tilespmem:s29+$0xD0];
	s31 =	smov.u32 s30;
	s30 =	sadd.s32 $0x190, s30  }
0x3db: {  	[tilespmem:v5+s20+$0x0] =	vst.idx.add.f32.msk $0xffff, v3  }
0x3dc: {  	s28 =	sadd.s32 $0x190, s28;
	[tilespmem:v5+s21+$0x0] =	vst.idx.add.f32.msk $0xffff, v2  }
0x3dd: {  	s29 =	sadd.s32 $0x190, s29;
	v3 =	vld [tilespmem:s28+$0xFFFFFF50]  }
0x3de: {  	v5 =	vld [tilespmem:s29+$0xFFFFFF50];
	v7 =	vadd.s32 v1, v7  }
0x3df: {  	[tilespmem:v6+s20+$0x0] =	vst.idx.add.f32.msk $0xffff, v4  }
0x3e0: {  	[tilespmem:v6+s21+$0x0] =	vst.idx.add.f32.msk $0xffff, v2  }
0x3e1: {  	v4 =	vld [tilespmem:s28+$0xFFFFFF60]  }
0x3e2: {  	v6 =	vld [tilespmem:s29+$0xFFFFFF60];
	v3 =	vadd.s32 v1, v3  }
0x3e3: {  	[tilespmem:v7+s20+$0x0] =	vst.idx.add.f32.msk $0xffff, v8  }
0x3e4: {  	[tilespmem:v7+s21+$0x0] =	vst.idx.add.f32.msk $0xffff, v2  }
0x3e5: {  	v7 =	vld [tilespmem:s28+$0xFFFFFF70]  }
0x3e6: {  	v8 =	vld [tilespmem:s29+$0xFFFFFF70];
	v4 =	vadd.s32 v1, v4  }
0x3e7: {  	[tilespmem:v3+s20+$0x0] =	vst.idx.add.f32.msk $0xffff, v5  }
0x3e8: {  	[tilespmem:v3+s21+$0x0] =	vst.idx.add.f32.msk $0xffff, v2  }
0x3e9: {  	v3 =	vld [tilespmem:s28+$0xFFFFFF80]  }
0x3ea: {  	v5 =	vld [tilespmem:s29+$0xFFFFFF80];
	v7 =	vadd.s32 v1, v7  }
0x3eb: {  	[tilespmem:v4+s20+$0x0] =	vst.idx.add.f32.msk $0xffff, v6  }
0x3ec: {  	[tilespmem:v4+s21+$0x0] =	vst.idx.add.f32.msk $0xffff, v2  }
0x3ed: {  	v4 =	vld [tilespmem:s28+$0xFFFFFF90]  }
0x3ee: {  	v6 =	vld [tilespmem:s29+$0xFFFFFF90];
	v3 =	vadd.s32 v1, v3  }
0x3ef: {  	[tilespmem:v7+s20+$0x0] =	vst.idx.add.f32.msk $0xffff, v8  }
0x3f0: {  	[tilespmem:v7+s21+$0x0] =	vst.idx.add.f32.msk $0xffff, v2  }
0x3f1: {  	v7 =	vld [tilespmem:s28+$0xFFFFFFA0]  }
0x3f2: {  	v8 =	vld [tilespmem:s29+$0xFFFFFFA0];
	v4 =	vadd.s32 v1, v4  }
0x3f3: {  	[tilespmem:v3+s20+$0x0] =	vst.idx.add.f32.msk $0xffff, v5  }
0x3f4: {  	s31 =	sand.u32 $0x3FF0, s31;
	[tilespmem:v3+s21+$0x0] =	vst.idx.add.f32.msk $0xffff, v2  }
0x3f5: {  	v3 =	vld [tilespmem:s31+$0x4F80]  }
0x3f6: {  	v5 =	vld [tilespmem:s31+$0x80];
	v7 =	vadd.s32 v1, v7  }
0x3f7: {  	[tilespmem:v4+s20+$0x0] =	vst.idx.add.f32.msk $0xffff, v6  }
0x3f8: {  	[tilespmem:v4+s21+$0x0] =	vst.idx.add.f32.msk $0xffff, v2  }
0x3f9: {  	v4 =	vld [tilespmem:s28+$0xFFFFFFC0]  }
0x3fa: {  	v6 =	vld [tilespmem:s29+$0xFFFFFFC0];
	v3 =	vadd.s32 v1, v3  }
0x3fb: {  	[tilespmem:v7+s20+$0x0] =	vst.idx.add.f32.msk $0xffff, v8  }
0x3fc: {  	[tilespmem:v7+s21+$0x0] =	vst.idx.add.f32.msk $0xffff, v2  }
0x3fd: {  	v7 =	vld [tilespmem:s28+$0xFFFFFFD0]  }
0x3fe: {  	v8 =	vld [tilespmem:s29+$0xFFFFFFD0];
	v4 =	vadd.s32 v1, v4  }
0x3ff: {  	[tilespmem:v3+s20+$0x0] =	vst.idx.add.f32.msk $0xffff, v5  }
0x400: {  	[tilespmem:v3+s21+$0x0] =	vst.idx.add.f32.msk $0xffff, v2  }
0x401: {  	v3 =	vld [tilespmem:s28+$0xFFFFFFE0]  }
0x402: {  	v5 =	vld [tilespmem:s29+$0xFFFFFFE0];
	v7 =	vadd.s32 v1, v7  }
0x403: {  	[tilespmem:v4+s20+$0x0] =	vst.idx.add.f32.msk $0xffff, v6  }
0x404: {  	[tilespmem:v4+s21+$0x0] =	vst.idx.add.f32.msk $0xffff, v2  }
0x405: {  	v4 =	vld [tilespmem:s28+$0xFFFFFFF0]  }
0x406: {  	v6 =	vld [tilespmem:s29+$0xFFFFFFF0];
	v3 =	vadd.s32 v1, v3  }
0x407: {  	[tilespmem:v7+s20+$0x0] =	vst.idx.add.f32.msk $0xffff, v8  }
0x408: {  	[tilespmem:v7+s21+$0x0] =	vst.idx.add.f32.msk $0xffff, v2  }
0x409: {  	v7 =	vld [tilespmem:s28+$0x0]  }
0x40a: {  	v8 =	vld [tilespmem:s29+$0x0];
	v4 =	vadd.s32 v1, v4  }
0x40b: {  	[tilespmem:v3+s20+$0x0] =	vst.idx.add.f32.msk $0xffff, v5  }
0x40c: {  	[tilespmem:v3+s21+$0x0] =	vst.idx.add.f32.msk $0xffff, v2  }
0x40d: {  	v3 =	vld [tilespmem:s28+$0x10]  }
0x40e: {  	v5 =	vld [tilespmem:s29+$0x10];
	v7 =	vadd.s32 v1, v7  }
0x40f: {  	[tilespmem:v4+s20+$0x0] =	vst.idx.add.f32.msk $0xffff, v6  }
0x410: {  	[tilespmem:v4+s21+$0x0] =	vst.idx.add.f32.msk $0xffff, v2  }
0x411: {  	v4 =	vld [tilespmem:s28+$0x20]  }
0x412: {  	v6 =	vld [tilespmem:s29+$0x20];
	v3 =	vadd.s32 v1, v3  }
0x413: {  	[tilespmem:v7+s20+$0x0] =	vst.idx.add.f32.msk $0xffff, v8  }
0x414: {  	[tilespmem:v7+s21+$0x0] =	vst.idx.add.f32.msk $0xffff, v2  }
0x415: {  	v7 =	vld [tilespmem:s31+$0x5000]  }
0x416: {  	v8 =	vld [tilespmem:s31+$0x100];
	v4 =	vadd.s32 v1, v4  }
0x417: {  	[tilespmem:v3+s20+$0x0] =	vst.idx.add.f32.msk $0xffff, v5  }
0x418: {  	[tilespmem:v3+s21+$0x0] =	vst.idx.add.f32.msk $0xffff, v2  }
0x419: {  	v3 =	vld [tilespmem:s28+$0x40]  }
0x41a: {  	v5 =	vld [tilespmem:s29+$0x40];
	v7 =	vadd.s32 v1, v7  }
0x41b: {  	[tilespmem:v4+s20+$0x0] =	vst.idx.add.f32.msk $0xffff, v6  }
0x41c: {  	[tilespmem:v4+s21+$0x0] =	vst.idx.add.f32.msk $0xffff, v2  }
0x41d: {  	v4 =	vld [tilespmem:s28+$0x50]  }
0x41e: {  	v6 =	vld [tilespmem:s29+$0x50];
	v3 =	vadd.s32 v1, v3  }
0x41f: {  	[tilespmem:v7+s20+$0x0] =	vst.idx.add.f32.msk $0xffff, v8  }
0x420: {  	[tilespmem:v7+s21+$0x0] =	vst.idx.add.f32.msk $0xffff, v2  }
0x421: {  	v7 =	vld [tilespmem:s28+$0x60]  }
0x422: {  	v8 =	vld [tilespmem:s29+$0x60];
	v4 =	vadd.s32 v1, v4  }
0x423: {  	[tilespmem:v3+s20+$0x0] =	vst.idx.add.f32.msk $0xffff, v5  }
0x424: {  	[tilespmem:v3+s21+$0x0] =	vst.idx.add.f32.msk $0xffff, v2  }
0x425: {  	v3 =	vld [tilespmem:s28+$0x70]  }
0x426: {  	v5 =	vld [tilespmem:s29+$0x70];
	v7 =	vadd.s32 v1, v7  }
0x427: {  	[tilespmem:v4+s20+$0x0] =	vst.idx.add.f32.msk $0xffff, v6  }
0x428: {  	[tilespmem:v4+s21+$0x0] =	vst.idx.add.f32.msk $0xffff, v2  }
0x429: {  	v4 =	vld [tilespmem:s28+$0x80]  }
0x42a: {  	v6 =	vld [tilespmem:s29+$0x80];
	v3 =	vadd.s32 v1, v3  }
0x42b: {  	[tilespmem:v7+s20+$0x0] =	vst.idx.add.f32.msk $0xffff, v8  }
0x42c: {  	[tilespmem:v7+s21+$0x0] =	vst.idx.add.f32.msk $0xffff, v2  }
0x42d: {  	v7 =	vld [tilespmem:s28+$0x90]  }
0x42e: {  	v8 =	vld [tilespmem:s29+$0x90];
	v4 =	vadd.s32 v1, v4  }
0x42f: {  	[tilespmem:v3+s20+$0x0] =	vst.idx.add.f32.msk $0xffff, v5  }
0x430: {  	[tilespmem:v3+s21+$0x0] =	vst.idx.add.f32.msk $0xffff, v2  }
0x431: {  	v5 =	vld [tilespmem:s28+$0xA0]  }
0x432: {  	v9 =	vld [tilespmem:s29+$0xA0];
	v7 =	vadd.s32 v1, v7  }
0x433: {  	[tilespmem:v4+s20+$0x0] =	vst.idx.add.f32.msk $0xffff, v6  }
0x434: {  	[tilespmem:v4+s21+$0x0] =	vst.idx.add.f32.msk $0xffff, v2  }
0x435: {  	v10 =	vld [tilespmem:s31+$0x5080]  }
0x436: {  	v3 =	vld [tilespmem:s31+$0x180];
	v11 =	vadd.s32 v1, v5  }
0x437: {  	[tilespmem:v7+s20+$0x0] =	vst.idx.add.f32.msk $0xffff, v8  }
0x438: {  	[tilespmem:v7+s21+$0x0] =	vst.idx.add.f32.msk $0xffff, v2  }
.Ltmp5:
0x439: {  	v6 =	vld [tilespmem:s28+$0xC0];
	(pc) =	sbr.rel @p0 .LBB2_12-.Ltmp5, $4  }
0x43a: {  	v4 =	vld [tilespmem:s29+$0xC0];
	v5 =	vadd.s32 v1, v10  }
0x43b: {  	[tilespmem:v11+s20+$0x0] =	vst.idx.add.f32.msk $0xffff, v9  }
0x43c: {  	[tilespmem:v11+s21+$0x0] =	vst.idx.add.f32.msk $0xffff, v2  }
0x43d: {  	v7 =	vld [tilespmem:s28+$0xD0]  }
0x43e: {  	_ =	sdelay $0x3  }
0x43f: {  	[tilespmem:v5+s20+$0x0] =	vst.idx.add.f32.msk $0xffff, v3  }
0x440: {  	s28 =	simm.s32 $0x0;
	[tilespmem:v5+s21+$0x0] =	vst.idx.add.f32.msk $0xffff, v2  }
0x441: {  	v3 =	vld [tilespmem:s28+$0xA600]  }
0x442: {  	v4 =	vld [tilespmem:s28+$0xAE00]  }
0x443: {  	v13 =	vld [tilespmem:s28+$0xB600]  }
0x444: {  	v15 =	vld [tilespmem:s28+$0xBE00]  }
0x445: {  	v17 =	vld [tilespmem:s28+$0xC600]  }
0x446: {  	v18 =	vld [tilespmem:s28+$0xCE00]  }
0x447: {  	v19 =	vld [tilespmem:s28+$0xD600]  }
0x448: {  	v21 =	vld [tilespmem:s28+$0xDE00]  }
0x449: {  	v22 =	vld [tilespmem:s28+$0xE600]  }
0x44a: {  	v24 =	vld [tilespmem:s28+$0xEE00]  }
0x44b: {  	v25 =	vld [tilespmem:s28+$0xF600]  }
0x44c: {  	v26 =	vld [tilespmem:s28+$0xFE00]  }
0x44d: {  	v27 =	vld [tilespmem:s28+$0x10600]  }
0x44e: {  	v28 =	vld [tilespmem:s28+$0x10E00]  }
0x44f: {  	v29 =	vld [tilespmem:s28+$0x11600]  }
0x450: {  	v30 =	vld [tilespmem:s28+$0x12E00]  }
0x451: {  	v31 =	vld [tilespmem:s28+$0x13600]  }
0x452: {  	v5 =	vld [tilespmem:s28+$0x13E00]  }
0x453: {  	v6 =	vld [tilespmem:s28+$0x14600]  }
0x454: {  	v7 =	vld [tilespmem:s28+$0x14E00]  }
0x455: {  	v9 =	vld [tilespmem:s28+$0x15600]  }
0x456: {  	v8 =	vld [tilespmem:s28+$0x15E00]  }
0x457: {  	v10 =	vld [tilespmem:s28+$0x16600]  }
0x458: {  	v11 =	vld [tilespmem:s28+$0x16E00]  }
0x459: {  	v14 =	vld [tilespmem:s28+$0x17600]  }
0x45a: {  	v12 =	vld [tilespmem:s28+$0x17E00]  }
0x45b: {  	v16 =	vld [tilespmem:s28+$0x18600]  }
0x45c: {  	v20 =	vld [tilespmem:s28+$0x18E00];
	v4 =	vadd.f32 v13, v4;
	v15 =	vadd.f32 v17, v15  }
0x45d: {  	v23 =	vld [tilespmem:s28+$0x19600];
	v18 =	vadd.f32 v19, v18;
	v19 =	vadd.f32 v22, v21  }
0x45e: {  	v22 =	vadd.f32 v25, v24;
	v21 =	vadd.f32 v27, v26;
	v17 =	vld [tilespmem:s28+$0x12600]  }
0x45f: {  	s29 =	simm.s32 $0x40;
	v24 =	vld [tilespmem:s28+$0x9E00];
	v25 =	vadd.f32 v29, v28;
	v13 =	vadd.f32 v31, v30  }
.LBB2_14:
0x460: {  	s30 =	sshra.s32 s29, $0x2;
	p0 =	sne.s32 s29, $0x1FC0;
	v26 =	vld [tilespmem:s28+$0x11E00];
	v5 =	vadd.f32 v6, v5;
	v6 =	vadd.f32 v9, v7  }
0x461: {  	v8 =	vadd.f32 v10, v8;
	v9 =	vadd.f32 v14, v11;
	v7 =	vld [tilespmem:s30+$0xA600]  }
0x462: {  	v10 =	vadd.f32 v16, v12;
	v27 =	vld [tilespmem:s30+$0xAE00];
	v11 =	vadd.f32 v23, v20  }
0x463: {  	v12 =	vadd.f32 v18, v15;
	v14 =	vadd.f32 v22, v19;
	v20 =	vld [tilespmem:s30+$0xB600]  }
0x464: {  	v16 =	vadd.f32 v25, v21;
	v15 =	vld [tilespmem:s30+$0xBE00];
	v22 =	vadd.f32 v3, v24  }
0x465: {  	v5 =	vadd.f32 v6, v5;
	v18 =	vld [tilespmem:s30+$0xC600];
	v17 =	vadd.f32 v17, v26  }
0x466: {  	v6 =	vadd.f32 v9, v8;
	v19 =	vld [tilespmem:s30+$0xCE00];
	v4 =	vadd.f32 v4, v22;
	v3 =	vmov v7  }
0x467: {  	v8 =	vadd.f32 v11, v10;
	v21 =	vld [tilespmem:s30+$0xD600];
	v7 =	vadd.f32 v13, v17  }
0x468: {  	v9 =	vadd.f32 v16, v14;
	v13 =	vld [tilespmem:s30+$0xDE00];
	v4 =	vadd.f32 v12, v4  }
0x469: {  	v6 =	vadd.f32 v8, v6;
	v17 =	vld [tilespmem:s30+$0xE600];
	v5 =	vadd.f32 v5, v7  }
0x46a: {  	v22 =	vld [tilespmem:s30+$0xEE00];
	v4 =	vadd.f32 v9, v4  }
0x46b: {  	v24 =	vld [tilespmem:s30+$0xF600];
	v5 =	vadd.f32 v6, v5  }
0x46c: {  	v25 =	vld [tilespmem:s30+$0xFE00];
	[tilespmem:s28+$0x9E00] =	vst v4  }
0x46d: {  	v26 =	vld [tilespmem:s30+$0x10600];
	[tilespmem:s28+$0x11E00] =	vst v5;
	s28 =	smov.u32 s30  }
0x46e: {  	v28 =	vld [tilespmem:s28+$0x10E00]  }
0x46f: {  	v29 =	vld [tilespmem:s28+$0x11600]  }
0x470: {  	v30 =	vld [tilespmem:s28+$0x12E00]  }
0x471: {  	v31 =	vld [tilespmem:s28+$0x13600]  }
0x472: {  	v5 =	vld [tilespmem:s28+$0x13E00]  }
0x473: {  	v6 =	vld [tilespmem:s28+$0x14600]  }
0x474: {  	v7 =	vld [tilespmem:s28+$0x14E00]  }
0x475: {  	v9 =	vld [tilespmem:s28+$0x15600]  }
0x476: {  	v8 =	vld [tilespmem:s28+$0x15E00]  }
0x477: {  	v10 =	vld [tilespmem:s28+$0x16600]  }
0x478: {  	v11 =	vld [tilespmem:s28+$0x16E00]  }
0x479: {  	v14 =	vld [tilespmem:s28+$0x17600]  }
0x47a: {  	v12 =	vld [tilespmem:s28+$0x17E00]  }
.Ltmp6:
0x47b: {  	v16 =	vld [tilespmem:s28+$0x18600];
	(pc) =	sbr.rel @p0 .LBB2_14-.Ltmp6, $4  }
0x47c: {  	v15 =	vadd.f32 v18, v15;
	v4 =	vadd.f32 v20, v27;
	v20 =	vld [tilespmem:s28+$0x18E00]  }
0x47d: {  	v18 =	vadd.f32 v21, v19;
	v19 =	vadd.f32 v17, v13;
	v23 =	vld [tilespmem:s28+$0x19600]  }
0x47e: {  	v22 =	vadd.f32 v24, v22;
	v21 =	vadd.f32 v26, v25;
	v17 =	vld [tilespmem:s28+$0x12600]  }
0x47f: {  	s29 =	sadd.s32 $0x40, s29;
	v25 =	vadd.f32 v29, v28;
	v13 =	vadd.f32 v31, v30;
	v24 =	vld [tilespmem:s28+$0x9E00]  }
0x480: {  	v26 =	vld [tilespmem:s28+$0x11E00];
	v5 =	vadd.f32 v6, v5;
	v51 =	vadd.f32 v9, v7  }
0x481: {  	v52 =	vadd.f32 v10, v8;
	v53 =	vadd.f32 v14, v11  }
0x482: {  	v54 =	vadd.f32 v16, v12;
	v56 =	vadd.f32 v18, v15  }
0x483: {  	v57 =	vadd.f32 v22, v19;
	v58 =	vadd.f32 v25, v21  }
0x484: {  	v55 =	vadd.f32 v23, v20;
	v3 =	vadd.f32 v3, v24  }
0x485: {  	v5 =	vadd.f32 v51, v5;
	v59 =	vadd.f32 v17, v26  }
0x486: {  	v60 =	vadd.f32 v53, v52;
	v3 =	vadd.f32 v4, v3  }
0x487: {  	v62 =	vadd.f32 v55, v54;
	v61 =	vadd.f32 v13, v59  }
0x488: {  	v63 =	vadd.f32 v58, v57;
	v3 =	vadd.f32 v56, v3  }
0x489: {  	v4 =	vadd.f32 v62, v60;
	v5 =	vadd.f32 v5, v61  }
0x48a: {  	v3 =	vadd.f32 v63, v3  }
0x48b: {  	v4 =	vadd.f32 v4, v5  }
0x48c: {  	[tilespmem:s28+$0x9E00] =	vst v3  }
0x48d: {  	[tilespmem:s28+$0x11E00] =	vst v4  }
0x48e: {  	[hbm4b:s13+s23] =	stream.strided.scatter [tilespmem:s20], [sflag:$0x3], $0x800, s24, s23, $0x38;
	[tilespmem:$0x19E00] =	vst v63  }
0x48f: {  	s26 =	sadd.s32 $0x1, s26;
	_ =	swait.ge [sflag:s25], $0x800  }
0x490: {  	p0 =	sne.s32 s26, s15;
	[sflag:s25] =	ssyncset.done $0x0  }
.Ltmp7:
0x491: {  	[sflag:s25] =	ssyncadd.s32 $0xFFFFF800;
	(pc) =	sbr.rel @p0 .LBB2_1-.Ltmp7, $4  }
0x492: {  	[hbm4b:s14+s23] =	stream.strided.scatter [tilespmem:s21], [sflag:$0x3], $0x800, s24, s23, $0x38;
	[tilespmem:$0x19E00] =	vst v63  }
0x493: {  	_ =	swait.ge [sflag:s25], $0x800  }
0x494: {  	[sflag:s25] =	ssyncset.done $0x0  }
0x495: {  	[sflag:s25] =	ssyncadd.s32 $0xFFFFF800  }
0x496: {  	_ =	sfence.sel $0x180000  }
0x497: {  	[bflag:$0x0] =	sbarrier.arrive $0xFFFF  }
0x498: {  	p0 =	sne.s32 s1, $0x0;
	_ =	strace $0x90000047  }
0x499: {  	s0 =	sadd.s32 @!p0 $0x100000, s0;
	[bflag:$0x2] =	sbarrier.arrive $0xFFFF  }
0x49a: {  	[sflag:s0] =	ssyncadd.tile.s32 @!p0 $0x1;
	_ =	shalt  }
.Lfunc_end2:
_tile_overlayer_lowered:
.L_overlay_start_2:
0x49b: {  	(tag) =	ssettag $0x2  }
0x49c: {  	s0 =	rddreg [dreg:$0x0];
	s2 =	stileid.u32  }
0x49d: {  	s1 =	rddreg [dreg:$0x1];
	p0 =	sne.s32 s2, $0x0  }
0x49e: {  	s3 =	rddreg [dreg:$0x2];
	[bflag:$0x3] =	sbarrier.arrive $0xFFFF;
	s2 =	simm.s32 @!p0 $0x1C03  }
0x49f: {  	[timem:s3], [sflag:s2] =	dma.local @!p0 [hbm:s0], s1  }
0x4a0: {  	s0 =	simm.s32 @!p0 $0x3  }
0x4a1: {  	_ =	swait.ge @!p0 [sflag:s0], s1  }
0x4a2: {  	s1 =	ssub.s32 @!p0 $0x0, s1;
	[sflag:s0] =	ssyncset.done @!p0 $0x0  }
0x4a3: {  	[sflag:s0] =	ssyncadd.s32 @!p0 s1  }
0x4a4: {  	[bflag:$0x3] =	sbarrier.arrive $0xFFFF  }
0x4a5: {  	_ =	shalt  }

</sc_bundles>
